<compile_context>
chip_gen: v7x
topology: tpu7x:2x2x1
jax: 0.10.2.dev20260603
libtpu: 0.0.44.dev20260713+nightly
codegen_flags: <defaults>
</compile_context>

<pallas_src>
import functools

import jax
import jax.numpy as jnp
from jax import lax
from jax.experimental import pallas as pl
from jax.experimental.pallas import tpu as pltpu
from jax.experimental.pallas import tpu_sc as plsc

N = 10000
E = 320000
D = 128
NC = 2
NS = 16
NW = NC * NS
CHUNK = 96
NCH = 105
EPW = NCH * CHUNK
E_PAD = NW * EPW
CHUNK_D = 128
NCH_D = 79
EPW_D = NCH_D * CHUNK_D
E_PAD_D = NW * EPW_D
NDUMMY = 16
NPAD = 10240
RPT = NPAD // NS
LAST_RPT = N - 15 * RPT
ZR = 64
BR = 1000


def _sc_mesh():
    return plsc.VectorSubcoreMesh(core_axis_name="c", subcore_axis_name="s")


def _sc_degree(dst3d, ones128, zeros128):

    @functools.partial(
        pl.kernel,
        out_type=jax.ShapeDtypeStruct((NC, N, D), jnp.float32),
        mesh=_sc_mesh(),
        scratch_types=[
            pltpu.VMEM((NCH_D, CHUNK_D), jnp.int32),
            pltpu.VMEM((CHUNK_D, D), jnp.float32),
            pltpu.VMEM_SHARED((NPAD, D), jnp.float32),
        ],
    )
    def k(dst_hbm, ones_hbm, z_hbm, out_hbm, dst_v, ones_v, acc):
        cid = lax.axis_index("c")
        sid = lax.axis_index("s")
        wid = sid * NC + cid
        r0 = sid * RPT
        pltpu.sync_copy(z_hbm, ones_v.at[pl.ds(0, ZR)])
        for j in range(RPT // ZR):
            pltpu.sync_copy(ones_v.at[pl.ds(0, ZR)],
                            acc.at[pl.ds(r0 + j * ZR, ZR)])
        pltpu.sync_copy(ones_hbm, ones_v)
        pltpu.sync_copy(dst_hbm.at[wid], dst_v)
        plsc.subcore_barrier()

        def body(i, carry):
            pltpu.sync_copy(ones_v, acc.at[dst_v.at[i]], add=True)
            return carry

        lax.fori_loop(0, NCH_D, body, 0)
        plsc.subcore_barrier()

        @pl.when(sid < NS - 1)
        def _():
            pltpu.sync_copy(acc.at[pl.ds(r0, RPT)],
                            out_hbm.at[cid, pl.ds(r0, RPT)])

        @pl.when(sid == NS - 1)
        def _():
            pltpu.sync_copy(acc.at[pl.ds(r0, LAST_RPT)],
                            out_hbm.at[cid, pl.ds(r0, LAST_RPT)])

    return k(dst3d, ones128, zeros128)


def _sc_spmm(xs, src2d, dst3d, zeros128):

    @functools.partial(
        pl.kernel,
        out_type=jax.ShapeDtypeStruct((NC, N, D), jnp.float32),
        mesh=_sc_mesh(),
        scratch_types=[
            pltpu.VMEM((EPW,), jnp.int32),
            pltpu.VMEM((NCH, CHUNK), jnp.int32),
            pltpu.VMEM((CHUNK, D), jnp.float32),
            pltpu.VMEM((CHUNK, D), jnp.float32),
            pltpu.VMEM_SHARED((NPAD, D), jnp.float32),
            pltpu.SemaphoreType.DMA,
            pltpu.SemaphoreType.DMA,
        ],
    )
    def k(xs_hbm, src_hbm, dst_hbm, z_hbm, out_hbm,
          src_v, dst_v, rows0_v, rows1_v, acc, gsem0, gsem1):
        cid = lax.axis_index("c")
        sid = lax.axis_index("s")
        wid = sid * NC + cid
        r0 = sid * RPT
        pltpu.sync_copy(z_hbm, rows0_v.at[pl.ds(0, ZR)])
        for j in range(RPT // ZR):
            pltpu.sync_copy(rows0_v.at[pl.ds(0, ZR)],
                            acc.at[pl.ds(r0 + j * ZR, ZR)])
        pltpu.sync_copy(src_hbm.at[wid], src_v)
        pltpu.sync_copy(dst_hbm.at[wid], dst_v)
        plsc.subcore_barrier()

        bufs = (rows0_v, rows1_v)
        gsems = (gsem0, gsem1)

        def gather(i, b):
            pltpu.async_copy(
                xs_hbm.at[src_v.at[pl.ds(i * CHUNK, CHUNK)]], bufs[b], gsems[b]
            )

        def gwait(b):
            pltpu.make_async_copy(xs_hbm.at[pl.ds(0, CHUNK)], bufs[b],
                                  gsems[b]).wait()

        gather(0, 0)

        @pl.loop(0, NCH - 1, step=2)
        def _(g):
            for b in range(2):
                i = g + b
                gather(i + 1, 1 - b)
                gwait(b)
                pltpu.sync_copy(bufs[b], acc.at[dst_v.at[i]], add=True)

        gwait((NCH - 1) % 2)
        pltpu.sync_copy(bufs[(NCH - 1) % 2],
                        acc.at[dst_v.at[NCH - 1]], add=True)
        plsc.subcore_barrier()

        @pl.when(sid < NS - 1)
        def _():
            pltpu.sync_copy(acc.at[pl.ds(r0, RPT)],
                            out_hbm.at[cid, pl.ds(r0, RPT)])

        @pl.when(sid == NS - 1)
        def _():
            pltpu.sync_copy(acc.at[pl.ds(r0, LAST_RPT)],
                            out_hbm.at[cid, pl.ds(r0, LAST_RPT)])

    return k(xs, src2d, dst3d, zeros128)


def _tc_norm_scale(deg2, h):

    def body(deg_ref, h_ref, xs_ref, nb_ref):
        d = deg_ref[0, :, 0:1] + deg_ref[1, :, 0:1]
        norm = jnp.where(d > 0.0, lax.rsqrt(jnp.maximum(d, 1.0)), 0.0)
        nb = jnp.broadcast_to(norm, (BR, D))
        nb_ref[...] = nb
        xs_ref[...] = h_ref[...] * nb

    return pl.pallas_call(
        body,
        grid=(N // BR,),
        in_specs=[
            pl.BlockSpec((NC, BR, D), lambda i: (0, i, 0)),
            pl.BlockSpec((BR, D), lambda i: (i, 0)),
        ],
        out_specs=[
            pl.BlockSpec((BR, D), lambda i: (i, 0)),
            pl.BlockSpec((BR, D), lambda i: (i, 0)),
        ],
        out_shape=[
            jax.ShapeDtypeStruct((N, D), jnp.float32),
            jax.ShapeDtypeStruct((N, D), jnp.float32),
        ],
    )(deg2, h)


def _tc_layer(agg2, nb, W, b):

    def body(a_ref, nb_ref, w_ref, b_ref, o_ref):
        nbv = nb_ref[...]
        a = (a_ref[0] + a_ref[1]) * nbv
        z = jnp.dot(a, w_ref[...], preferred_element_type=jnp.float32)
        o_ref[...] = jnp.maximum(z + b_ref[...], 0.0) * nbv

    return pl.pallas_call(
        body,
        grid=(N // BR,),
        in_specs=[
            pl.BlockSpec((NC, BR, D), lambda i: (0, i, 0)),
            pl.BlockSpec((BR, D), lambda i: (i, 0)),
            pl.BlockSpec((D, D), lambda i: (0, 0)),
            pl.BlockSpec((1, D), lambda i: (0, 0)),
        ],
        out_specs=pl.BlockSpec((BR, D), lambda i: (i, 0)),
        out_shape=jax.ShapeDtypeStruct((N, D), jnp.float32),
    )(agg2, nb, W, b)


def _tc_final(agg2, nb, W, b, Wcp, bcp):

    def body(a_ref, nb_ref, w_ref, b_ref, wc_ref, bc_ref, pool_ref, o_ref):
        i = pl.program_id(0)
        a = (a_ref[0] + a_ref[1]) * nb_ref[...]
        z = jnp.dot(a, w_ref[...], preferred_element_type=jnp.float32)
        y = jnp.maximum(z + b_ref[...], 0.0)
        m = jnp.broadcast_to(jnp.max(y, axis=0, keepdims=True), (8, D))

        @pl.when(i == 0)
        def _():
            pool_ref[...] = m

        @pl.when(i > 0)
        def _():
            pool_ref[...] = jnp.maximum(pool_ref[...], m)

        @pl.when(i == pl.num_programs(0) - 1)
        def _():
            pooled = pool_ref[0:1, :]
            logits = jnp.dot(pooled, wc_ref[...],
                             preferred_element_type=jnp.float32) + bc_ref[...]
            o_ref[...] = jnp.broadcast_to(logits, (8, D))

    return pl.pallas_call(
        body,
        grid=(N // BR,),
        in_specs=[
            pl.BlockSpec((NC, BR, D), lambda i: (0, i, 0)),
            pl.BlockSpec((BR, D), lambda i: (i, 0)),
            pl.BlockSpec((D, D), lambda i: (0, 0)),
            pl.BlockSpec((1, D), lambda i: (0, 0)),
            pl.BlockSpec((D, D), lambda i: (0, 0)),
            pl.BlockSpec((1, D), lambda i: (0, 0)),
        ],
        out_specs=[
            pl.BlockSpec((8, D), lambda i: (0, 0)),
            pl.BlockSpec((8, D), lambda i: (0, 0)),
        ],
        out_shape=[
            jax.ShapeDtypeStruct((8, D), jnp.float32),
            jax.ShapeDtypeStruct((8, D), jnp.float32),
        ],
    )(agg2, nb, W, b, Wcp, bcp)


def kernel(h, edge_index, W1, b1, W2, b2, Wc, bc):
    src = edge_index[0]
    dst = edge_index[1]
    pad = E_PAD - E
    lane = jnp.arange(pad, dtype=jnp.int32) % NDUMMY
    src_p = jnp.concatenate([src, lane])
    dst_p = jnp.concatenate([dst, N + lane])
    src2d = src_p.reshape(NW, EPW)
    dst3d = dst_p.reshape(NW, NCH, CHUNK)

    pad_d = E_PAD_D - E
    lane_d = jnp.arange(pad_d, dtype=jnp.int32) % NDUMMY
    dst3d_d = jnp.concatenate([dst, N + lane_d]).reshape(NW, NCH_D, CHUNK_D)

    ones128 = jnp.ones((CHUNK_D, D), jnp.float32)
    zeros128 = jnp.zeros((ZR, D), jnp.float32)

    deg2 = _sc_degree(dst3d_d, ones128, zeros128)
    xs, nb = _tc_norm_scale(deg2, h)
    agg1 = _sc_spmm(xs, src2d, dst3d, zeros128)
    y1s = _tc_layer(agg1, nb, W1, b1.reshape(1, D))
    agg2 = _sc_spmm(y1s, src2d, dst3d, zeros128)

    wcp = jnp.zeros((D, D), jnp.float32).at[:, : Wc.shape[1]].set(Wc)
    bcp = jnp.zeros((1, D), jnp.float32).at[0, : bc.shape[0]].set(bc)
    _, logits = _tc_final(agg2, nb, W2, b2.reshape(1, D), wcp, bcp)
    return logits[0:1, : Wc.shape[1]]

# --- scband reference (transcript-rebuilt; emitter-appended) ---
"""Pipeline reference for scband-sgccclassifier-69999376990331 (READ-ONLY COPY).

The authoritative reference and input builder live on the scoring server;
editing this copy changes nothing except your own understanding.
"""

import jax, jax.numpy as jnp
import numpy as np

N = 10000
E = 320000
D_IN = 128
D_HID = 128
N_CLASSES = 10


def setup_inputs(seed: int = 0) -> dict:
    key = jax.random.key(seed)
    ks = jax.random.split(key, 8)
    h = jax.random.normal(ks[0], (N, D_IN), dtype=jnp.float32)
    edge_index = jax.random.randint(ks[1], (2, E), 0, N, dtype=jnp.int32)
    W1 = jax.random.normal(ks[2], (D_IN, D_HID), dtype=jnp.float32) * 0.05
    b1 = jnp.zeros((D_HID,), dtype=jnp.float32)
    W2 = jax.random.normal(ks[3], (D_HID, D_HID), dtype=jnp.float32) * 0.05
    b2 = jnp.zeros((D_HID,), dtype=jnp.float32)
    Wc = jax.random.normal(ks[4], (D_HID, N_CLASSES), dtype=jnp.float32) * 0.05
    bc = jnp.zeros((N_CLASSES,), dtype=jnp.float32)
    return {"h": h, "edge_index": edge_index, "W1": W1, "b1": b1, "W2": W2, "b2": b2, "Wc": Wc, "bc": bc}


def _sgconv(x, src, dst, W, b):
    # DGL SGConv with k=1, norm='both': x' = (D^{-1/2} A D^{-1/2}) x, then linear.
    deg = jax.ops.segment_sum(jnp.ones((src.shape[0],), dtype=x.dtype), dst, num_segments=N)
    norm = 1.0 / jnp.sqrt(jnp.maximum(deg, 1.0))
    norm = jnp.where(deg > 0, norm, 0.0)
    x = x * norm[:, None]
    msg = jnp.take(x, src, axis=0)
    agg = jax.ops.segment_sum(msg, dst, num_segments=N)
    agg = agg * norm[:, None]
    return agg @ W + b


def reference(h, edge_index, W1, b1, W2, b2, Wc, bc):
    src = edge_index[0]
    dst = edge_index[1]
    x = jax.nn.relu(_sgconv(h, src, dst, W1, b1))
    x = jax.nn.relu(_sgconv(x, src, dst, W2, b2))
    # dgl MaxPooling over a single graph -> [1, hidden_dim]
    pooled = jnp.max(x, axis=0, keepdims=True)
    return pooled @ Wc + bc

if __name__ == "__main__":
    import jax
    _d = setup_inputs()
    print(jax.jit(kernel)(*tuple(_d.values())))

</pallas_src>

<mosaic_0001>
#map = affine_map<(d0, d1) -> (0, 0)>
#map1 = affine_map<(d0, d1) -> (0, 0, 0)>
module attributes {stable_mosaic.version = 14 : i64} {
  func.func @k(%arg0: i32, %arg1: i32, %arg2: memref<10000x128xf32, #tpu.memory_space<hbm>>, %arg3: memref<32x10080xi32, #tpu.memory_space<hbm>>, %arg4: memref<32x105x96xi32, #tpu.memory_space<hbm>>, %arg5: memref<64x128xf32, #tpu.memory_space<hbm>>, %arg6: memref<2x10000x128xf32, #tpu.memory_space<hbm>>, %arg7: memref<10080xi32, #tpu.memory_space<vmem>>, %arg8: memref<105x96xi32, #tpu.memory_space<vmem>>, %arg9: memref<96x128xf32, #tpu.memory_space<vmem>>, %arg10: memref<96x128xf32, #tpu.memory_space<vmem>>, %arg11: memref<10240x128xf32, #tpu.memory_space<vmem_shared>>, %arg12: memref<!tpu.dma_semaphore, #tpu.memory_space<semaphore_mem>>, %arg13: memref<!tpu.dma_semaphore, #tpu.memory_space<semaphore_mem>>) attributes {dimension_semantics = [#tpu.dimension_semantics<core_parallel>, #tpu.dimension_semantics<subcore_parallel>], iteration_bounds = array<i64: 2, 16>, scalar_prefetch = 0 : i64, scratch_operands = 7 : i64, tpu.core_type = #tpu.core_type<sc_vector_subcore>, window_params = [{transform_indices = #map}, {transform_indices = #map}, {transform_indices = #map1}, {transform_indices = #map}, {transform_indices = #map1}]} {
    %mul3A = arith.constant 2 : i32
    %mul3A_0 = arith.muli %arg1, %mul3A : i32
    %add3A = arith.addi %mul3A_0, %arg0 : i32
    %mul3A_1 = arith.constant 640 : i32
    %mul3A_2 = arith.muli %arg1, %mul3A_1 : i32
    "tpu.region"() ({
      %run_scoped3A_43 = tpu.sem_alloc : memref<!tpu.dma_semaphore, #tpu.memory_space<semaphore_mem>>
      %dma_start3A_44 = arith.constant 0 : i32
      %dma_start3A_45 = arith.constant 0 : i32
      %dma_start3A_46 = tpu.memref_slice %arg9[%dma_start3A_44, %dma_start3A_45] : memref<96x128xf32, #tpu.memory_space<vmem>> -> memref<64x128xf32, #tpu.memory_space<vmem>>
      %dma_start3A_47 = arith.constant 0 : i32
      %dma_start3A_48 = arith.constant 0 : i32
      %dma_start3A_49 = tpu.memref_slice %arg9[%dma_start3A_47, %dma_start3A_48] : memref<96x128xf32, #tpu.memory_space<vmem>> -> memref<64x128xf32, #tpu.memory_space<vmem>>
      tpu.enqueue_dma source(%arg5 : memref<64x128xf32, #tpu.memory_space<hbm>>) target(%dma_start3A_49 : memref<64x128xf32, #tpu.memory_space<vmem>>) target_semaphore(%run_scoped3A_43 : memref<!tpu.dma_semaphore, #tpu.memory_space<semaphore_mem>>)
      %dma_wait3A_50 = arith.constant 0 : i32
      %dma_wait3A_51 = arith.constant 0 : i32
      %dma_wait3A_52 = tpu.memref_slice %arg9[%dma_wait3A_50, %dma_wait3A_51] : memref<96x128xf32, #tpu.memory_space<vmem>> -> memref<64x128xf32, #tpu.memory_space<vmem>>
      %dma_wait3A_53 = arith.constant 0 : i32
      %dma_wait3A_54 = arith.constant 0 : i32
      %dma_wait3A_55 = tpu.memref_slice %arg9[%dma_wait3A_53, %dma_wait3A_54] : memref<96x128xf32, #tpu.memory_space<vmem>> -> memref<64x128xf32, #tpu.memory_space<vmem>>
      tpu.wait_dma2 semaphore(%run_scoped3A_43 : memref<!tpu.dma_semaphore, #tpu.memory_space<semaphore_mem>>) src(%arg5 : memref<64x128xf32, #tpu.memory_space<hbm>>) dst(%dma_wait3A_55 : memref<64x128xf32, #tpu.memory_space<vmem>>)
      tpu.yield
    }) : () -> ()
    %add3A_3 = arith.constant 0 : i32
    %add3A_4 = arith.addi %mul3A_2, %add3A_3 : i32
    "tpu.region"() ({
      %run_scoped3A_43 = tpu.sem_alloc : memref<!tpu.dma_semaphore, #tpu.memory_space<semaphore_mem>>
      %dma_start3A_44 = arith.constant 0 : i32
      %dma_start3A_45 = arith.constant 0 : i32
      %dma_start3A_46 = tpu.memref_slice %arg9[%dma_start3A_44, %dma_start3A_45] : memref<96x128xf32, #tpu.memory_space<vmem>> -> memref<64x128xf32, #tpu.memory_space<vmem>>
      %dma_start3A_47 = arith.constant 0 : i32
      %dma_start3A_48 = tpu.memref_slice %arg11[%add3A_4, %dma_start3A_47] : memref<10240x128xf32, #tpu.memory_space<vmem_shared>> -> memref<64x128xf32, #tpu.memory_space<vmem_shared>>
      %dma_start3A_49 = arith.constant 0 : i32
      %dma_start3A_50 = tpu.memref_slice %arg11[%add3A_4, %dma_start3A_49] : memref<10240x128xf32, #tpu.memory_space<vmem_shared>> -> memref<64x128xf32, #tpu.memory_space<vmem_shared>>
      %dma_start3A_51 = arith.constant 0 : i32
      %dma_start3A_52 = arith.constant 0 : i32
      %dma_start3A_53 = tpu.memref_slice %arg9[%dma_start3A_51, %dma_start3A_52] : memref<96x128xf32, #tpu.memory_space<vmem>> -> memref<64x128xf32, #tpu.memory_space<vmem>>
      tpu.enqueue_dma source(%dma_start3A_53 : memref<64x128xf32, #tpu.memory_space<vmem>>) target(%dma_start3A_50 : memref<64x128xf32, #tpu.memory_space<vmem_shared>>) target_semaphore(%run_scoped3A_43 : memref<!tpu.dma_semaphore, #tpu.memory_space<semaphore_mem>>)
      %dma_wait3A_54 = arith.constant 0 : i32
      %dma_wait3A_55 = arith.constant 0 : i32
      %dma_wait3A_56 = tpu.memref_slice %arg9[%dma_wait3A_54, %dma_wait3A_55] : memref<96x128xf32, #tpu.memory_space<vmem>> -> memref<64x128xf32, #tpu.memory_space<vmem>>
      %dma_wait3A_57 = arith.constant 0 : i32
      %dma_wait3A_58 = tpu.memref_slice %arg11[%add3A_4, %dma_wait3A_57] : memref<10240x128xf32, #tpu.memory_space<vmem_shared>> -> memref<64x128xf32, #tpu.memory_space<vmem_shared>>
      %dma_wait3A_59 = arith.constant 0 : i32
      %dma_wait3A_60 = tpu.memref_slice %arg11[%add3A_4, %dma_wait3A_59] : memref<10240x128xf32, #tpu.memory_space<vmem_shared>> -> memref<64x128xf32, #tpu.memory_space<vmem_shared>>
      %dma_wait3A_61 = arith.constant 0 : i32
      %dma_wait3A_62 = arith.constant 0 : i32
      %dma_wait3A_63 = tpu.memref_slice %arg9[%dma_wait3A_61, %dma_wait3A_62] : memref<96x128xf32, #tpu.memory_space<vmem>> -> memref<64x128xf32, #tpu.memory_space<vmem>>
      tpu.wait_dma2 semaphore(%run_scoped3A_43 : memref<!tpu.dma_semaphore, #tpu.memory_space<semaphore_mem>>) src(%dma_wait3A_63 : memref<64x128xf32, #tpu.memory_space<vmem>>) dst(%dma_wait3A_60 : memref<64x128xf32, #tpu.memory_space<vmem_shared>>)
      tpu.yield
    }) : () -> ()
    %add3A_5 = arith.constant 64 : i32
    %add3A_6 = arith.addi %mul3A_2, %add3A_5 : i32
    "tpu.region"() ({
      %run_scoped3A_43 = tpu.sem_alloc : memref<!tpu.dma_semaphore, #tpu.memory_space<semaphore_mem>>
      %dma_start3A_44 = arith.constant 0 : i32
      %dma_start3A_45 = arith.constant 0 : i32
      %dma_start3A_46 = tpu.memref_slice %arg9[%dma_start3A_44, %dma_start3A_45] : memref<96x128xf32, #tpu.memory_space<vmem>> -> memref<64x128xf32, #tpu.memory_space<vmem>>
      %dma_start3A_47 = arith.constant 0 : i32
      %dma_start3A_48 = tpu.memref_slice %arg11[%add3A_6, %dma_start3A_47] : memref<10240x128xf32, #tpu.memory_space<vmem_shared>> -> memref<64x128xf32, #tpu.memory_space<vmem_shared>>
      %dma_start3A_49 = arith.constant 0 : i32
      %dma_start3A_50 = tpu.memref_slice %arg11[%add3A_6, %dma_start3A_49] : memref<10240x128xf32, #tpu.memory_space<vmem_shared>> -> memref<64x128xf32, #tpu.memory_space<vmem_shared>>
      %dma_start3A_51 = arith.constant 0 : i32
      %dma_start3A_52 = arith.constant 0 : i32
      %dma_start3A_53 = tpu.memref_slice %arg9[%dma_start3A_51, %dma_start3A_52] : memref<96x128xf32, #tpu.memory_space<vmem>> -> memref<64x128xf32, #tpu.memory_space<vmem>>
      tpu.enqueue_dma source(%dma_start3A_53 : memref<64x128xf32, #tpu.memory_space<vmem>>) target(%dma_start3A_50 : memref<64x128xf32, #tpu.memory_space<vmem_shared>>) target_semaphore(%run_scoped3A_43 : memref<!tpu.dma_semaphore, #tpu.memory_space<semaphore_mem>>)
      %dma_wait3A_54 = arith.constant 0 : i32
      %dma_wait3A_55 = arith.constant 0 : i32
      %dma_wait3A_56 = tpu.memref_slice %arg9[%dma_wait3A_54, %dma_wait3A_55] : memref<96x128xf32, #tpu.memory_space<vmem>> -> memref<64x128xf32, #tpu.memory_space<vmem>>
      %dma_wait3A_57 = arith.constant 0 : i32
      %dma_wait3A_58 = tpu.memref_slice %arg11[%add3A_6, %dma_wait3A_57] : memref<10240x128xf32, #tpu.memory_space<vmem_shared>> -> memref<64x128xf32, #tpu.memory_space<vmem_shared>>
      %dma_wait3A_59 = arith.constant 0 : i32
      %dma_wait3A_60 = tpu.memref_slice %arg11[%add3A_6, %dma_wait3A_59] : memref<10240x128xf32, #tpu.memory_space<vmem_shared>> -> memref<64x128xf32, #tpu.memory_space<vmem_shared>>
      %dma_wait3A_61 = arith.constant 0 : i32
      %dma_wait3A_62 = arith.constant 0 : i32
      %dma_wait3A_63 = tpu.memref_slice %arg9[%dma_wait3A_61, %dma_wait3A_62] : memref<96x128xf32, #tpu.memory_space<vmem>> -> memref<64x128xf32, #tpu.memory_space<vmem>>
      tpu.wait_dma2 semaphore(%run_scoped3A_43 : memref<!tpu.dma_semaphore, #tpu.memory_space<semaphore_mem>>) src(%dma_wait3A_63 : memref<64x128xf32, #tpu.memory_space<vmem>>) dst(%dma_wait3A_60 : memref<64x128xf32, #tpu.memory_space<vmem_shared>>)
      tpu.yield
    }) : () -> ()
    %add3A_7 = arith.constant 128 : i32
    %add3A_8 = arith.addi %mul3A_2, %add3A_7 : i32
    "tpu.region"() ({
      %run_scoped3A_43 = tpu.sem_alloc : memref<!tpu.dma_semaphore, #tpu.memory_space<semaphore_mem>>
      %dma_start3A_44 = arith.constant 0 : i32
      %dma_start3A_45 = arith.constant 0 : i32
      %dma_start3A_46 = tpu.memref_slice %arg9[%dma_start3A_44, %dma_start3A_45] : memref<96x128xf32, #tpu.memory_space<vmem>> -> memref<64x128xf32, #tpu.memory_space<vmem>>
      %dma_start3A_47 = arith.constant 0 : i32
      %dma_start3A_48 = tpu.memref_slice %arg11[%add3A_8, %dma_start3A_47] : memref<10240x128xf32, #tpu.memory_space<vmem_shared>> -> memref<64x128xf32, #tpu.memory_space<vmem_shared>>
      %dma_start3A_49 = arith.constant 0 : i32
      %dma_start3A_50 = tpu.memref_slice %arg11[%add3A_8, %dma_start3A_49] : memref<10240x128xf32, #tpu.memory_space<vmem_shared>> -> memref<64x128xf32, #tpu.memory_space<vmem_shared>>
      %dma_start3A_51 = arith.constant 0 : i32
      %dma_start3A_52 = arith.constant 0 : i32
      %dma_start3A_53 = tpu.memref_slice %arg9[%dma_start3A_51, %dma_start3A_52] : memref<96x128xf32, #tpu.memory_space<vmem>> -> memref<64x128xf32, #tpu.memory_space<vmem>>
      tpu.enqueue_dma source(%dma_start3A_53 : memref<64x128xf32, #tpu.memory_space<vmem>>) target(%dma_start3A_50 : memref<64x128xf32, #tpu.memory_space<vmem_shared>>) target_semaphore(%run_scoped3A_43 : memref<!tpu.dma_semaphore, #tpu.memory_space<semaphore_mem>>)
      %dma_wait3A_54 = arith.constant 0 : i32
      %dma_wait3A_55 = arith.constant 0 : i32
      %dma_wait3A_56 = tpu.memref_slice %arg9[%dma_wait3A_54, %dma_wait3A_55] : memref<96x128xf32, #tpu.memory_space<vmem>> -> memref<64x128xf32, #tpu.memory_space<vmem>>
      %dma_wait3A_57 = arith.constant 0 : i32
      %dma_wait3A_58 = tpu.memref_slice %arg11[%add3A_8, %dma_wait3A_57] : memref<10240x128xf32, #tpu.memory_space<vmem_shared>> -> memref<64x128xf32, #tpu.memory_space<vmem_shared>>
      %dma_wait3A_59 = arith.constant 0 : i32
      %dma_wait3A_60 = tpu.memref_slice %arg11[%add3A_8, %dma_wait3A_59] : memref<10240x128xf32, #tpu.memory_space<vmem_shared>> -> memref<64x128xf32, #tpu.memory_space<vmem_shared>>
      %dma_wait3A_61 = arith.constant 0 : i32
      %dma_wait3A_62 = arith.constant 0 : i32
      %dma_wait3A_63 = tpu.memref_slice %arg9[%dma_wait3A_61, %dma_wait3A_62] : memref<96x128xf32, #tpu.memory_space<vmem>> -> memref<64x128xf32, #tpu.memory_space<vmem>>
      tpu.wait_dma2 semaphore(%run_scoped3A_43 : memref<!tpu.dma_semaphore, #tpu.memory_space<semaphore_mem>>) src(%dma_wait3A_63 : memref<64x128xf32, #tpu.memory_space<vmem>>) dst(%dma_wait3A_60 : memref<64x128xf32, #tpu.memory_space<vmem_shared>>)
      tpu.yield
    }) : () -> ()
    %add3A_9 = arith.constant 192 : i32
    %add3A_10 = arith.addi %mul3A_2, %add3A_9 : i32
    "tpu.region"() ({
      %run_scoped3A_43 = tpu.sem_alloc : memref<!tpu.dma_semaphore, #tpu.memory_space<semaphore_mem>>
      %dma_start3A_44 = arith.constant 0 : i32
      %dma_start3A_45 = arith.constant 0 : i32
      %dma_start3A_46 = tpu.memref_slice %arg9[%dma_start3A_44, %dma_start3A_45] : memref<96x128xf32, #tpu.memory_space<vmem>> -> memref<64x128xf32, #tpu.memory_space<vmem>>
      %dma_start3A_47 = arith.constant 0 : i32
      %dma_start3A_48 = tpu.memref_slice %arg11[%add3A_10, %dma_start3A_47] : memref<10240x128xf32, #tpu.memory_space<vmem_shared>> -> memref<64x128xf32, #tpu.memory_space<vmem_shared>>
      %dma_start3A_49 = arith.constant 0 : i32
      %dma_start3A_50 = tpu.memref_slice %arg11[%add3A_10, %dma_start3A_49] : memref<10240x128xf32, #tpu.memory_space<vmem_shared>> -> memref<64x128xf32, #tpu.memory_space<vmem_shared>>
      %dma_start3A_51 = arith.constant 0 : i32
      %dma_start3A_52 = arith.constant 0 : i32
      %dma_start3A_53 = tpu.memref_slice %arg9[%dma_start3A_51, %dma_start3A_52] : memref<96x128xf32, #tpu.memory_space<vmem>> -> memref<64x128xf32, #tpu.memory_space<vmem>>
      tpu.enqueue_dma source(%dma_start3A_53 : memref<64x128xf32, #tpu.memory_space<vmem>>) target(%dma_start3A_50 : memref<64x128xf32, #tpu.memory_space<vmem_shared>>) target_semaphore(%run_scoped3A_43 : memref<!tpu.dma_semaphore, #tpu.memory_space<semaphore_mem>>)
      %dma_wait3A_54 = arith.constant 0 : i32
      %dma_wait3A_55 = arith.constant 0 : i32
      %dma_wait3A_56 = tpu.memref_slice %arg9[%dma_wait3A_54, %dma_wait3A_55] : memref<96x128xf32, #tpu.memory_space<vmem>> -> memref<64x128xf32, #tpu.memory_space<vmem>>
      %dma_wait3A_57 = arith.constant 0 : i32
      %dma_wait3A_58 = tpu.memref_slice %arg11[%add3A_10, %dma_wait3A_57] : memref<10240x128xf32, #tpu.memory_space<vmem_shared>> -> memref<64x128xf32, #tpu.memory_space<vmem_shared>>
      %dma_wait3A_59 = arith.constant 0 : i32
      %dma_wait3A_60 = tpu.memref_slice %arg11[%add3A_10, %dma_wait3A_59] : memref<10240x128xf32, #tpu.memory_space<vmem_shared>> -> memref<64x128xf32, #tpu.memory_space<vmem_shared>>
      %dma_wait3A_61 = arith.constant 0 : i32
      %dma_wait3A_62 = arith.constant 0 : i32
      %dma_wait3A_63 = tpu.memref_slice %arg9[%dma_wait3A_61, %dma_wait3A_62] : memref<96x128xf32, #tpu.memory_space<vmem>> -> memref<64x128xf32, #tpu.memory_space<vmem>>
      tpu.wait_dma2 semaphore(%run_scoped3A_43 : memref<!tpu.dma_semaphore, #tpu.memory_space<semaphore_mem>>) src(%dma_wait3A_63 : memref<64x128xf32, #tpu.memory_space<vmem>>) dst(%dma_wait3A_60 : memref<64x128xf32, #tpu.memory_space<vmem_shared>>)
      tpu.yield
    }) : () -> ()
    %add3A_11 = arith.constant 256 : i32
    %add3A_12 = arith.addi %mul3A_2, %add3A_11 : i32
    "tpu.region"() ({
      %run_scoped3A_43 = tpu.sem_alloc : memref<!tpu.dma_semaphore, #tpu.memory_space<semaphore_mem>>
      %dma_start3A_44 = arith.constant 0 : i32
      %dma_start3A_45 = arith.constant 0 : i32
      %dma_start3A_46 = tpu.memref_slice %arg9[%dma_start3A_44, %dma_start3A_45] : memref<96x128xf32, #tpu.memory_space<vmem>> -> memref<64x128xf32, #tpu.memory_space<vmem>>
      %dma_start3A_47 = arith.constant 0 : i32
      %dma_start3A_48 = tpu.memref_slice %arg11[%add3A_12, %dma_start3A_47] : memref<10240x128xf32, #tpu.memory_space<vmem_shared>> -> memref<64x128xf32, #tpu.memory_space<vmem_shared>>
      %dma_start3A_49 = arith.constant 0 : i32
      %dma_start3A_50 = tpu.memref_slice %arg11[%add3A_12, %dma_start3A_49] : memref<10240x128xf32, #tpu.memory_space<vmem_shared>> -> memref<64x128xf32, #tpu.memory_space<vmem_shared>>
      %dma_start3A_51 = arith.constant 0 : i32
      %dma_start3A_52 = arith.constant 0 : i32
      %dma_start3A_53 = tpu.memref_slice %arg9[%dma_start3A_51, %dma_start3A_52] : memref<96x128xf32, #tpu.memory_space<vmem>> -> memref<64x128xf32, #tpu.memory_space<vmem>>
      tpu.enqueue_dma source(%dma_start3A_53 : memref<64x128xf32, #tpu.memory_space<vmem>>) target(%dma_start3A_50 : memref<64x128xf32, #tpu.memory_space<vmem_shared>>) target_semaphore(%run_scoped3A_43 : memref<!tpu.dma_semaphore, #tpu.memory_space<semaphore_mem>>)
      %dma_wait3A_54 = arith.constant 0 : i32
      %dma_wait3A_55 = arith.constant 0 : i32
      %dma_wait3A_56 = tpu.memref_slice %arg9[%dma_wait3A_54, %dma_wait3A_55] : memref<96x128xf32, #tpu.memory_space<vmem>> -> memref<64x128xf32, #tpu.memory_space<vmem>>
      %dma_wait3A_57 = arith.constant 0 : i32
      %dma_wait3A_58 = tpu.memref_slice %arg11[%add3A_12, %dma_wait3A_57] : memref<10240x128xf32, #tpu.memory_space<vmem_shared>> -> memref<64x128xf32, #tpu.memory_space<vmem_shared>>
      %dma_wait3A_59 = arith.constant 0 : i32
      %dma_wait3A_60 = tpu.memref_slice %arg11[%add3A_12, %dma_wait3A_59] : memref<10240x128xf32, #tpu.memory_space<vmem_shared>> -> memref<64x128xf32, #tpu.memory_space<vmem_shared>>
      %dma_wait3A_61 = arith.constant 0 : i32
      %dma_wait3A_62 = arith.constant 0 : i32
      %dma_wait3A_63 = tpu.memref_slice %arg9[%dma_wait3A_61, %dma_wait3A_62] : memref<96x128xf32, #tpu.memory_space<vmem>> -> memref<64x128xf32, #tpu.memory_space<vmem>>
      tpu.wait_dma2 semaphore(%run_scoped3A_43 : memref<!tpu.dma_semaphore, #tpu.memory_space<semaphore_mem>>) src(%dma_wait3A_63 : memref<64x128xf32, #tpu.memory_space<vmem>>) dst(%dma_wait3A_60 : memref<64x128xf32, #tpu.memory_space<vmem_shared>>)
      tpu.yield
    }) : () -> ()
    %add3A_13 = arith.constant 320 : i32
    %add3A_14 = arith.addi %mul3A_2, %add3A_13 : i32
    "tpu.region"() ({
      %run_scoped3A_43 = tpu.sem_alloc : memref<!tpu.dma_semaphore, #tpu.memory_space<semaphore_mem>>
      %dma_start3A_44 = arith.constant 0 : i32
      %dma_start3A_45 = arith.constant 0 : i32
      %dma_start3A_46 = tpu.memref_slice %arg9[%dma_start3A_44, %dma_start3A_45] : memref<96x128xf32, #tpu.memory_space<vmem>> -> memref<64x128xf32, #tpu.memory_space<vmem>>
      %dma_start3A_47 = arith.constant 0 : i32
      %dma_start3A_48 = tpu.memref_slice %arg11[%add3A_14, %dma_start3A_47] : memref<10240x128xf32, #tpu.memory_space<vmem_shared>> -> memref<64x128xf32, #tpu.memory_space<vmem_shared>>
      %dma_start3A_49 = arith.constant 0 : i32
      %dma_start3A_50 = tpu.memref_slice %arg11[%add3A_14, %dma_start3A_49] : memref<10240x128xf32, #tpu.memory_space<vmem_shared>> -> memref<64x128xf32, #tpu.memory_space<vmem_shared>>
      %dma_start3A_51 = arith.constant 0 : i32
      %dma_start3A_52 = arith.constant 0 : i32
      %dma_start3A_53 = tpu.memref_slice %arg9[%dma_start3A_51, %dma_start3A_52] : memref<96x128xf32, #tpu.memory_space<vmem>> -> memref<64x128xf32, #tpu.memory_space<vmem>>
      tpu.enqueue_dma source(%dma_start3A_53 : memref<64x128xf32, #tpu.memory_space<vmem>>) target(%dma_start3A_50 : memref<64x128xf32, #tpu.memory_space<vmem_shared>>) target_semaphore(%run_scoped3A_43 : memref<!tpu.dma_semaphore, #tpu.memory_space<semaphore_mem>>)
      %dma_wait3A_54 = arith.constant 0 : i32
      %dma_wait3A_55 = arith.constant 0 : i32
      %dma_wait3A_56 = tpu.memref_slice %arg9[%dma_wait3A_54, %dma_wait3A_55] : memref<96x128xf32, #tpu.memory_space<vmem>> -> memref<64x128xf32, #tpu.memory_space<vmem>>
      %dma_wait3A_57 = arith.constant 0 : i32
      %dma_wait3A_58 = tpu.memref_slice %arg11[%add3A_14, %dma_wait3A_57] : memref<10240x128xf32, #tpu.memory_space<vmem_shared>> -> memref<64x128xf32, #tpu.memory_space<vmem_shared>>
      %dma_wait3A_59 = arith.constant 0 : i32
      %dma_wait3A_60 = tpu.memref_slice %arg11[%add3A_14, %dma_wait3A_59] : memref<10240x128xf32, #tpu.memory_space<vmem_shared>> -> memref<64x128xf32, #tpu.memory_space<vmem_shared>>
      %dma_wait3A_61 = arith.constant 0 : i32
      %dma_wait3A_62 = arith.constant 0 : i32
      %dma_wait3A_63 = tpu.memref_slice %arg9[%dma_wait3A_61, %dma_wait3A_62] : memref<96x128xf32, #tpu.memory_space<vmem>> -> memref<64x128xf32, #tpu.memory_space<vmem>>
      tpu.wait_dma2 semaphore(%run_scoped3A_43 : memref<!tpu.dma_semaphore, #tpu.memory_space<semaphore_mem>>) src(%dma_wait3A_63 : memref<64x128xf32, #tpu.memory_space<vmem>>) dst(%dma_wait3A_60 : memref<64x128xf32, #tpu.memory_space<vmem_shared>>)
      tpu.yield
    }) : () -> ()
    %add3A_15 = arith.constant 384 : i32
    %add3A_16 = arith.addi %mul3A_2, %add3A_15 : i32
    "tpu.region"() ({
      %run_scoped3A_43 = tpu.sem_alloc : memref<!tpu.dma_semaphore, #tpu.memory_space<semaphore_mem>>
      %dma_start3A_44 = arith.constant 0 : i32
      %dma_start3A_45 = arith.constant 0 : i32
      %dma_start3A_46 = tpu.memref_slice %arg9[%dma_start3A_44, %dma_start3A_45] : memref<96x128xf32, #tpu.memory_space<vmem>> -> memref<64x128xf32, #tpu.memory_space<vmem>>
      %dma_start3A_47 = arith.constant 0 : i32
      %dma_start3A_48 = tpu.memref_slice %arg11[%add3A_16, %dma_start3A_47] : memref<10240x128xf32, #tpu.memory_space<vmem_shared>> -> memref<64x128xf32, #tpu.memory_space<vmem_shared>>
      %dma_start3A_49 = arith.constant 0 : i32
      %dma_start3A_50 = tpu.memref_slice %arg11[%add3A_16, %dma_start3A_49] : memref<10240x128xf32, #tpu.memory_space<vmem_shared>> -> memref<64x128xf32, #tpu.memory_space<vmem_shared>>
      %dma_start3A_51 = arith.constant 0 : i32
      %dma_start3A_52 = arith.constant 0 : i32
      %dma_start3A_53 = tpu.memref_slice %arg9[%dma_start3A_51, %dma_start3A_52] : memref<96x128xf32, #tpu.memory_space<vmem>> -> memref<64x128xf32, #tpu.memory_space<vmem>>
      tpu.enqueue_dma source(%dma_start3A_53 : memref<64x128xf32, #tpu.memory_space<vmem>>) target(%dma_start3A_50 : memref<64x128xf32, #tpu.memory_space<vmem_shared>>) target_semaphore(%run_scoped3A_43 : memref<!tpu.dma_semaphore, #tpu.memory_space<semaphore_mem>>)
      %dma_wait3A_54 = arith.constant 0 : i32
      %dma_wait3A_55 = arith.constant 0 : i32
      %dma_wait3A_56 = tpu.memref_slice %arg9[%dma_wait3A_54, %dma_wait3A_55] : memref<96x128xf32, #tpu.memory_space<vmem>> -> memref<64x128xf32, #tpu.memory_space<vmem>>
      %dma_wait3A_57 = arith.constant 0 : i32
      %dma_wait3A_58 = tpu.memref_slice %arg11[%add3A_16, %dma_wait3A_57] : memref<10240x128xf32, #tpu.memory_space<vmem_shared>> -> memref<64x128xf32, #tpu.memory_space<vmem_shared>>
      %dma_wait3A_59 = arith.constant 0 : i32
      %dma_wait3A_60 = tpu.memref_slice %arg11[%add3A_16, %dma_wait3A_59] : memref<10240x128xf32, #tpu.memory_space<vmem_shared>> -> memref<64x128xf32, #tpu.memory_space<vmem_shared>>
      %dma_wait3A_61 = arith.constant 0 : i32
      %dma_wait3A_62 = arith.constant 0 : i32
      %dma_wait3A_63 = tpu.memref_slice %arg9[%dma_wait3A_61, %dma_wait3A_62] : memref<96x128xf32, #tpu.memory_space<vmem>> -> memref<64x128xf32, #tpu.memory_space<vmem>>
      tpu.wait_dma2 semaphore(%run_scoped3A_43 : memref<!tpu.dma_semaphore, #tpu.memory_space<semaphore_mem>>) src(%dma_wait3A_63 : memref<64x128xf32, #tpu.memory_space<vmem>>) dst(%dma_wait3A_60 : memref<64x128xf32, #tpu.memory_space<vmem_shared>>)
      tpu.yield
    }) : () -> ()
    %add3A_17 = arith.constant 448 : i32
    %add3A_18 = arith.addi %mul3A_2, %add3A_17 : i32
    "tpu.region"() ({
      %run_scoped3A_43 = tpu.sem_alloc : memref<!tpu.dma_semaphore, #tpu.memory_space<semaphore_mem>>
      %dma_start3A_44 = arith.constant 0 : i32
      %dma_start3A_45 = arith.constant 0 : i32
      %dma_start3A_46 = tpu.memref_slice %arg9[%dma_start3A_44, %dma_start3A_45] : memref<96x128xf32, #tpu.memory_space<vmem>> -> memref<64x128xf32, #tpu.memory_space<vmem>>
      %dma_start3A_47 = arith.constant 0 : i32
      %dma_start3A_48 = tpu.memref_slice %arg11[%add3A_18, %dma_start3A_47] : memref<10240x128xf32, #tpu.memory_space<vmem_shared>> -> memref<64x128xf32, #tpu.memory_space<vmem_shared>>
      %dma_start3A_49 = arith.constant 0 : i32
      %dma_start3A_50 = tpu.memref_slice %arg11[%add3A_18, %dma_start3A_49] : memref<10240x128xf32, #tpu.memory_space<vmem_shared>> -> memref<64x128xf32, #tpu.memory_space<vmem_shared>>
      %dma_start3A_51 = arith.constant 0 : i32
      %dma_start3A_52 = arith.constant 0 : i32
      %dma_start3A_53 = tpu.memref_slice %arg9[%dma_start3A_51, %dma_start3A_52] : memref<96x128xf32, #tpu.memory_space<vmem>> -> memref<64x128xf32, #tpu.memory_space<vmem>>
      tpu.enqueue_dma source(%dma_start3A_53 : memref<64x128xf32, #tpu.memory_space<vmem>>) target(%dma_start3A_50 : memref<64x128xf32, #tpu.memory_space<vmem_shared>>) target_semaphore(%run_scoped3A_43 : memref<!tpu.dma_semaphore, #tpu.memory_space<semaphore_mem>>)
      %dma_wait3A_54 = arith.constant 0 : i32
      %dma_wait3A_55 = arith.constant 0 : i32
      %dma_wait3A_56 = tpu.memref_slice %arg9[%dma_wait3A_54, %dma_wait3A_55] : memref<96x128xf32, #tpu.memory_space<vmem>> -> memref<64x128xf32, #tpu.memory_space<vmem>>
      %dma_wait3A_57 = arith.constant 0 : i32
      %dma_wait3A_58 = tpu.memref_slice %arg11[%add3A_18, %dma_wait3A_57] : memref<10240x128xf32, #tpu.memory_space<vmem_shared>> -> memref<64x128xf32, #tpu.memory_space<vmem_shared>>
      %dma_wait3A_59 = arith.constant 0 : i32
      %dma_wait3A_60 = tpu.memref_slice %arg11[%add3A_18, %dma_wait3A_59] : memref<10240x128xf32, #tpu.memory_space<vmem_shared>> -> memref<64x128xf32, #tpu.memory_space<vmem_shared>>
      %dma_wait3A_61 = arith.constant 0 : i32
      %dma_wait3A_62 = arith.constant 0 : i32
      %dma_wait3A_63 = tpu.memref_slice %arg9[%dma_wait3A_61, %dma_wait3A_62] : memref<96x128xf32, #tpu.memory_space<vmem>> -> memref<64x128xf32, #tpu.memory_space<vmem>>
      tpu.wait_dma2 semaphore(%run_scoped3A_43 : memref<!tpu.dma_semaphore, #tpu.memory_space<semaphore_mem>>) src(%dma_wait3A_63 : memref<64x128xf32, #tpu.memory_space<vmem>>) dst(%dma_wait3A_60 : memref<64x128xf32, #tpu.memory_space<vmem_shared>>)
      tpu.yield
    }) : () -> ()
    %add3A_19 = arith.constant 512 : i32
    %add3A_20 = arith.addi %mul3A_2, %add3A_19 : i32
    "tpu.region"() ({
      %run_scoped3A_43 = tpu.sem_alloc : memref<!tpu.dma_semaphore, #tpu.memory_space<semaphore_mem>>
      %dma_start3A_44 = arith.constant 0 : i32
      %dma_start3A_45 = arith.constant 0 : i32
      %dma_start3A_46 = tpu.memref_slice %arg9[%dma_start3A_44, %dma_start3A_45] : memref<96x128xf32, #tpu.memory_space<vmem>> -> memref<64x128xf32, #tpu.memory_space<vmem>>
      %dma_start3A_47 = arith.constant 0 : i32
      %dma_start3A_48 = tpu.memref_slice %arg11[%add3A_20, %dma_start3A_47] : memref<10240x128xf32, #tpu.memory_space<vmem_shared>> -> memref<64x128xf32, #tpu.memory_space<vmem_shared>>
      %dma_start3A_49 = arith.constant 0 : i32
      %dma_start3A_50 = tpu.memref_slice %arg11[%add3A_20, %dma_start3A_49] : memref<10240x128xf32, #tpu.memory_space<vmem_shared>> -> memref<64x128xf32, #tpu.memory_space<vmem_shared>>
      %dma_start3A_51 = arith.constant 0 : i32
      %dma_start3A_52 = arith.constant 0 : i32
      %dma_start3A_53 = tpu.memref_slice %arg9[%dma_start3A_51, %dma_start3A_52] : memref<96x128xf32, #tpu.memory_space<vmem>> -> memref<64x128xf32, #tpu.memory_space<vmem>>
      tpu.enqueue_dma source(%dma_start3A_53 : memref<64x128xf32, #tpu.memory_space<vmem>>) target(%dma_start3A_50 : memref<64x128xf32, #tpu.memory_space<vmem_shared>>) target_semaphore(%run_scoped3A_43 : memref<!tpu.dma_semaphore, #tpu.memory_space<semaphore_mem>>)
      %dma_wait3A_54 = arith.constant 0 : i32
      %dma_wait3A_55 = arith.constant 0 : i32
      %dma_wait3A_56 = tpu.memref_slice %arg9[%dma_wait3A_54, %dma_wait3A_55] : memref<96x128xf32, #tpu.memory_space<vmem>> -> memref<64x128xf32, #tpu.memory_space<vmem>>
      %dma_wait3A_57 = arith.constant 0 : i32
      %dma_wait3A_58 = tpu.memref_slice %arg11[%add3A_20, %dma_wait3A_57] : memref<10240x128xf32, #tpu.memory_space<vmem_shared>> -> memref<64x128xf32, #tpu.memory_space<vmem_shared>>
      %dma_wait3A_59 = arith.constant 0 : i32
      %dma_wait3A_60 = tpu.memref_slice %arg11[%add3A_20, %dma_wait3A_59] : memref<10240x128xf32, #tpu.memory_space<vmem_shared>> -> memref<64x128xf32, #tpu.memory_space<vmem_shared>>
      %dma_wait3A_61 = arith.constant 0 : i32
      %dma_wait3A_62 = arith.constant 0 : i32
      %dma_wait3A_63 = tpu.memref_slice %arg9[%dma_wait3A_61, %dma_wait3A_62] : memref<96x128xf32, #tpu.memory_space<vmem>> -> memref<64x128xf32, #tpu.memory_space<vmem>>
      tpu.wait_dma2 semaphore(%run_scoped3A_43 : memref<!tpu.dma_semaphore, #tpu.memory_space<semaphore_mem>>) src(%dma_wait3A_63 : memref<64x128xf32, #tpu.memory_space<vmem>>) dst(%dma_wait3A_60 : memref<64x128xf32, #tpu.memory_space<vmem_shared>>)
      tpu.yield
    }) : () -> ()
    %add3A_21 = arith.constant 576 : i32
    %add3A_22 = arith.addi %mul3A_2, %add3A_21 : i32
    "tpu.region"() ({
      %run_scoped3A_43 = tpu.sem_alloc : memref<!tpu.dma_semaphore, #tpu.memory_space<semaphore_mem>>
      %dma_start3A_44 = arith.constant 0 : i32
      %dma_start3A_45 = arith.constant 0 : i32
      %dma_start3A_46 = tpu.memref_slice %arg9[%dma_start3A_44, %dma_start3A_45] : memref<96x128xf32, #tpu.memory_space<vmem>> -> memref<64x128xf32, #tpu.memory_space<vmem>>
      %dma_start3A_47 = arith.constant 0 : i32
      %dma_start3A_48 = tpu.memref_slice %arg11[%add3A_22, %dma_start3A_47] : memref<10240x128xf32, #tpu.memory_space<vmem_shared>> -> memref<64x128xf32, #tpu.memory_space<vmem_shared>>
      %dma_start3A_49 = arith.constant 0 : i32
      %dma_start3A_50 = tpu.memref_slice %arg11[%add3A_22, %dma_start3A_49] : memref<10240x128xf32, #tpu.memory_space<vmem_shared>> -> memref<64x128xf32, #tpu.memory_space<vmem_shared>>
      %dma_start3A_51 = arith.constant 0 : i32
      %dma_start3A_52 = arith.constant 0 : i32
      %dma_start3A_53 = tpu.memref_slice %arg9[%dma_start3A_51, %dma_start3A_52] : memref<96x128xf32, #tpu.memory_space<vmem>> -> memref<64x128xf32, #tpu.memory_space<vmem>>
      tpu.enqueue_dma source(%dma_start3A_53 : memref<64x128xf32, #tpu.memory_space<vmem>>) target(%dma_start3A_50 : memref<64x128xf32, #tpu.memory_space<vmem_shared>>) target_semaphore(%run_scoped3A_43 : memref<!tpu.dma_semaphore, #tpu.memory_space<semaphore_mem>>)
      %dma_wait3A_54 = arith.constant 0 : i32
      %dma_wait3A_55 = arith.constant 0 : i32
      %dma_wait3A_56 = tpu.memref_slice %arg9[%dma_wait3A_54, %dma_wait3A_55] : memref<96x128xf32, #tpu.memory_space<vmem>> -> memref<64x128xf32, #tpu.memory_space<vmem>>
      %dma_wait3A_57 = arith.constant 0 : i32
      %dma_wait3A_58 = tpu.memref_slice %arg11[%add3A_22, %dma_wait3A_57] : memref<10240x128xf32, #tpu.memory_space<vmem_shared>> -> memref<64x128xf32, #tpu.memory_space<vmem_shared>>
      %dma_wait3A_59 = arith.constant 0 : i32
      %dma_wait3A_60 = tpu.memref_slice %arg11[%add3A_22, %dma_wait3A_59] : memref<10240x128xf32, #tpu.memory_space<vmem_shared>> -> memref<64x128xf32, #tpu.memory_space<vmem_shared>>
      %dma_wait3A_61 = arith.constant 0 : i32
      %dma_wait3A_62 = arith.constant 0 : i32
      %dma_wait3A_63 = tpu.memref_slice %arg9[%dma_wait3A_61, %dma_wait3A_62] : memref<96x128xf32, #tpu.memory_space<vmem>> -> memref<64x128xf32, #tpu.memory_space<vmem>>
      tpu.wait_dma2 semaphore(%run_scoped3A_43 : memref<!tpu.dma_semaphore, #tpu.memory_space<semaphore_mem>>) src(%dma_wait3A_63 : memref<64x128xf32, #tpu.memory_space<vmem>>) dst(%dma_wait3A_60 : memref<64x128xf32, #tpu.memory_space<vmem_shared>>)
      tpu.yield
    }) : () -> ()
    "tpu.region"() ({
      %run_scoped3A_43 = tpu.sem_alloc : memref<!tpu.dma_semaphore, #tpu.memory_space<semaphore_mem>>
      %dma_start3A_44 = arith.constant 0 : i32
      %dma_start3A_45 = tpu.memref_slice %arg3[%add3A, %dma_start3A_44] : memref<32x10080xi32, #tpu.memory_space<hbm>> -> memref<1x10080xi32, #tpu.memory_space<hbm>>
      %dma_start3A_46 = tpu.memref_squeeze %dma_start3A_45 : memref<1x10080xi32, #tpu.memory_space<hbm>> -> memref<10080xi32, #tpu.memory_space<hbm>>
      %dma_start3A_47 = arith.constant 0 : i32
      %dma_start3A_48 = tpu.memref_slice %arg3[%add3A, %dma_start3A_47] : memref<32x10080xi32, #tpu.memory_space<hbm>> -> memref<1x10080xi32, #tpu.memory_space<hbm>>
      %dma_start3A_49 = tpu.memref_squeeze %dma_start3A_48 : memref<1x10080xi32, #tpu.memory_space<hbm>> -> memref<10080xi32, #tpu.memory_space<hbm>>
      tpu.enqueue_dma source(%dma_start3A_49 : memref<10080xi32, #tpu.memory_space<hbm>>) target(%arg7 : memref<10080xi32, #tpu.memory_space<vmem>>) target_semaphore(%run_scoped3A_43 : memref<!tpu.dma_semaphore, #tpu.memory_space<semaphore_mem>>)
      %dma_wait3A_50 = arith.constant 0 : i32
      %dma_wait3A_51 = tpu.memref_slice %arg3[%add3A, %dma_wait3A_50] : memref<32x10080xi32, #tpu.memory_space<hbm>> -> memref<1x10080xi32, #tpu.memory_space<hbm>>
      %dma_wait3A_52 = tpu.memref_squeeze %dma_wait3A_51 : memref<1x10080xi32, #tpu.memory_space<hbm>> -> memref<10080xi32, #tpu.memory_space<hbm>>
      %dma_wait3A_53 = arith.constant 0 : i32
      %dma_wait3A_54 = tpu.memref_slice %arg3[%add3A, %dma_wait3A_53] : memref<32x10080xi32, #tpu.memory_space<hbm>> -> memref<1x10080xi32, #tpu.memory_space<hbm>>
      %dma_wait3A_55 = tpu.memref_squeeze %dma_wait3A_54 : memref<1x10080xi32, #tpu.memory_space<hbm>> -> memref<10080xi32, #tpu.memory_space<hbm>>
      tpu.wait_dma2 semaphore(%run_scoped3A_43 : memref<!tpu.dma_semaphore, #tpu.memory_space<semaphore_mem>>) src(%dma_wait3A_55 : memref<10080xi32, #tpu.memory_space<hbm>>) dst(%arg7 : memref<10080xi32, #tpu.memory_space<vmem>>)
      tpu.yield
    }) : () -> ()
    "tpu.region"() ({
      %run_scoped3A_43 = tpu.sem_alloc : memref<!tpu.dma_semaphore, #tpu.memory_space<semaphore_mem>>
      %dma_start3A_44 = arith.constant 0 : i32
      %dma_start3A_45 = arith.constant 0 : i32
      %dma_start3A_46 = tpu.memref_slice %arg4[%add3A, %dma_start3A_44, %dma_start3A_45] : memref<32x105x96xi32, #tpu.memory_space<hbm>> -> memref<1x105x96xi32, #tpu.memory_space<hbm>>
      %dma_start3A_47 = tpu.memref_squeeze %dma_start3A_46 : memref<1x105x96xi32, #tpu.memory_space<hbm>> -> memref<105x96xi32, #tpu.memory_space<hbm>>
      %dma_start3A_48 = arith.constant 0 : i32
      %dma_start3A_49 = arith.constant 0 : i32
      %dma_start3A_50 = tpu.memref_slice %arg4[%add3A, %dma_start3A_48, %dma_start3A_49] : memref<32x105x96xi32, #tpu.memory_space<hbm>> -> memref<1x105x96xi32, #tpu.memory_space<hbm>>
      %dma_start3A_51 = tpu.memref_squeeze %dma_start3A_50 : memref<1x105x96xi32, #tpu.memory_space<hbm>> -> memref<105x96xi32, #tpu.memory_space<hbm>>
      tpu.enqueue_dma source(%dma_start3A_51 : memref<105x96xi32, #tpu.memory_space<hbm>>) target(%arg8 : memref<105x96xi32, #tpu.memory_space<vmem>>) target_semaphore(%run_scoped3A_43 : memref<!tpu.dma_semaphore, #tpu.memory_space<semaphore_mem>>)
      %dma_wait3A_52 = arith.constant 0 : i32
      %dma_wait3A_53 = arith.constant 0 : i32
      %dma_wait3A_54 = tpu.memref_slice %arg4[%add3A, %dma_wait3A_52, %dma_wait3A_53] : memref<32x105x96xi32, #tpu.memory_space<hbm>> -> memref<1x105x96xi32, #tpu.memory_space<hbm>>
      %dma_wait3A_55 = tpu.memref_squeeze %dma_wait3A_54 : memref<1x105x96xi32, #tpu.memory_space<hbm>> -> memref<105x96xi32, #tpu.memory_space<hbm>>
      %dma_wait3A_56 = arith.constant 0 : i32
      %dma_wait3A_57 = arith.constant 0 : i32
      %dma_wait3A_58 = tpu.memref_slice %arg4[%add3A, %dma_wait3A_56, %dma_wait3A_57] : memref<32x105x96xi32, #tpu.memory_space<hbm>> -> memref<1x105x96xi32, #tpu.memory_space<hbm>>
      %dma_wait3A_59 = tpu.memref_squeeze %dma_wait3A_58 : memref<1x105x96xi32, #tpu.memory_space<hbm>> -> memref<105x96xi32, #tpu.memory_space<hbm>>
      tpu.wait_dma2 semaphore(%run_scoped3A_43 : memref<!tpu.dma_semaphore, #tpu.memory_space<semaphore_mem>>) src(%dma_wait3A_59 : memref<105x96xi32, #tpu.memory_space<hbm>>) dst(%arg8 : memref<105x96xi32, #tpu.memory_space<vmem>>)
      tpu.yield
    }) : () -> ()
    %barrier3A = arith.constant 0 : index
    tpu.barrier barrier_id(%barrier3A)
    %dma_start3A = arith.constant 0 : i32
    %dma_start3A_23 = tpu.memref_slice %arg7[%dma_start3A] : memref<10080xi32, #tpu.memory_space<vmem>> -> memref<96xi32, #tpu.memory_space<vmem>>
    %dma_start3A_24 = arith.constant 0 : i32
    %dma_start3A_25 = arith.constant 0 : i32
    %dma_start3A_26 = tpu.memref_slice %arg2[%dma_start3A_24, %dma_start3A_25] : memref<10000x128xf32, #tpu.memory_space<hbm>> -> memref<10000x128xf32, #tpu.memory_space<hbm>>
    tpu.enqueue_indirect_dma source(%dma_start3A_26 : memref<10000x128xf32, #tpu.memory_space<hbm>>) target(%arg9 : memref<96x128xf32, #tpu.memory_space<vmem>>) offsets(%dma_start3A_23 : memref<96xi32, #tpu.memory_space<vmem>>) semaphore(%arg12 : memref<!tpu.dma_semaphore, #tpu.memory_space<semaphore_mem>>)
    %scan3A = arith.constant 0 : i32
    %scan3A_27 = arith.constant 52 : i32
    %scan3A_28 = arith.addi %scan3A, %scan3A_27 : i32
    %scan3A_29 = arith.constant 1 : i32
    scf.for %scan3A_43 = %scan3A to %scan3A_28 step %scan3A_29  : i32 {
      %mul3A_44 = arith.constant 2 : i32
      %mul3A_45 = arith.muli %scan3A_43, %mul3A_44 : i32
      %add3A_46 = arith.constant 0 : i32
      %add3A_47 = arith.addi %add3A_46, %mul3A_45 : i32
      %add3A_48 = arith.constant 0 : i32
      %add3A_49 = arith.addi %add3A_47, %add3A_48 : i32
      %add3A_50 = arith.constant 1 : i32
      %add3A_51 = arith.addi %add3A_49, %add3A_50 : i32
      %mul3A_52 = arith.constant 96 : i32
      %mul3A_53 = arith.muli %add3A_51, %mul3A_52 : i32
      %dma_start3A_54 = tpu.memref_slice %arg7[%mul3A_53] : memref<10080xi32, #tpu.memory_space<vmem>> -> memref<96xi32, #tpu.memory_space<vmem>>
      %dma_start3A_55 = arith.constant 0 : i32
      %dma_start3A_56 = arith.constant 0 : i32
      %dma_start3A_57 = tpu.memref_slice %arg2[%dma_start3A_55, %dma_start3A_56] : memref<10000x128xf32, #tpu.memory_space<hbm>> -> memref<10000x128xf32, #tpu.memory_space<hbm>>
      tpu.enqueue_indirect_dma source(%dma_start3A_57 : memref<10000x128xf32, #tpu.memory_space<hbm>>) target(%arg10 : memref<96x128xf32, #tpu.memory_space<vmem>>) offsets(%dma_start3A_54 : memref<96xi32, #tpu.memory_space<vmem>>) semaphore(%arg13 : memref<!tpu.dma_semaphore, #tpu.memory_space<semaphore_mem>>)
      %dma_wait3A_58 = arith.constant 0 : i32
      %dma_wait3A_59 = arith.constant 0 : i32
      %dma_wait3A_60 = tpu.memref_slice %arg2[%dma_wait3A_58, %dma_wait3A_59] : memref<10000x128xf32, #tpu.memory_space<hbm>> -> memref<96x128xf32, #tpu.memory_space<hbm>>
      %dma_wait3A_61 = arith.constant 0 : i32
      %dma_wait3A_62 = arith.constant 0 : i32
      %dma_wait3A_63 = tpu.memref_slice %arg2[%dma_wait3A_61, %dma_wait3A_62] : memref<10000x128xf32, #tpu.memory_space<hbm>> -> memref<96x128xf32, #tpu.memory_space<hbm>>
      tpu.wait_dma2 semaphore(%arg12 : memref<!tpu.dma_semaphore, #tpu.memory_space<semaphore_mem>>) src(%dma_wait3A_63 : memref<96x128xf32, #tpu.memory_space<hbm>>) dst(%arg9 : memref<96x128xf32, #tpu.memory_space<vmem>>)
      "tpu.region"() ({
        %run_scoped3A_80 = tpu.sem_alloc : memref<!tpu.dma_semaphore, #tpu.memory_space<semaphore_mem>>
        %dma_start3A_81 = arith.constant 0 : i32
        %dma_start3A_82 = tpu.memref_slice %arg8[%add3A_49, %dma_start3A_81] : memref<105x96xi32, #tpu.memory_space<vmem>> -> memref<1x96xi32, #tpu.memory_space<vmem>>
        %dma_start3A_83 = tpu.memref_squeeze %dma_start3A_82 : memref<1x96xi32, #tpu.memory_space<vmem>> -> memref<96xi32, #tpu.memory_space<vmem>>
        %dma_start3A_84 = arith.constant 0 : i32
        %dma_start3A_85 = arith.constant 0 : i32
        %dma_start3A_86 = tpu.memref_slice %arg11[%dma_start3A_84, %dma_start3A_85] : memref<10240x128xf32, #tpu.memory_space<vmem_shared>> -> memref<10240x128xf32, #tpu.memory_space<vmem_shared>>
        tpu.enqueue_indirect_dma source(%arg9 : memref<96x128xf32, #tpu.memory_space<vmem>>) target(%dma_start3A_86 : memref<10240x128xf32, #tpu.memory_space<vmem_shared>>) offsets(%dma_start3A_83 : memref<96xi32, #tpu.memory_space<vmem>>) semaphore(%run_scoped3A_80 : memref<!tpu.dma_semaphore, #tpu.memory_space<semaphore_mem>>) {add = true}
        %dma_wait3A_87 = arith.constant 0 : i32
        %dma_wait3A_88 = tpu.memref_slice %arg8[%add3A_49, %dma_wait3A_87] : memref<105x96xi32, #tpu.memory_space<vmem>> -> memref<1x96xi32, #tpu.memory_space<vmem>>
        %dma_wait3A_89 = tpu.memref_squeeze %dma_wait3A_88 : memref<1x96xi32, #tpu.memory_space<vmem>> -> memref<96xi32, #tpu.memory_space<vmem>>
        %dma_wait3A_90 = arith.constant 0 : i32
        %dma_wait3A_91 = arith.constant 0 : i32
        %dma_wait3A_92 = tpu.memref_slice %arg11[%dma_wait3A_90, %dma_wait3A_91] : memref<10240x128xf32, #tpu.memory_space<vmem_shared>> -> memref<10240x128xf32, #tpu.memory_space<vmem_shared>>
        tpu.wait_indirect_dma semaphore(%run_scoped3A_80 : memref<!tpu.dma_semaphore, #tpu.memory_space<semaphore_mem>>) src(%arg9 : memref<96x128xf32, #tpu.memory_space<vmem>>) dst(%dma_wait3A_92 : memref<10240x128xf32, #tpu.memory_space<vmem_shared>>)
        tpu.yield
      }) : () -> ()
      %add3A_64 = arith.constant 1 : i32
      %add3A_65 = arith.addi %add3A_47, %add3A_64 : i32
      %add3A_66 = arith.constant 1 : i32
      %add3A_67 = arith.addi %add3A_65, %add3A_66 : i32
      %mul3A_68 = arith.constant 96 : i32
      %mul3A_69 = arith.muli %add3A_67, %mul3A_68 : i32
      %dma_start3A_70 = tpu.memref_slice %arg7[%mul3A_69] : memref<10080xi32, #tpu.memory_space<vmem>> -> memref<96xi32, #tpu.memory_space<vmem>>
      %dma_start3A_71 = arith.constant 0 : i32
      %dma_start3A_72 = arith.constant 0 : i32
      %dma_start3A_73 = tpu.memref_slice %arg2[%dma_start3A_71, %dma_start3A_72] : memref<10000x128xf32, #tpu.memory_space<hbm>> -> memref<10000x128xf32, #tpu.memory_space<hbm>>
      tpu.enqueue_indirect_dma source(%dma_start3A_73 : memref<10000x128xf32, #tpu.memory_space<hbm>>) target(%arg9 : memref<96x128xf32, #tpu.memory_space<vmem>>) offsets(%dma_start3A_70 : memref<96xi32, #tpu.memory_space<vmem>>) semaphore(%arg12 : memref<!tpu.dma_semaphore, #tpu.memory_space<semaphore_mem>>)
      %dma_wait3A_74 = arith.constant 0 : i32
      %dma_wait3A_75 = arith.constant 0 : i32
      %dma_wait3A_76 = tpu.memref_slice %arg2[%dma_wait3A_74, %dma_wait3A_75] : memref<10000x128xf32, #tpu.memory_space<hbm>> -> memref<96x128xf32, #tpu.memory_space<hbm>>
      %dma_wait3A_77 = arith.constant 0 : i32
      %dma_wait3A_78 = arith.constant 0 : i32
      %dma_wait3A_79 = tpu.memref_slice %arg2[%dma_wait3A_77, %dma_wait3A_78] : memref<10000x128xf32, #tpu.memory_space<hbm>> -> memref<96x128xf32, #tpu.memory_space<hbm>>
      tpu.wait_dma2 semaphore(%arg13 : memref<!tpu.dma_semaphore, #tpu.memory_space<semaphore_mem>>) src(%dma_wait3A_79 : memref<96x128xf32, #tpu.memory_space<hbm>>) dst(%arg10 : memref<96x128xf32, #tpu.memory_space<vmem>>)
      "tpu.region"() ({
        %run_scoped3A_80 = tpu.sem_alloc : memref<!tpu.dma_semaphore, #tpu.memory_space<semaphore_mem>>
        %dma_start3A_81 = arith.constant 0 : i32
        %dma_start3A_82 = tpu.memref_slice %arg8[%add3A_65, %dma_start3A_81] : memref<105x96xi32, #tpu.memory_space<vmem>> -> memref<1x96xi32, #tpu.memory_space<vmem>>
        %dma_start3A_83 = tpu.memref_squeeze %dma_start3A_82 : memref<1x96xi32, #tpu.memory_space<vmem>> -> memref<96xi32, #tpu.memory_space<vmem>>
        %dma_start3A_84 = arith.constant 0 : i32
        %dma_start3A_85 = arith.constant 0 : i32
        %dma_start3A_86 = tpu.memref_slice %arg11[%dma_start3A_84, %dma_start3A_85] : memref<10240x128xf32, #tpu.memory_space<vmem_shared>> -> memref<10240x128xf32, #tpu.memory_space<vmem_shared>>
        tpu.enqueue_indirect_dma source(%arg10 : memref<96x128xf32, #tpu.memory_space<vmem>>) target(%dma_start3A_86 : memref<10240x128xf32, #tpu.memory_space<vmem_shared>>) offsets(%dma_start3A_83 : memref<96xi32, #tpu.memory_space<vmem>>) semaphore(%run_scoped3A_80 : memref<!tpu.dma_semaphore, #tpu.memory_space<semaphore_mem>>) {add = true}
        %dma_wait3A_87 = arith.constant 0 : i32
        %dma_wait3A_88 = tpu.memref_slice %arg8[%add3A_65, %dma_wait3A_87] : memref<105x96xi32, #tpu.memory_space<vmem>> -> memref<1x96xi32, #tpu.memory_space<vmem>>
        %dma_wait3A_89 = tpu.memref_squeeze %dma_wait3A_88 : memref<1x96xi32, #tpu.memory_space<vmem>> -> memref<96xi32, #tpu.memory_space<vmem>>
        %dma_wait3A_90 = arith.constant 0 : i32
        %dma_wait3A_91 = arith.constant 0 : i32
        %dma_wait3A_92 = tpu.memref_slice %arg11[%dma_wait3A_90, %dma_wait3A_91] : memref<10240x128xf32, #tpu.memory_space<vmem_shared>> -> memref<10240x128xf32, #tpu.memory_space<vmem_shared>>
        tpu.wait_indirect_dma semaphore(%run_scoped3A_80 : memref<!tpu.dma_semaphore, #tpu.memory_space<semaphore_mem>>) src(%arg10 : memref<96x128xf32, #tpu.memory_space<vmem>>) dst(%dma_wait3A_92 : memref<10240x128xf32, #tpu.memory_space<vmem_shared>>)
        tpu.yield
      }) : () -> ()
    }
    %scan3A_30 = arith.constant 52 : i32
    %dma_wait3A = arith.constant 0 : i32
    %dma_wait3A_31 = arith.constant 0 : i32
    %dma_wait3A_32 = tpu.memref_slice %arg2[%dma_wait3A, %dma_wait3A_31] : memref<10000x128xf32, #tpu.memory_space<hbm>> -> memref<96x128xf32, #tpu.memory_space<hbm>>
    %dma_wait3A_33 = arith.constant 0 : i32
    %dma_wait3A_34 = arith.constant 0 : i32
    %dma_wait3A_35 = tpu.memref_slice %arg2[%dma_wait3A_33, %dma_wait3A_34] : memref<10000x128xf32, #tpu.memory_space<hbm>> -> memref<96x128xf32, #tpu.memory_space<hbm>>
    tpu.wait_dma2 semaphore(%arg12 : memref<!tpu.dma_semaphore, #tpu.memory_space<semaphore_mem>>) src(%dma_wait3A_35 : memref<96x128xf32, #tpu.memory_space<hbm>>) dst(%arg9 : memref<96x128xf32, #tpu.memory_space<vmem>>)
    %run_scoped3A = arith.constant 104 : i32
    "tpu.region"() ({
      %run_scoped3A_43 = tpu.sem_alloc : memref<!tpu.dma_semaphore, #tpu.memory_space<semaphore_mem>>
      %dma_start3A_44 = arith.constant 0 : i32
      %dma_start3A_45 = tpu.memref_slice %arg8[%run_scoped3A, %dma_start3A_44] : memref<105x96xi32, #tpu.memory_space<vmem>> -> memref<1x96xi32, #tpu.memory_space<vmem>>
      %dma_start3A_46 = tpu.memref_squeeze %dma_start3A_45 : memref<1x96xi32, #tpu.memory_space<vmem>> -> memref<96xi32, #tpu.memory_space<vmem>>
      %dma_start3A_47 = arith.constant 0 : i32
      %dma_start3A_48 = arith.constant 0 : i32
      %dma_start3A_49 = tpu.memref_slice %arg11[%dma_start3A_47, %dma_start3A_48] : memref<10240x128xf32, #tpu.memory_space<vmem_shared>> -> memref<10240x128xf32, #tpu.memory_space<vmem_shared>>
      tpu.enqueue_indirect_dma source(%arg9 : memref<96x128xf32, #tpu.memory_space<vmem>>) target(%dma_start3A_49 : memref<10240x128xf32, #tpu.memory_space<vmem_shared>>) offsets(%dma_start3A_46 : memref<96xi32, #tpu.memory_space<vmem>>) semaphore(%run_scoped3A_43 : memref<!tpu.dma_semaphore, #tpu.memory_space<semaphore_mem>>) {add = true}
      %dma_wait3A_50 = arith.constant 0 : i32
      %dma_wait3A_51 = tpu.memref_slice %arg8[%run_scoped3A, %dma_wait3A_50] : memref<105x96xi32, #tpu.memory_space<vmem>> -> memref<1x96xi32, #tpu.memory_space<vmem>>
      %dma_wait3A_52 = tpu.memref_squeeze %dma_wait3A_51 : memref<1x96xi32, #tpu.memory_space<vmem>> -> memref<96xi32, #tpu.memory_space<vmem>>
      %dma_wait3A_53 = arith.constant 0 : i32
      %dma_wait3A_54 = arith.constant 0 : i32
      %dma_wait3A_55 = tpu.memref_slice %arg11[%dma_wait3A_53, %dma_wait3A_54] : memref<10240x128xf32, #tpu.memory_space<vmem_shared>> -> memref<10240x128xf32, #tpu.memory_space<vmem_shared>>
      tpu.wait_indirect_dma semaphore(%run_scoped3A_43 : memref<!tpu.dma_semaphore, #tpu.memory_space<semaphore_mem>>) src(%arg9 : memref<96x128xf32, #tpu.memory_space<vmem>>) dst(%dma_wait3A_55 : memref<10240x128xf32, #tpu.memory_space<vmem_shared>>)
      tpu.yield
    }) : () -> ()
    %barrier3A_36 = arith.constant 0 : index
    tpu.barrier barrier_id(%barrier3A_36)
    %lt3A = arith.constant 15 : i32
    %lt3A_37 = arith.cmpi slt, %arg1, %lt3A : i32
    %convert_element_type3A = arith.extui %lt3A_37 : i1 to i32
    %cond3A = arith.constant 0 : i32
    %cond3A_38 = arith.cmpi ne, %convert_element_type3A, %cond3A : i32
    scf.if %cond3A_38 {
      "tpu.region"() ({
        %run_scoped3A_43 = tpu.sem_alloc : memref<!tpu.dma_semaphore, #tpu.memory_space<semaphore_mem>>
        %dma_start3A_44 = arith.constant 0 : i32
        %dma_start3A_45 = tpu.memref_slice %arg6[%arg0, %mul3A_2, %dma_start3A_44] : memref<2x10000x128xf32, #tpu.memory_space<hbm>> -> memref<1x640x128xf32, #tpu.memory_space<hbm>>
        %dma_start3A_46 = tpu.memref_squeeze %dma_start3A_45 : memref<1x640x128xf32, #tpu.memory_space<hbm>> -> memref<640x128xf32, #tpu.memory_space<hbm>>
        %dma_start3A_47 = arith.constant 0 : i32
        %dma_start3A_48 = tpu.memref_slice %arg11[%mul3A_2, %dma_start3A_47] : memref<10240x128xf32, #tpu.memory_space<vmem_shared>> -> memref<640x128xf32, #tpu.memory_space<vmem_shared>>
        tpu.enqueue_dma source(%dma_start3A_48 : memref<640x128xf32, #tpu.memory_space<vmem_shared>>) target(%dma_start3A_46 : memref<640x128xf32, #tpu.memory_space<hbm>>) target_semaphore(%run_scoped3A_43 : memref<!tpu.dma_semaphore, #tpu.memory_space<semaphore_mem>>)
        %dma_wait3A_49 = arith.constant 0 : i32
        %dma_wait3A_50 = tpu.memref_slice %arg6[%arg0, %mul3A_2, %dma_wait3A_49] : memref<2x10000x128xf32, #tpu.memory_space<hbm>> -> memref<1x640x128xf32, #tpu.memory_space<hbm>>
        %dma_wait3A_51 = tpu.memref_squeeze %dma_wait3A_50 : memref<1x640x128xf32, #tpu.memory_space<hbm>> -> memref<640x128xf32, #tpu.memory_space<hbm>>
        %dma_wait3A_52 = arith.constant 0 : i32
        %dma_wait3A_53 = tpu.memref_slice %arg11[%mul3A_2, %dma_wait3A_52] : memref<10240x128xf32, #tpu.memory_space<vmem_shared>> -> memref<640x128xf32, #tpu.memory_space<vmem_shared>>
        tpu.wait_dma2 semaphore(%run_scoped3A_43 : memref<!tpu.dma_semaphore, #tpu.memory_space<semaphore_mem>>) src(%dma_wait3A_53 : memref<640x128xf32, #tpu.memory_space<vmem_shared>>) dst(%dma_wait3A_51 : memref<640x128xf32, #tpu.memory_space<hbm>>)
        tpu.yield
      }) : () -> ()
    } else {
    }
    %eq3A = arith.constant 15 : i32
    %eq3A_39 = arith.cmpi eq, %arg1, %eq3A : i32
    %convert_element_type3A_40 = arith.extui %eq3A_39 : i1 to i32
    %cond3A_41 = arith.constant 0 : i32
    %cond3A_42 = arith.cmpi ne, %convert_element_type3A_40, %cond3A_41 : i32
    scf.if %cond3A_42 {
      "tpu.region"() ({
        %run_scoped3A_43 = tpu.sem_alloc : memref<!tpu.dma_semaphore, #tpu.memory_space<semaphore_mem>>
        %dma_start3A_44 = arith.constant 0 : i32
        %dma_start3A_45 = tpu.memref_slice %arg6[%arg0, %mul3A_2, %dma_start3A_44] : memref<2x10000x128xf32, #tpu.memory_space<hbm>> -> memref<1x400x128xf32, #tpu.memory_space<hbm>>
        %dma_start3A_46 = tpu.memref_squeeze %dma_start3A_45 : memref<1x400x128xf32, #tpu.memory_space<hbm>> -> memref<400x128xf32, #tpu.memory_space<hbm>>
        %dma_start3A_47 = arith.constant 0 : i32
        %dma_start3A_48 = tpu.memref_slice %arg11[%mul3A_2, %dma_start3A_47] : memref<10240x128xf32, #tpu.memory_space<vmem_shared>> -> memref<400x128xf32, #tpu.memory_space<vmem_shared>>
        tpu.enqueue_dma source(%dma_start3A_48 : memref<400x128xf32, #tpu.memory_space<vmem_shared>>) target(%dma_start3A_46 : memref<400x128xf32, #tpu.memory_space<hbm>>) target_semaphore(%run_scoped3A_43 : memref<!tpu.dma_semaphore, #tpu.memory_space<semaphore_mem>>)
        %dma_wait3A_49 = arith.constant 0 : i32
        %dma_wait3A_50 = tpu.memref_slice %arg6[%arg0, %mul3A_2, %dma_wait3A_49] : memref<2x10000x128xf32, #tpu.memory_space<hbm>> -> memref<1x400x128xf32, #tpu.memory_space<hbm>>
        %dma_wait3A_51 = tpu.memref_squeeze %dma_wait3A_50 : memref<1x400x128xf32, #tpu.memory_space<hbm>> -> memref<400x128xf32, #tpu.memory_space<hbm>>
        %dma_wait3A_52 = arith.constant 0 : i32
        %dma_wait3A_53 = tpu.memref_slice %arg11[%mul3A_2, %dma_wait3A_52] : memref<10240x128xf32, #tpu.memory_space<vmem_shared>> -> memref<400x128xf32, #tpu.memory_space<vmem_shared>>
        tpu.wait_dma2 semaphore(%run_scoped3A_43 : memref<!tpu.dma_semaphore, #tpu.memory_space<semaphore_mem>>) src(%dma_wait3A_53 : memref<400x128xf32, #tpu.memory_space<vmem_shared>>) dst(%dma_wait3A_51 : memref<400x128xf32, #tpu.memory_space<hbm>>)
        tpu.yield
      }) : () -> ()
    } else {
    }
    return
  }
}

#map = affine_map<(d0, d1) -> (0, 0, 0)>
#map1 = affine_map<(d0, d1) -> (0, 0)>
module attributes {stable_mosaic.version = 14 : i64} {
  func.func @k(%arg0: i32, %arg1: i32, %arg2: memref<32x79x128xi32, #tpu.memory_space<hbm>>, %arg3: memref<128x128xf32, #tpu.memory_space<hbm>>, %arg4: memref<64x128xf32, #tpu.memory_space<hbm>>, %arg5: memref<2x10000x128xf32, #tpu.memory_space<hbm>>, %arg6: memref<79x128xi32, #tpu.memory_space<vmem>>, %arg7: memref<128x128xf32, #tpu.memory_space<vmem>>, %arg8: memref<10240x128xf32, #tpu.memory_space<vmem_shared>>) attributes {dimension_semantics = [#tpu.dimension_semantics<core_parallel>, #tpu.dimension_semantics<subcore_parallel>], iteration_bounds = array<i64: 2, 16>, scalar_prefetch = 0 : i64, scratch_operands = 3 : i64, tpu.core_type = #tpu.core_type<sc_vector_subcore>, window_params = [{transform_indices = #map}, {transform_indices = #map1}, {transform_indices = #map1}, {transform_indices = #map}]} {
    %mul3A = arith.constant 2 : i32
    %mul3A_0 = arith.muli %arg1, %mul3A : i32
    %add3A = arith.addi %mul3A_0, %arg0 : i32
    %mul3A_1 = arith.constant 640 : i32
    %mul3A_2 = arith.muli %arg1, %mul3A_1 : i32
    "tpu.region"() ({
      %run_scoped3A = tpu.sem_alloc : memref<!tpu.dma_semaphore, #tpu.memory_space<semaphore_mem>>
      %dma_start3A = arith.constant 0 : i32
      %dma_start3A_35 = arith.constant 0 : i32
      %dma_start3A_36 = tpu.memref_slice %arg7[%dma_start3A, %dma_start3A_35] : memref<128x128xf32, #tpu.memory_space<vmem>> -> memref<64x128xf32, #tpu.memory_space<vmem>>
      %dma_start3A_37 = arith.constant 0 : i32
      %dma_start3A_38 = arith.constant 0 : i32
      %dma_start3A_39 = tpu.memref_slice %arg7[%dma_start3A_37, %dma_start3A_38] : memref<128x128xf32, #tpu.memory_space<vmem>> -> memref<64x128xf32, #tpu.memory_space<vmem>>
      tpu.enqueue_dma source(%arg4 : memref<64x128xf32, #tpu.memory_space<hbm>>) target(%dma_start3A_39 : memref<64x128xf32, #tpu.memory_space<vmem>>) target_semaphore(%run_scoped3A : memref<!tpu.dma_semaphore, #tpu.memory_space<semaphore_mem>>)
      %dma_wait3A = arith.constant 0 : i32
      %dma_wait3A_40 = arith.constant 0 : i32
      %dma_wait3A_41 = tpu.memref_slice %arg7[%dma_wait3A, %dma_wait3A_40] : memref<128x128xf32, #tpu.memory_space<vmem>> -> memref<64x128xf32, #tpu.memory_space<vmem>>
      %dma_wait3A_42 = arith.constant 0 : i32
      %dma_wait3A_43 = arith.constant 0 : i32
      %dma_wait3A_44 = tpu.memref_slice %arg7[%dma_wait3A_42, %dma_wait3A_43] : memref<128x128xf32, #tpu.memory_space<vmem>> -> memref<64x128xf32, #tpu.memory_space<vmem>>
      tpu.wait_dma2 semaphore(%run_scoped3A : memref<!tpu.dma_semaphore, #tpu.memory_space<semaphore_mem>>) src(%arg4 : memref<64x128xf32, #tpu.memory_space<hbm>>) dst(%dma_wait3A_44 : memref<64x128xf32, #tpu.memory_space<vmem>>)
      tpu.yield
    }) : () -> ()
    %add3A_3 = arith.constant 0 : i32
    %add3A_4 = arith.addi %mul3A_2, %add3A_3 : i32
    "tpu.region"() ({
      %run_scoped3A = tpu.sem_alloc : memref<!tpu.dma_semaphore, #tpu.memory_space<semaphore_mem>>
      %dma_start3A = arith.constant 0 : i32
      %dma_start3A_35 = arith.constant 0 : i32
      %dma_start3A_36 = tpu.memref_slice %arg7[%dma_start3A, %dma_start3A_35] : memref<128x128xf32, #tpu.memory_space<vmem>> -> memref<64x128xf32, #tpu.memory_space<vmem>>
      %dma_start3A_37 = arith.constant 0 : i32
      %dma_start3A_38 = tpu.memref_slice %arg8[%add3A_4, %dma_start3A_37] : memref<10240x128xf32, #tpu.memory_space<vmem_shared>> -> memref<64x128xf32, #tpu.memory_space<vmem_shared>>
      %dma_start3A_39 = arith.constant 0 : i32
      %dma_start3A_40 = tpu.memref_slice %arg8[%add3A_4, %dma_start3A_39] : memref<10240x128xf32, #tpu.memory_space<vmem_shared>> -> memref<64x128xf32, #tpu.memory_space<vmem_shared>>
      %dma_start3A_41 = arith.constant 0 : i32
      %dma_start3A_42 = arith.constant 0 : i32
      %dma_start3A_43 = tpu.memref_slice %arg7[%dma_start3A_41, %dma_start3A_42] : memref<128x128xf32, #tpu.memory_space<vmem>> -> memref<64x128xf32, #tpu.memory_space<vmem>>
      tpu.enqueue_dma source(%dma_start3A_43 : memref<64x128xf32, #tpu.memory_space<vmem>>) target(%dma_start3A_40 : memref<64x128xf32, #tpu.memory_space<vmem_shared>>) target_semaphore(%run_scoped3A : memref<!tpu.dma_semaphore, #tpu.memory_space<semaphore_mem>>)
      %dma_wait3A = arith.constant 0 : i32
      %dma_wait3A_44 = arith.constant 0 : i32
      %dma_wait3A_45 = tpu.memref_slice %arg7[%dma_wait3A, %dma_wait3A_44] : memref<128x128xf32, #tpu.memory_space<vmem>> -> memref<64x128xf32, #tpu.memory_space<vmem>>
      %dma_wait3A_46 = arith.constant 0 : i32
      %dma_wait3A_47 = tpu.memref_slice %arg8[%add3A_4, %dma_wait3A_46] : memref<10240x128xf32, #tpu.memory_space<vmem_shared>> -> memref<64x128xf32, #tpu.memory_space<vmem_shared>>
      %dma_wait3A_48 = arith.constant 0 : i32
      %dma_wait3A_49 = tpu.memref_slice %arg8[%add3A_4, %dma_wait3A_48] : memref<10240x128xf32, #tpu.memory_space<vmem_shared>> -> memref<64x128xf32, #tpu.memory_space<vmem_shared>>
      %dma_wait3A_50 = arith.constant 0 : i32
      %dma_wait3A_51 = arith.constant 0 : i32
      %dma_wait3A_52 = tpu.memref_slice %arg7[%dma_wait3A_50, %dma_wait3A_51] : memref<128x128xf32, #tpu.memory_space<vmem>> -> memref<64x128xf32, #tpu.memory_space<vmem>>
      tpu.wait_dma2 semaphore(%run_scoped3A : memref<!tpu.dma_semaphore, #tpu.memory_space<semaphore_mem>>) src(%dma_wait3A_52 : memref<64x128xf32, #tpu.memory_space<vmem>>) dst(%dma_wait3A_49 : memref<64x128xf32, #tpu.memory_space<vmem_shared>>)
      tpu.yield
    }) : () -> ()
    %add3A_5 = arith.constant 64 : i32
    %add3A_6 = arith.addi %mul3A_2, %add3A_5 : i32
    "tpu.region"() ({
      %run_scoped3A = tpu.sem_alloc : memref<!tpu.dma_semaphore, #tpu.memory_space<semaphore_mem>>
      %dma_start3A = arith.constant 0 : i32
      %dma_start3A_35 = arith.constant 0 : i32
      %dma_start3A_36 = tpu.memref_slice %arg7[%dma_start3A, %dma_start3A_35] : memref<128x128xf32, #tpu.memory_space<vmem>> -> memref<64x128xf32, #tpu.memory_space<vmem>>
      %dma_start3A_37 = arith.constant 0 : i32
      %dma_start3A_38 = tpu.memref_slice %arg8[%add3A_6, %dma_start3A_37] : memref<10240x128xf32, #tpu.memory_space<vmem_shared>> -> memref<64x128xf32, #tpu.memory_space<vmem_shared>>
      %dma_start3A_39 = arith.constant 0 : i32
      %dma_start3A_40 = tpu.memref_slice %arg8[%add3A_6, %dma_start3A_39] : memref<10240x128xf32, #tpu.memory_space<vmem_shared>> -> memref<64x128xf32, #tpu.memory_space<vmem_shared>>
      %dma_start3A_41 = arith.constant 0 : i32
      %dma_start3A_42 = arith.constant 0 : i32
      %dma_start3A_43 = tpu.memref_slice %arg7[%dma_start3A_41, %dma_start3A_42] : memref<128x128xf32, #tpu.memory_space<vmem>> -> memref<64x128xf32, #tpu.memory_space<vmem>>
      tpu.enqueue_dma source(%dma_start3A_43 : memref<64x128xf32, #tpu.memory_space<vmem>>) target(%dma_start3A_40 : memref<64x128xf32, #tpu.memory_space<vmem_shared>>) target_semaphore(%run_scoped3A : memref<!tpu.dma_semaphore, #tpu.memory_space<semaphore_mem>>)
      %dma_wait3A = arith.constant 0 : i32
      %dma_wait3A_44 = arith.constant 0 : i32
      %dma_wait3A_45 = tpu.memref_slice %arg7[%dma_wait3A, %dma_wait3A_44] : memref<128x128xf32, #tpu.memory_space<vmem>> -> memref<64x128xf32, #tpu.memory_space<vmem>>
      %dma_wait3A_46 = arith.constant 0 : i32
      %dma_wait3A_47 = tpu.memref_slice %arg8[%add3A_6, %dma_wait3A_46] : memref<10240x128xf32, #tpu.memory_space<vmem_shared>> -> memref<64x128xf32, #tpu.memory_space<vmem_shared>>
      %dma_wait3A_48 = arith.constant 0 : i32
      %dma_wait3A_49 = tpu.memref_slice %arg8[%add3A_6, %dma_wait3A_48] : memref<10240x128xf32, #tpu.memory_space<vmem_shared>> -> memref<64x128xf32, #tpu.memory_space<vmem_shared>>
      %dma_wait3A_50 = arith.constant 0 : i32
      %dma_wait3A_51 = arith.constant 0 : i32
      %dma_wait3A_52 = tpu.memref_slice %arg7[%dma_wait3A_50, %dma_wait3A_51] : memref<128x128xf32, #tpu.memory_space<vmem>> -> memref<64x128xf32, #tpu.memory_space<vmem>>
      tpu.wait_dma2 semaphore(%run_scoped3A : memref<!tpu.dma_semaphore, #tpu.memory_space<semaphore_mem>>) src(%dma_wait3A_52 : memref<64x128xf32, #tpu.memory_space<vmem>>) dst(%dma_wait3A_49 : memref<64x128xf32, #tpu.memory_space<vmem_shared>>)
      tpu.yield
    }) : () -> ()
    %add3A_7 = arith.constant 128 : i32
    %add3A_8 = arith.addi %mul3A_2, %add3A_7 : i32
    "tpu.region"() ({
      %run_scoped3A = tpu.sem_alloc : memref<!tpu.dma_semaphore, #tpu.memory_space<semaphore_mem>>
      %dma_start3A = arith.constant 0 : i32
      %dma_start3A_35 = arith.constant 0 : i32
      %dma_start3A_36 = tpu.memref_slice %arg7[%dma_start3A, %dma_start3A_35] : memref<128x128xf32, #tpu.memory_space<vmem>> -> memref<64x128xf32, #tpu.memory_space<vmem>>
      %dma_start3A_37 = arith.constant 0 : i32
      %dma_start3A_38 = tpu.memref_slice %arg8[%add3A_8, %dma_start3A_37] : memref<10240x128xf32, #tpu.memory_space<vmem_shared>> -> memref<64x128xf32, #tpu.memory_space<vmem_shared>>
      %dma_start3A_39 = arith.constant 0 : i32
      %dma_start3A_40 = tpu.memref_slice %arg8[%add3A_8, %dma_start3A_39] : memref<10240x128xf32, #tpu.memory_space<vmem_shared>> -> memref<64x128xf32, #tpu.memory_space<vmem_shared>>
      %dma_start3A_41 = arith.constant 0 : i32
      %dma_start3A_42 = arith.constant 0 : i32
      %dma_start3A_43 = tpu.memref_slice %arg7[%dma_start3A_41, %dma_start3A_42] : memref<128x128xf32, #tpu.memory_space<vmem>> -> memref<64x128xf32, #tpu.memory_space<vmem>>
      tpu.enqueue_dma source(%dma_start3A_43 : memref<64x128xf32, #tpu.memory_space<vmem>>) target(%dma_start3A_40 : memref<64x128xf32, #tpu.memory_space<vmem_shared>>) target_semaphore(%run_scoped3A : memref<!tpu.dma_semaphore, #tpu.memory_space<semaphore_mem>>)
      %dma_wait3A = arith.constant 0 : i32
      %dma_wait3A_44 = arith.constant 0 : i32
      %dma_wait3A_45 = tpu.memref_slice %arg7[%dma_wait3A, %dma_wait3A_44] : memref<128x128xf32, #tpu.memory_space<vmem>> -> memref<64x128xf32, #tpu.memory_space<vmem>>
      %dma_wait3A_46 = arith.constant 0 : i32
      %dma_wait3A_47 = tpu.memref_slice %arg8[%add3A_8, %dma_wait3A_46] : memref<10240x128xf32, #tpu.memory_space<vmem_shared>> -> memref<64x128xf32, #tpu.memory_space<vmem_shared>>
      %dma_wait3A_48 = arith.constant 0 : i32
      %dma_wait3A_49 = tpu.memref_slice %arg8[%add3A_8, %dma_wait3A_48] : memref<10240x128xf32, #tpu.memory_space<vmem_shared>> -> memref<64x128xf32, #tpu.memory_space<vmem_shared>>
      %dma_wait3A_50 = arith.constant 0 : i32
      %dma_wait3A_51 = arith.constant 0 : i32
      %dma_wait3A_52 = tpu.memref_slice %arg7[%dma_wait3A_50, %dma_wait3A_51] : memref<128x128xf32, #tpu.memory_space<vmem>> -> memref<64x128xf32, #tpu.memory_space<vmem>>
      tpu.wait_dma2 semaphore(%run_scoped3A : memref<!tpu.dma_semaphore, #tpu.memory_space<semaphore_mem>>) src(%dma_wait3A_52 : memref<64x128xf32, #tpu.memory_space<vmem>>) dst(%dma_wait3A_49 : memref<64x128xf32, #tpu.memory_space<vmem_shared>>)
      tpu.yield
    }) : () -> ()
    %add3A_9 = arith.constant 192 : i32
    %add3A_10 = arith.addi %mul3A_2, %add3A_9 : i32
    "tpu.region"() ({
      %run_scoped3A = tpu.sem_alloc : memref<!tpu.dma_semaphore, #tpu.memory_space<semaphore_mem>>
      %dma_start3A = arith.constant 0 : i32
      %dma_start3A_35 = arith.constant 0 : i32
      %dma_start3A_36 = tpu.memref_slice %arg7[%dma_start3A, %dma_start3A_35] : memref<128x128xf32, #tpu.memory_space<vmem>> -> memref<64x128xf32, #tpu.memory_space<vmem>>
      %dma_start3A_37 = arith.constant 0 : i32
      %dma_start3A_38 = tpu.memref_slice %arg8[%add3A_10, %dma_start3A_37] : memref<10240x128xf32, #tpu.memory_space<vmem_shared>> -> memref<64x128xf32, #tpu.memory_space<vmem_shared>>
      %dma_start3A_39 = arith.constant 0 : i32
      %dma_start3A_40 = tpu.memref_slice %arg8[%add3A_10, %dma_start3A_39] : memref<10240x128xf32, #tpu.memory_space<vmem_shared>> -> memref<64x128xf32, #tpu.memory_space<vmem_shared>>
      %dma_start3A_41 = arith.constant 0 : i32
      %dma_start3A_42 = arith.constant 0 : i32
      %dma_start3A_43 = tpu.memref_slice %arg7[%dma_start3A_41, %dma_start3A_42] : memref<128x128xf32, #tpu.memory_space<vmem>> -> memref<64x128xf32, #tpu.memory_space<vmem>>
      tpu.enqueue_dma source(%dma_start3A_43 : memref<64x128xf32, #tpu.memory_space<vmem>>) target(%dma_start3A_40 : memref<64x128xf32, #tpu.memory_space<vmem_shared>>) target_semaphore(%run_scoped3A : memref<!tpu.dma_semaphore, #tpu.memory_space<semaphore_mem>>)
      %dma_wait3A = arith.constant 0 : i32
      %dma_wait3A_44 = arith.constant 0 : i32
      %dma_wait3A_45 = tpu.memref_slice %arg7[%dma_wait3A, %dma_wait3A_44] : memref<128x128xf32, #tpu.memory_space<vmem>> -> memref<64x128xf32, #tpu.memory_space<vmem>>
      %dma_wait3A_46 = arith.constant 0 : i32
      %dma_wait3A_47 = tpu.memref_slice %arg8[%add3A_10, %dma_wait3A_46] : memref<10240x128xf32, #tpu.memory_space<vmem_shared>> -> memref<64x128xf32, #tpu.memory_space<vmem_shared>>
      %dma_wait3A_48 = arith.constant 0 : i32
      %dma_wait3A_49 = tpu.memref_slice %arg8[%add3A_10, %dma_wait3A_48] : memref<10240x128xf32, #tpu.memory_space<vmem_shared>> -> memref<64x128xf32, #tpu.memory_space<vmem_shared>>
      %dma_wait3A_50 = arith.constant 0 : i32
      %dma_wait3A_51 = arith.constant 0 : i32
      %dma_wait3A_52 = tpu.memref_slice %arg7[%dma_wait3A_50, %dma_wait3A_51] : memref<128x128xf32, #tpu.memory_space<vmem>> -> memref<64x128xf32, #tpu.memory_space<vmem>>
      tpu.wait_dma2 semaphore(%run_scoped3A : memref<!tpu.dma_semaphore, #tpu.memory_space<semaphore_mem>>) src(%dma_wait3A_52 : memref<64x128xf32, #tpu.memory_space<vmem>>) dst(%dma_wait3A_49 : memref<64x128xf32, #tpu.memory_space<vmem_shared>>)
      tpu.yield
    }) : () -> ()
    %add3A_11 = arith.constant 256 : i32
    %add3A_12 = arith.addi %mul3A_2, %add3A_11 : i32
    "tpu.region"() ({
      %run_scoped3A = tpu.sem_alloc : memref<!tpu.dma_semaphore, #tpu.memory_space<semaphore_mem>>
      %dma_start3A = arith.constant 0 : i32
      %dma_start3A_35 = arith.constant 0 : i32
      %dma_start3A_36 = tpu.memref_slice %arg7[%dma_start3A, %dma_start3A_35] : memref<128x128xf32, #tpu.memory_space<vmem>> -> memref<64x128xf32, #tpu.memory_space<vmem>>
      %dma_start3A_37 = arith.constant 0 : i32
      %dma_start3A_38 = tpu.memref_slice %arg8[%add3A_12, %dma_start3A_37] : memref<10240x128xf32, #tpu.memory_space<vmem_shared>> -> memref<64x128xf32, #tpu.memory_space<vmem_shared>>
      %dma_start3A_39 = arith.constant 0 : i32
      %dma_start3A_40 = tpu.memref_slice %arg8[%add3A_12, %dma_start3A_39] : memref<10240x128xf32, #tpu.memory_space<vmem_shared>> -> memref<64x128xf32, #tpu.memory_space<vmem_shared>>
      %dma_start3A_41 = arith.constant 0 : i32
      %dma_start3A_42 = arith.constant 0 : i32
      %dma_start3A_43 = tpu.memref_slice %arg7[%dma_start3A_41, %dma_start3A_42] : memref<128x128xf32, #tpu.memory_space<vmem>> -> memref<64x128xf32, #tpu.memory_space<vmem>>
      tpu.enqueue_dma source(%dma_start3A_43 : memref<64x128xf32, #tpu.memory_space<vmem>>) target(%dma_start3A_40 : memref<64x128xf32, #tpu.memory_space<vmem_shared>>) target_semaphore(%run_scoped3A : memref<!tpu.dma_semaphore, #tpu.memory_space<semaphore_mem>>)
      %dma_wait3A = arith.constant 0 : i32
      %dma_wait3A_44 = arith.constant 0 : i32
      %dma_wait3A_45 = tpu.memref_slice %arg7[%dma_wait3A, %dma_wait3A_44] : memref<128x128xf32, #tpu.memory_space<vmem>> -> memref<64x128xf32, #tpu.memory_space<vmem>>
      %dma_wait3A_46 = arith.constant 0 : i32
      %dma_wait3A_47 = tpu.memref_slice %arg8[%add3A_12, %dma_wait3A_46] : memref<10240x128xf32, #tpu.memory_space<vmem_shared>> -> memref<64x128xf32, #tpu.memory_space<vmem_shared>>
      %dma_wait3A_48 = arith.constant 0 : i32
      %dma_wait3A_49 = tpu.memref_slice %arg8[%add3A_12, %dma_wait3A_48] : memref<10240x128xf32, #tpu.memory_space<vmem_shared>> -> memref<64x128xf32, #tpu.memory_space<vmem_shared>>
      %dma_wait3A_50 = arith.constant 0 : i32
      %dma_wait3A_51 = arith.constant 0 : i32
      %dma_wait3A_52 = tpu.memref_slice %arg7[%dma_wait3A_50, %dma_wait3A_51] : memref<128x128xf32, #tpu.memory_space<vmem>> -> memref<64x128xf32, #tpu.memory_space<vmem>>
      tpu.wait_dma2 semaphore(%run_scoped3A : memref<!tpu.dma_semaphore, #tpu.memory_space<semaphore_mem>>) src(%dma_wait3A_52 : memref<64x128xf32, #tpu.memory_space<vmem>>) dst(%dma_wait3A_49 : memref<64x128xf32, #tpu.memory_space<vmem_shared>>)
      tpu.yield
    }) : () -> ()
    %add3A_13 = arith.constant 320 : i32
    %add3A_14 = arith.addi %mul3A_2, %add3A_13 : i32
    "tpu.region"() ({
      %run_scoped3A = tpu.sem_alloc : memref<!tpu.dma_semaphore, #tpu.memory_space<semaphore_mem>>
      %dma_start3A = arith.constant 0 : i32
      %dma_start3A_35 = arith.constant 0 : i32
      %dma_start3A_36 = tpu.memref_slice %arg7[%dma_start3A, %dma_start3A_35] : memref<128x128xf32, #tpu.memory_space<vmem>> -> memref<64x128xf32, #tpu.memory_space<vmem>>
      %dma_start3A_37 = arith.constant 0 : i32
      %dma_start3A_38 = tpu.memref_slice %arg8[%add3A_14, %dma_start3A_37] : memref<10240x128xf32, #tpu.memory_space<vmem_shared>> -> memref<64x128xf32, #tpu.memory_space<vmem_shared>>
      %dma_start3A_39 = arith.constant 0 : i32
      %dma_start3A_40 = tpu.memref_slice %arg8[%add3A_14, %dma_start3A_39] : memref<10240x128xf32, #tpu.memory_space<vmem_shared>> -> memref<64x128xf32, #tpu.memory_space<vmem_shared>>
      %dma_start3A_41 = arith.constant 0 : i32
      %dma_start3A_42 = arith.constant 0 : i32
      %dma_start3A_43 = tpu.memref_slice %arg7[%dma_start3A_41, %dma_start3A_42] : memref<128x128xf32, #tpu.memory_space<vmem>> -> memref<64x128xf32, #tpu.memory_space<vmem>>
      tpu.enqueue_dma source(%dma_start3A_43 : memref<64x128xf32, #tpu.memory_space<vmem>>) target(%dma_start3A_40 : memref<64x128xf32, #tpu.memory_space<vmem_shared>>) target_semaphore(%run_scoped3A : memref<!tpu.dma_semaphore, #tpu.memory_space<semaphore_mem>>)
      %dma_wait3A = arith.constant 0 : i32
      %dma_wait3A_44 = arith.constant 0 : i32
      %dma_wait3A_45 = tpu.memref_slice %arg7[%dma_wait3A, %dma_wait3A_44] : memref<128x128xf32, #tpu.memory_space<vmem>> -> memref<64x128xf32, #tpu.memory_space<vmem>>
      %dma_wait3A_46 = arith.constant 0 : i32
      %dma_wait3A_47 = tpu.memref_slice %arg8[%add3A_14, %dma_wait3A_46] : memref<10240x128xf32, #tpu.memory_space<vmem_shared>> -> memref<64x128xf32, #tpu.memory_space<vmem_shared>>
      %dma_wait3A_48 = arith.constant 0 : i32
      %dma_wait3A_49 = tpu.memref_slice %arg8[%add3A_14, %dma_wait3A_48] : memref<10240x128xf32, #tpu.memory_space<vmem_shared>> -> memref<64x128xf32, #tpu.memory_space<vmem_shared>>
      %dma_wait3A_50 = arith.constant 0 : i32
      %dma_wait3A_51 = arith.constant 0 : i32
      %dma_wait3A_52 = tpu.memref_slice %arg7[%dma_wait3A_50, %dma_wait3A_51] : memref<128x128xf32, #tpu.memory_space<vmem>> -> memref<64x128xf32, #tpu.memory_space<vmem>>
      tpu.wait_dma2 semaphore(%run_scoped3A : memref<!tpu.dma_semaphore, #tpu.memory_space<semaphore_mem>>) src(%dma_wait3A_52 : memref<64x128xf32, #tpu.memory_space<vmem>>) dst(%dma_wait3A_49 : memref<64x128xf32, #tpu.memory_space<vmem_shared>>)
      tpu.yield
    }) : () -> ()
    %add3A_15 = arith.constant 384 : i32
    %add3A_16 = arith.addi %mul3A_2, %add3A_15 : i32
    "tpu.region"() ({
      %run_scoped3A = tpu.sem_alloc : memref<!tpu.dma_semaphore, #tpu.memory_space<semaphore_mem>>
      %dma_start3A = arith.constant 0 : i32
      %dma_start3A_35 = arith.constant 0 : i32
      %dma_start3A_36 = tpu.memref_slice %arg7[%dma_start3A, %dma_start3A_35] : memref<128x128xf32, #tpu.memory_space<vmem>> -> memref<64x128xf32, #tpu.memory_space<vmem>>
      %dma_start3A_37 = arith.constant 0 : i32
      %dma_start3A_38 = tpu.memref_slice %arg8[%add3A_16, %dma_start3A_37] : memref<10240x128xf32, #tpu.memory_space<vmem_shared>> -> memref<64x128xf32, #tpu.memory_space<vmem_shared>>
      %dma_start3A_39 = arith.constant 0 : i32
      %dma_start3A_40 = tpu.memref_slice %arg8[%add3A_16, %dma_start3A_39] : memref<10240x128xf32, #tpu.memory_space<vmem_shared>> -> memref<64x128xf32, #tpu.memory_space<vmem_shared>>
      %dma_start3A_41 = arith.constant 0 : i32
      %dma_start3A_42 = arith.constant 0 : i32
      %dma_start3A_43 = tpu.memref_slice %arg7[%dma_start3A_41, %dma_start3A_42] : memref<128x128xf32, #tpu.memory_space<vmem>> -> memref<64x128xf32, #tpu.memory_space<vmem>>
      tpu.enqueue_dma source(%dma_start3A_43 : memref<64x128xf32, #tpu.memory_space<vmem>>) target(%dma_start3A_40 : memref<64x128xf32, #tpu.memory_space<vmem_shared>>) target_semaphore(%run_scoped3A : memref<!tpu.dma_semaphore, #tpu.memory_space<semaphore_mem>>)
      %dma_wait3A = arith.constant 0 : i32
      %dma_wait3A_44 = arith.constant 0 : i32
      %dma_wait3A_45 = tpu.memref_slice %arg7[%dma_wait3A, %dma_wait3A_44] : memref<128x128xf32, #tpu.memory_space<vmem>> -> memref<64x128xf32, #tpu.memory_space<vmem>>
      %dma_wait3A_46 = arith.constant 0 : i32
      %dma_wait3A_47 = tpu.memref_slice %arg8[%add3A_16, %dma_wait3A_46] : memref<10240x128xf32, #tpu.memory_space<vmem_shared>> -> memref<64x128xf32, #tpu.memory_space<vmem_shared>>
      %dma_wait3A_48 = arith.constant 0 : i32
      %dma_wait3A_49 = tpu.memref_slice %arg8[%add3A_16, %dma_wait3A_48] : memref<10240x128xf32, #tpu.memory_space<vmem_shared>> -> memref<64x128xf32, #tpu.memory_space<vmem_shared>>
      %dma_wait3A_50 = arith.constant 0 : i32
      %dma_wait3A_51 = arith.constant 0 : i32
      %dma_wait3A_52 = tpu.memref_slice %arg7[%dma_wait3A_50, %dma_wait3A_51] : memref<128x128xf32, #tpu.memory_space<vmem>> -> memref<64x128xf32, #tpu.memory_space<vmem>>
      tpu.wait_dma2 semaphore(%run_scoped3A : memref<!tpu.dma_semaphore, #tpu.memory_space<semaphore_mem>>) src(%dma_wait3A_52 : memref<64x128xf32, #tpu.memory_space<vmem>>) dst(%dma_wait3A_49 : memref<64x128xf32, #tpu.memory_space<vmem_shared>>)
      tpu.yield
    }) : () -> ()
    %add3A_17 = arith.constant 448 : i32
    %add3A_18 = arith.addi %mul3A_2, %add3A_17 : i32
    "tpu.region"() ({
      %run_scoped3A = tpu.sem_alloc : memref<!tpu.dma_semaphore, #tpu.memory_space<semaphore_mem>>
      %dma_start3A = arith.constant 0 : i32
      %dma_start3A_35 = arith.constant 0 : i32
      %dma_start3A_36 = tpu.memref_slice %arg7[%dma_start3A, %dma_start3A_35] : memref<128x128xf32, #tpu.memory_space<vmem>> -> memref<64x128xf32, #tpu.memory_space<vmem>>
      %dma_start3A_37 = arith.constant 0 : i32
      %dma_start3A_38 = tpu.memref_slice %arg8[%add3A_18, %dma_start3A_37] : memref<10240x128xf32, #tpu.memory_space<vmem_shared>> -> memref<64x128xf32, #tpu.memory_space<vmem_shared>>
      %dma_start3A_39 = arith.constant 0 : i32
      %dma_start3A_40 = tpu.memref_slice %arg8[%add3A_18, %dma_start3A_39] : memref<10240x128xf32, #tpu.memory_space<vmem_shared>> -> memref<64x128xf32, #tpu.memory_space<vmem_shared>>
      %dma_start3A_41 = arith.constant 0 : i32
      %dma_start3A_42 = arith.constant 0 : i32
      %dma_start3A_43 = tpu.memref_slice %arg7[%dma_start3A_41, %dma_start3A_42] : memref<128x128xf32, #tpu.memory_space<vmem>> -> memref<64x128xf32, #tpu.memory_space<vmem>>
      tpu.enqueue_dma source(%dma_start3A_43 : memref<64x128xf32, #tpu.memory_space<vmem>>) target(%dma_start3A_40 : memref<64x128xf32, #tpu.memory_space<vmem_shared>>) target_semaphore(%run_scoped3A : memref<!tpu.dma_semaphore, #tpu.memory_space<semaphore_mem>>)
      %dma_wait3A = arith.constant 0 : i32
      %dma_wait3A_44 = arith.constant 0 : i32
      %dma_wait3A_45 = tpu.memref_slice %arg7[%dma_wait3A, %dma_wait3A_44] : memref<128x128xf32, #tpu.memory_space<vmem>> -> memref<64x128xf32, #tpu.memory_space<vmem>>
      %dma_wait3A_46 = arith.constant 0 : i32
      %dma_wait3A_47 = tpu.memref_slice %arg8[%add3A_18, %dma_wait3A_46] : memref<10240x128xf32, #tpu.memory_space<vmem_shared>> -> memref<64x128xf32, #tpu.memory_space<vmem_shared>>
      %dma_wait3A_48 = arith.constant 0 : i32
      %dma_wait3A_49 = tpu.memref_slice %arg8[%add3A_18, %dma_wait3A_48] : memref<10240x128xf32, #tpu.memory_space<vmem_shared>> -> memref<64x128xf32, #tpu.memory_space<vmem_shared>>
      %dma_wait3A_50 = arith.constant 0 : i32
      %dma_wait3A_51 = arith.constant 0 : i32
      %dma_wait3A_52 = tpu.memref_slice %arg7[%dma_wait3A_50, %dma_wait3A_51] : memref<128x128xf32, #tpu.memory_space<vmem>> -> memref<64x128xf32, #tpu.memory_space<vmem>>
      tpu.wait_dma2 semaphore(%run_scoped3A : memref<!tpu.dma_semaphore, #tpu.memory_space<semaphore_mem>>) src(%dma_wait3A_52 : memref<64x128xf32, #tpu.memory_space<vmem>>) dst(%dma_wait3A_49 : memref<64x128xf32, #tpu.memory_space<vmem_shared>>)
      tpu.yield
    }) : () -> ()
    %add3A_19 = arith.constant 512 : i32
    %add3A_20 = arith.addi %mul3A_2, %add3A_19 : i32
    "tpu.region"() ({
      %run_scoped3A = tpu.sem_alloc : memref<!tpu.dma_semaphore, #tpu.memory_space<semaphore_mem>>
      %dma_start3A = arith.constant 0 : i32
      %dma_start3A_35 = arith.constant 0 : i32
      %dma_start3A_36 = tpu.memref_slice %arg7[%dma_start3A, %dma_start3A_35] : memref<128x128xf32, #tpu.memory_space<vmem>> -> memref<64x128xf32, #tpu.memory_space<vmem>>
      %dma_start3A_37 = arith.constant 0 : i32
      %dma_start3A_38 = tpu.memref_slice %arg8[%add3A_20, %dma_start3A_37] : memref<10240x128xf32, #tpu.memory_space<vmem_shared>> -> memref<64x128xf32, #tpu.memory_space<vmem_shared>>
      %dma_start3A_39 = arith.constant 0 : i32
      %dma_start3A_40 = tpu.memref_slice %arg8[%add3A_20, %dma_start3A_39] : memref<10240x128xf32, #tpu.memory_space<vmem_shared>> -> memref<64x128xf32, #tpu.memory_space<vmem_shared>>
      %dma_start3A_41 = arith.constant 0 : i32
      %dma_start3A_42 = arith.constant 0 : i32
      %dma_start3A_43 = tpu.memref_slice %arg7[%dma_start3A_41, %dma_start3A_42] : memref<128x128xf32, #tpu.memory_space<vmem>> -> memref<64x128xf32, #tpu.memory_space<vmem>>
      tpu.enqueue_dma source(%dma_start3A_43 : memref<64x128xf32, #tpu.memory_space<vmem>>) target(%dma_start3A_40 : memref<64x128xf32, #tpu.memory_space<vmem_shared>>) target_semaphore(%run_scoped3A : memref<!tpu.dma_semaphore, #tpu.memory_space<semaphore_mem>>)
      %dma_wait3A = arith.constant 0 : i32
      %dma_wait3A_44 = arith.constant 0 : i32
      %dma_wait3A_45 = tpu.memref_slice %arg7[%dma_wait3A, %dma_wait3A_44] : memref<128x128xf32, #tpu.memory_space<vmem>> -> memref<64x128xf32, #tpu.memory_space<vmem>>
      %dma_wait3A_46 = arith.constant 0 : i32
      %dma_wait3A_47 = tpu.memref_slice %arg8[%add3A_20, %dma_wait3A_46] : memref<10240x128xf32, #tpu.memory_space<vmem_shared>> -> memref<64x128xf32, #tpu.memory_space<vmem_shared>>
      %dma_wait3A_48 = arith.constant 0 : i32
      %dma_wait3A_49 = tpu.memref_slice %arg8[%add3A_20, %dma_wait3A_48] : memref<10240x128xf32, #tpu.memory_space<vmem_shared>> -> memref<64x128xf32, #tpu.memory_space<vmem_shared>>
      %dma_wait3A_50 = arith.constant 0 : i32
      %dma_wait3A_51 = arith.constant 0 : i32
      %dma_wait3A_52 = tpu.memref_slice %arg7[%dma_wait3A_50, %dma_wait3A_51] : memref<128x128xf32, #tpu.memory_space<vmem>> -> memref<64x128xf32, #tpu.memory_space<vmem>>
      tpu.wait_dma2 semaphore(%run_scoped3A : memref<!tpu.dma_semaphore, #tpu.memory_space<semaphore_mem>>) src(%dma_wait3A_52 : memref<64x128xf32, #tpu.memory_space<vmem>>) dst(%dma_wait3A_49 : memref<64x128xf32, #tpu.memory_space<vmem_shared>>)
      tpu.yield
    }) : () -> ()
    %add3A_21 = arith.constant 576 : i32
    %add3A_22 = arith.addi %mul3A_2, %add3A_21 : i32
    "tpu.region"() ({
      %run_scoped3A = tpu.sem_alloc : memref<!tpu.dma_semaphore, #tpu.memory_space<semaphore_mem>>
      %dma_start3A = arith.constant 0 : i32
      %dma_start3A_35 = arith.constant 0 : i32
      %dma_start3A_36 = tpu.memref_slice %arg7[%dma_start3A, %dma_start3A_35] : memref<128x128xf32, #tpu.memory_space<vmem>> -> memref<64x128xf32, #tpu.memory_space<vmem>>
      %dma_start3A_37 = arith.constant 0 : i32
      %dma_start3A_38 = tpu.memref_slice %arg8[%add3A_22, %dma_start3A_37] : memref<10240x128xf32, #tpu.memory_space<vmem_shared>> -> memref<64x128xf32, #tpu.memory_space<vmem_shared>>
      %dma_start3A_39 = arith.constant 0 : i32
      %dma_start3A_40 = tpu.memref_slice %arg8[%add3A_22, %dma_start3A_39] : memref<10240x128xf32, #tpu.memory_space<vmem_shared>> -> memref<64x128xf32, #tpu.memory_space<vmem_shared>>
      %dma_start3A_41 = arith.constant 0 : i32
      %dma_start3A_42 = arith.constant 0 : i32
      %dma_start3A_43 = tpu.memref_slice %arg7[%dma_start3A_41, %dma_start3A_42] : memref<128x128xf32, #tpu.memory_space<vmem>> -> memref<64x128xf32, #tpu.memory_space<vmem>>
      tpu.enqueue_dma source(%dma_start3A_43 : memref<64x128xf32, #tpu.memory_space<vmem>>) target(%dma_start3A_40 : memref<64x128xf32, #tpu.memory_space<vmem_shared>>) target_semaphore(%run_scoped3A : memref<!tpu.dma_semaphore, #tpu.memory_space<semaphore_mem>>)
      %dma_wait3A = arith.constant 0 : i32
      %dma_wait3A_44 = arith.constant 0 : i32
      %dma_wait3A_45 = tpu.memref_slice %arg7[%dma_wait3A, %dma_wait3A_44] : memref<128x128xf32, #tpu.memory_space<vmem>> -> memref<64x128xf32, #tpu.memory_space<vmem>>
      %dma_wait3A_46 = arith.constant 0 : i32
      %dma_wait3A_47 = tpu.memref_slice %arg8[%add3A_22, %dma_wait3A_46] : memref<10240x128xf32, #tpu.memory_space<vmem_shared>> -> memref<64x128xf32, #tpu.memory_space<vmem_shared>>
      %dma_wait3A_48 = arith.constant 0 : i32
      %dma_wait3A_49 = tpu.memref_slice %arg8[%add3A_22, %dma_wait3A_48] : memref<10240x128xf32, #tpu.memory_space<vmem_shared>> -> memref<64x128xf32, #tpu.memory_space<vmem_shared>>
      %dma_wait3A_50 = arith.constant 0 : i32
      %dma_wait3A_51 = arith.constant 0 : i32
      %dma_wait3A_52 = tpu.memref_slice %arg7[%dma_wait3A_50, %dma_wait3A_51] : memref<128x128xf32, #tpu.memory_space<vmem>> -> memref<64x128xf32, #tpu.memory_space<vmem>>
      tpu.wait_dma2 semaphore(%run_scoped3A : memref<!tpu.dma_semaphore, #tpu.memory_space<semaphore_mem>>) src(%dma_wait3A_52 : memref<64x128xf32, #tpu.memory_space<vmem>>) dst(%dma_wait3A_49 : memref<64x128xf32, #tpu.memory_space<vmem_shared>>)
      tpu.yield
    }) : () -> ()
    "tpu.region"() ({
      %run_scoped3A = tpu.sem_alloc : memref<!tpu.dma_semaphore, #tpu.memory_space<semaphore_mem>>
      tpu.enqueue_dma source(%arg3 : memref<128x128xf32, #tpu.memory_space<hbm>>) target(%arg7 : memref<128x128xf32, #tpu.memory_space<vmem>>) target_semaphore(%run_scoped3A : memref<!tpu.dma_semaphore, #tpu.memory_space<semaphore_mem>>)
      tpu.wait_dma2 semaphore(%run_scoped3A : memref<!tpu.dma_semaphore, #tpu.memory_space<semaphore_mem>>) src(%arg3 : memref<128x128xf32, #tpu.memory_space<hbm>>) dst(%arg7 : memref<128x128xf32, #tpu.memory_space<vmem>>)
      tpu.yield
    }) : () -> ()
    "tpu.region"() ({
      %run_scoped3A = tpu.sem_alloc : memref<!tpu.dma_semaphore, #tpu.memory_space<semaphore_mem>>
      %dma_start3A = arith.constant 0 : i32
      %dma_start3A_35 = arith.constant 0 : i32
      %dma_start3A_36 = tpu.memref_slice %arg2[%add3A, %dma_start3A, %dma_start3A_35] : memref<32x79x128xi32, #tpu.memory_space<hbm>> -> memref<1x79x128xi32, #tpu.memory_space<hbm>>
      %dma_start3A_37 = tpu.memref_squeeze %dma_start3A_36 : memref<1x79x128xi32, #tpu.memory_space<hbm>> -> memref<79x128xi32, #tpu.memory_space<hbm>>
      %dma_start3A_38 = arith.constant 0 : i32
      %dma_start3A_39 = arith.constant 0 : i32
      %dma_start3A_40 = tpu.memref_slice %arg2[%add3A, %dma_start3A_38, %dma_start3A_39] : memref<32x79x128xi32, #tpu.memory_space<hbm>> -> memref<1x79x128xi32, #tpu.memory_space<hbm>>
      %dma_start3A_41 = tpu.memref_squeeze %dma_start3A_40 : memref<1x79x128xi32, #tpu.memory_space<hbm>> -> memref<79x128xi32, #tpu.memory_space<hbm>>
      tpu.enqueue_dma source(%dma_start3A_41 : memref<79x128xi32, #tpu.memory_space<hbm>>) target(%arg6 : memref<79x128xi32, #tpu.memory_space<vmem>>) target_semaphore(%run_scoped3A : memref<!tpu.dma_semaphore, #tpu.memory_space<semaphore_mem>>)
      %dma_wait3A = arith.constant 0 : i32
      %dma_wait3A_42 = arith.constant 0 : i32
      %dma_wait3A_43 = tpu.memref_slice %arg2[%add3A, %dma_wait3A, %dma_wait3A_42] : memref<32x79x128xi32, #tpu.memory_space<hbm>> -> memref<1x79x128xi32, #tpu.memory_space<hbm>>
      %dma_wait3A_44 = tpu.memref_squeeze %dma_wait3A_43 : memref<1x79x128xi32, #tpu.memory_space<hbm>> -> memref<79x128xi32, #tpu.memory_space<hbm>>
      %dma_wait3A_45 = arith.constant 0 : i32
      %dma_wait3A_46 = arith.constant 0 : i32
      %dma_wait3A_47 = tpu.memref_slice %arg2[%add3A, %dma_wait3A_45, %dma_wait3A_46] : memref<32x79x128xi32, #tpu.memory_space<hbm>> -> memref<1x79x128xi32, #tpu.memory_space<hbm>>
      %dma_wait3A_48 = tpu.memref_squeeze %dma_wait3A_47 : memref<1x79x128xi32, #tpu.memory_space<hbm>> -> memref<79x128xi32, #tpu.memory_space<hbm>>
      tpu.wait_dma2 semaphore(%run_scoped3A : memref<!tpu.dma_semaphore, #tpu.memory_space<semaphore_mem>>) src(%dma_wait3A_48 : memref<79x128xi32, #tpu.memory_space<hbm>>) dst(%arg6 : memref<79x128xi32, #tpu.memory_space<vmem>>)
      tpu.yield
    }) : () -> ()
    %barrier3A = arith.constant 0 : index
    tpu.barrier barrier_id(%barrier3A)
    %scan3A = arith.constant 0 : i32
    %scan3A_23 = arith.constant 0 : i32
    %scan3A_24 = arith.constant 79 : i32
    %scan3A_25 = arith.addi %scan3A_23, %scan3A_24 : i32
    %scan3A_26 = arith.constant 1 : i32
    scf.for %scan3A_35 = %scan3A_23 to %scan3A_25 step %scan3A_26  : i32 {
      "tpu.region"() ({
        %run_scoped3A = tpu.sem_alloc : memref<!tpu.dma_semaphore, #tpu.memory_space<semaphore_mem>>
        %dma_start3A = arith.constant 0 : i32
        %dma_start3A_36 = tpu.memref_slice %arg6[%scan3A_35, %dma_start3A] : memref<79x128xi32, #tpu.memory_space<vmem>> -> memref<1x128xi32, #tpu.memory_space<vmem>>
        %dma_start3A_37 = tpu.memref_squeeze %dma_start3A_36 : memref<1x128xi32, #tpu.memory_space<vmem>> -> memref<128xi32, #tpu.memory_space<vmem>>
        %dma_start3A_38 = arith.constant 0 : i32
        %dma_start3A_39 = arith.constant 0 : i32
        %dma_start3A_40 = tpu.memref_slice %arg8[%dma_start3A_38, %dma_start3A_39] : memref<10240x128xf32, #tpu.memory_space<vmem_shared>> -> memref<10240x128xf32, #tpu.memory_space<vmem_shared>>
        tpu.enqueue_indirect_dma source(%arg7 : memref<128x128xf32, #tpu.memory_space<vmem>>) target(%dma_start3A_40 : memref<10240x128xf32, #tpu.memory_space<vmem_shared>>) offsets(%dma_start3A_37 : memref<128xi32, #tpu.memory_space<vmem>>) semaphore(%run_scoped3A : memref<!tpu.dma_semaphore, #tpu.memory_space<semaphore_mem>>) {add = true}
        %dma_wait3A = arith.constant 0 : i32
        %dma_wait3A_41 = tpu.memref_slice %arg6[%scan3A_35, %dma_wait3A] : memref<79x128xi32, #tpu.memory_space<vmem>> -> memref<1x128xi32, #tpu.memory_space<vmem>>
        %dma_wait3A_42 = tpu.memref_squeeze %dma_wait3A_41 : memref<1x128xi32, #tpu.memory_space<vmem>> -> memref<128xi32, #tpu.memory_space<vmem>>
        %dma_wait3A_43 = arith.constant 0 : i32
        %dma_wait3A_44 = arith.constant 0 : i32
        %dma_wait3A_45 = tpu.memref_slice %arg8[%dma_wait3A_43, %dma_wait3A_44] : memref<10240x128xf32, #tpu.memory_space<vmem_shared>> -> memref<10240x128xf32, #tpu.memory_space<vmem_shared>>
        tpu.wait_indirect_dma semaphore(%run_scoped3A : memref<!tpu.dma_semaphore, #tpu.memory_space<semaphore_mem>>) src(%arg7 : memref<128x128xf32, #tpu.memory_space<vmem>>) dst(%dma_wait3A_45 : memref<10240x128xf32, #tpu.memory_space<vmem_shared>>)
        tpu.yield
      }) : () -> ()
    }
    %scan3A_27 = arith.constant 79 : i32
    %barrier3A_28 = arith.constant 0 : index
    tpu.barrier barrier_id(%barrier3A_28)
    %lt3A = arith.constant 15 : i32
    %lt3A_29 = arith.cmpi slt, %arg1, %lt3A : i32
    %convert_element_type3A = arith.extui %lt3A_29 : i1 to i32
    %cond3A = arith.constant 0 : i32
    %cond3A_30 = arith.cmpi ne, %convert_element_type3A, %cond3A : i32
    scf.if %cond3A_30 {
      "tpu.region"() ({
        %run_scoped3A = tpu.sem_alloc : memref<!tpu.dma_semaphore, #tpu.memory_space<semaphore_mem>>
        %dma_start3A = arith.constant 0 : i32
        %dma_start3A_35 = tpu.memref_slice %arg5[%arg0, %mul3A_2, %dma_start3A] : memref<2x10000x128xf32, #tpu.memory_space<hbm>> -> memref<1x640x128xf32, #tpu.memory_space<hbm>>
        %dma_start3A_36 = tpu.memref_squeeze %dma_start3A_35 : memref<1x640x128xf32, #tpu.memory_space<hbm>> -> memref<640x128xf32, #tpu.memory_space<hbm>>
        %dma_start3A_37 = arith.constant 0 : i32
        %dma_start3A_38 = tpu.memref_slice %arg8[%mul3A_2, %dma_start3A_37] : memref<10240x128xf32, #tpu.memory_space<vmem_shared>> -> memref<640x128xf32, #tpu.memory_space<vmem_shared>>
        tpu.enqueue_dma source(%dma_start3A_38 : memref<640x128xf32, #tpu.memory_space<vmem_shared>>) target(%dma_start3A_36 : memref<640x128xf32, #tpu.memory_space<hbm>>) target_semaphore(%run_scoped3A : memref<!tpu.dma_semaphore, #tpu.memory_space<semaphore_mem>>)
        %dma_wait3A = arith.constant 0 : i32
        %dma_wait3A_39 = tpu.memref_slice %arg5[%arg0, %mul3A_2, %dma_wait3A] : memref<2x10000x128xf32, #tpu.memory_space<hbm>> -> memref<1x640x128xf32, #tpu.memory_space<hbm>>
        %dma_wait3A_40 = tpu.memref_squeeze %dma_wait3A_39 : memref<1x640x128xf32, #tpu.memory_space<hbm>> -> memref<640x128xf32, #tpu.memory_space<hbm>>
        %dma_wait3A_41 = arith.constant 0 : i32
        %dma_wait3A_42 = tpu.memref_slice %arg8[%mul3A_2, %dma_wait3A_41] : memref<10240x128xf32, #tpu.memory_space<vmem_shared>> -> memref<640x128xf32, #tpu.memory_space<vmem_shared>>
        tpu.wait_dma2 semaphore(%run_scoped3A : memref<!tpu.dma_semaphore, #tpu.memory_space<semaphore_mem>>) src(%dma_wait3A_42 : memref<640x128xf32, #tpu.memory_space<vmem_shared>>) dst(%dma_wait3A_40 : memref<640x128xf32, #tpu.memory_space<hbm>>)
        tpu.yield
      }) : () -> ()
    } else {
    }
    %eq3A = arith.constant 15 : i32
    %eq3A_31 = arith.cmpi eq, %arg1, %eq3A : i32
    %convert_element_type3A_32 = arith.extui %eq3A_31 : i1 to i32
    %cond3A_33 = arith.constant 0 : i32
    %cond3A_34 = arith.cmpi ne, %convert_element_type3A_32, %cond3A_33 : i32
    scf.if %cond3A_34 {
      "tpu.region"() ({
        %run_scoped3A = tpu.sem_alloc : memref<!tpu.dma_semaphore, #tpu.memory_space<semaphore_mem>>
        %dma_start3A = arith.constant 0 : i32
        %dma_start3A_35 = tpu.memref_slice %arg5[%arg0, %mul3A_2, %dma_start3A] : memref<2x10000x128xf32, #tpu.memory_space<hbm>> -> memref<1x400x128xf32, #tpu.memory_space<hbm>>
        %dma_start3A_36 = tpu.memref_squeeze %dma_start3A_35 : memref<1x400x128xf32, #tpu.memory_space<hbm>> -> memref<400x128xf32, #tpu.memory_space<hbm>>
        %dma_start3A_37 = arith.constant 0 : i32
        %dma_start3A_38 = tpu.memref_slice %arg8[%mul3A_2, %dma_start3A_37] : memref<10240x128xf32, #tpu.memory_space<vmem_shared>> -> memref<400x128xf32, #tpu.memory_space<vmem_shared>>
        tpu.enqueue_dma source(%dma_start3A_38 : memref<400x128xf32, #tpu.memory_space<vmem_shared>>) target(%dma_start3A_36 : memref<400x128xf32, #tpu.memory_space<hbm>>) target_semaphore(%run_scoped3A : memref<!tpu.dma_semaphore, #tpu.memory_space<semaphore_mem>>)
        %dma_wait3A = arith.constant 0 : i32
        %dma_wait3A_39 = tpu.memref_slice %arg5[%arg0, %mul3A_2, %dma_wait3A] : memref<2x10000x128xf32, #tpu.memory_space<hbm>> -> memref<1x400x128xf32, #tpu.memory_space<hbm>>
        %dma_wait3A_40 = tpu.memref_squeeze %dma_wait3A_39 : memref<1x400x128xf32, #tpu.memory_space<hbm>> -> memref<400x128xf32, #tpu.memory_space<hbm>>
        %dma_wait3A_41 = arith.constant 0 : i32
        %dma_wait3A_42 = tpu.memref_slice %arg8[%mul3A_2, %dma_wait3A_41] : memref<10240x128xf32, #tpu.memory_space<vmem_shared>> -> memref<400x128xf32, #tpu.memory_space<vmem_shared>>
        tpu.wait_dma2 semaphore(%run_scoped3A : memref<!tpu.dma_semaphore, #tpu.memory_space<semaphore_mem>>) src(%dma_wait3A_42 : memref<400x128xf32, #tpu.memory_space<vmem_shared>>) dst(%dma_wait3A_40 : memref<400x128xf32, #tpu.memory_space<hbm>>)
        tpu.yield
      }) : () -> ()
    } else {
    }
    return
  }
}

#map = affine_map<(d0, d1) -> (0, 0)>
#map1 = affine_map<(d0, d1) -> (0, 0, 0)>
module attributes {stable_mosaic.version = 14 : i64} {
  func.func @k(%arg0: i32, %arg1: i32, %arg2: memref<10000x128xf32, #tpu.memory_space<hbm>>, %arg3: memref<32x10080xi32, #tpu.memory_space<hbm>>, %arg4: memref<32x105x96xi32, #tpu.memory_space<hbm>>, %arg5: memref<64x128xf32, #tpu.memory_space<hbm>>, %arg6: memref<2x10000x128xf32, #tpu.memory_space<hbm>>, %arg7: memref<10080xi32, #tpu.memory_space<vmem>>, %arg8: memref<105x96xi32, #tpu.memory_space<vmem>>, %arg9: memref<96x128xf32, #tpu.memory_space<vmem>>, %arg10: memref<96x128xf32, #tpu.memory_space<vmem>>, %arg11: memref<10240x128xf32, #tpu.memory_space<vmem_shared>>, %arg12: memref<!tpu.dma_semaphore, #tpu.memory_space<semaphore_mem>>, %arg13: memref<!tpu.dma_semaphore, #tpu.memory_space<semaphore_mem>>) attributes {dimension_semantics = [#tpu.dimension_semantics<core_parallel>, #tpu.dimension_semantics<subcore_parallel>], iteration_bounds = array<i64: 2, 16>, scalar_prefetch = 0 : i64, scratch_operands = 7 : i64, tpu.core_type = #tpu.core_type<sc_vector_subcore>, window_params = [{transform_indices = #map}, {transform_indices = #map}, {transform_indices = #map1}, {transform_indices = #map}, {transform_indices = #map1}]} {
    %mul3A = arith.constant 2 : i32
    %mul3A_0 = arith.muli %arg1, %mul3A : i32
    %add3A = arith.addi %mul3A_0, %arg0 : i32
    %mul3A_1 = arith.constant 640 : i32
    %mul3A_2 = arith.muli %arg1, %mul3A_1 : i32
    "tpu.region"() ({
      %run_scoped3A_43 = tpu.sem_alloc : memref<!tpu.dma_semaphore, #tpu.memory_space<semaphore_mem>>
      %dma_start3A_44 = arith.constant 0 : i32
      %dma_start3A_45 = arith.constant 0 : i32
      %dma_start3A_46 = tpu.memref_slice %arg9[%dma_start3A_44, %dma_start3A_45] : memref<96x128xf32, #tpu.memory_space<vmem>> -> memref<64x128xf32, #tpu.memory_space<vmem>>
      %dma_start3A_47 = arith.constant 0 : i32
      %dma_start3A_48 = arith.constant 0 : i32
      %dma_start3A_49 = tpu.memref_slice %arg9[%dma_start3A_47, %dma_start3A_48] : memref<96x128xf32, #tpu.memory_space<vmem>> -> memref<64x128xf32, #tpu.memory_space<vmem>>
      tpu.enqueue_dma source(%arg5 : memref<64x128xf32, #tpu.memory_space<hbm>>) target(%dma_start3A_49 : memref<64x128xf32, #tpu.memory_space<vmem>>) target_semaphore(%run_scoped3A_43 : memref<!tpu.dma_semaphore, #tpu.memory_space<semaphore_mem>>)
      %dma_wait3A_50 = arith.constant 0 : i32
      %dma_wait3A_51 = arith.constant 0 : i32
      %dma_wait3A_52 = tpu.memref_slice %arg9[%dma_wait3A_50, %dma_wait3A_51] : memref<96x128xf32, #tpu.memory_space<vmem>> -> memref<64x128xf32, #tpu.memory_space<vmem>>
      %dma_wait3A_53 = arith.constant 0 : i32
      %dma_wait3A_54 = arith.constant 0 : i32
      %dma_wait3A_55 = tpu.memref_slice %arg9[%dma_wait3A_53, %dma_wait3A_54] : memref<96x128xf32, #tpu.memory_space<vmem>> -> memref<64x128xf32, #tpu.memory_space<vmem>>
      tpu.wait_dma2 semaphore(%run_scoped3A_43 : memref<!tpu.dma_semaphore, #tpu.memory_space<semaphore_mem>>) src(%arg5 : memref<64x128xf32, #tpu.memory_space<hbm>>) dst(%dma_wait3A_55 : memref<64x128xf32, #tpu.memory_space<vmem>>)
      tpu.yield
    }) : () -> ()
    %add3A_3 = arith.constant 0 : i32
    %add3A_4 = arith.addi %mul3A_2, %add3A_3 : i32
    "tpu.region"() ({
      %run_scoped3A_43 = tpu.sem_alloc : memref<!tpu.dma_semaphore, #tpu.memory_space<semaphore_mem>>
      %dma_start3A_44 = arith.constant 0 : i32
      %dma_start3A_45 = arith.constant 0 : i32
      %dma_start3A_46 = tpu.memref_slice %arg9[%dma_start3A_44, %dma_start3A_45] : memref<96x128xf32, #tpu.memory_space<vmem>> -> memref<64x128xf32, #tpu.memory_space<vmem>>
      %dma_start3A_47 = arith.constant 0 : i32
      %dma_start3A_48 = tpu.memref_slice %arg11[%add3A_4, %dma_start3A_47] : memref<10240x128xf32, #tpu.memory_space<vmem_shared>> -> memref<64x128xf32, #tpu.memory_space<vmem_shared>>
      %dma_start3A_49 = arith.constant 0 : i32
      %dma_start3A_50 = tpu.memref_slice %arg11[%add3A_4, %dma_start3A_49] : memref<10240x128xf32, #tpu.memory_space<vmem_shared>> -> memref<64x128xf32, #tpu.memory_space<vmem_shared>>
      %dma_start3A_51 = arith.constant 0 : i32
      %dma_start3A_52 = arith.constant 0 : i32
      %dma_start3A_53 = tpu.memref_slice %arg9[%dma_start3A_51, %dma_start3A_52] : memref<96x128xf32, #tpu.memory_space<vmem>> -> memref<64x128xf32, #tpu.memory_space<vmem>>
      tpu.enqueue_dma source(%dma_start3A_53 : memref<64x128xf32, #tpu.memory_space<vmem>>) target(%dma_start3A_50 : memref<64x128xf32, #tpu.memory_space<vmem_shared>>) target_semaphore(%run_scoped3A_43 : memref<!tpu.dma_semaphore, #tpu.memory_space<semaphore_mem>>)
      %dma_wait3A_54 = arith.constant 0 : i32
      %dma_wait3A_55 = arith.constant 0 : i32
      %dma_wait3A_56 = tpu.memref_slice %arg9[%dma_wait3A_54, %dma_wait3A_55] : memref<96x128xf32, #tpu.memory_space<vmem>> -> memref<64x128xf32, #tpu.memory_space<vmem>>
      %dma_wait3A_57 = arith.constant 0 : i32
      %dma_wait3A_58 = tpu.memref_slice %arg11[%add3A_4, %dma_wait3A_57] : memref<10240x128xf32, #tpu.memory_space<vmem_shared>> -> memref<64x128xf32, #tpu.memory_space<vmem_shared>>
      %dma_wait3A_59 = arith.constant 0 : i32
      %dma_wait3A_60 = tpu.memref_slice %arg11[%add3A_4, %dma_wait3A_59] : memref<10240x128xf32, #tpu.memory_space<vmem_shared>> -> memref<64x128xf32, #tpu.memory_space<vmem_shared>>
      %dma_wait3A_61 = arith.constant 0 : i32
      %dma_wait3A_62 = arith.constant 0 : i32
      %dma_wait3A_63 = tpu.memref_slice %arg9[%dma_wait3A_61, %dma_wait3A_62] : memref<96x128xf32, #tpu.memory_space<vmem>> -> memref<64x128xf32, #tpu.memory_space<vmem>>
      tpu.wait_dma2 semaphore(%run_scoped3A_43 : memref<!tpu.dma_semaphore, #tpu.memory_space<semaphore_mem>>) src(%dma_wait3A_63 : memref<64x128xf32, #tpu.memory_space<vmem>>) dst(%dma_wait3A_60 : memref<64x128xf32, #tpu.memory_space<vmem_shared>>)
      tpu.yield
    }) : () -> ()
    %add3A_5 = arith.constant 64 : i32
    %add3A_6 = arith.addi %mul3A_2, %add3A_5 : i32
    "tpu.region"() ({
      %run_scoped3A_43 = tpu.sem_alloc : memref<!tpu.dma_semaphore, #tpu.memory_space<semaphore_mem>>
      %dma_start3A_44 = arith.constant 0 : i32
      %dma_start3A_45 = arith.constant 0 : i32
      %dma_start3A_46 = tpu.memref_slice %arg9[%dma_start3A_44, %dma_start3A_45] : memref<96x128xf32, #tpu.memory_space<vmem>> -> memref<64x128xf32, #tpu.memory_space<vmem>>
      %dma_start3A_47 = arith.constant 0 : i32
      %dma_start3A_48 = tpu.memref_slice %arg11[%add3A_6, %dma_start3A_47] : memref<10240x128xf32, #tpu.memory_space<vmem_shared>> -> memref<64x128xf32, #tpu.memory_space<vmem_shared>>
      %dma_start3A_49 = arith.constant 0 : i32
      %dma_start3A_50 = tpu.memref_slice %arg11[%add3A_6, %dma_start3A_49] : memref<10240x128xf32, #tpu.memory_space<vmem_shared>> -> memref<64x128xf32, #tpu.memory_space<vmem_shared>>
      %dma_start3A_51 = arith.constant 0 : i32
      %dma_start3A_52 = arith.constant 0 : i32
      %dma_start3A_53 = tpu.memref_slice %arg9[%dma_start3A_51, %dma_start3A_52] : memref<96x128xf32, #tpu.memory_space<vmem>> -> memref<64x128xf32, #tpu.memory_space<vmem>>
      tpu.enqueue_dma source(%dma_start3A_53 : memref<64x128xf32, #tpu.memory_space<vmem>>) target(%dma_start3A_50 : memref<64x128xf32, #tpu.memory_space<vmem_shared>>) target_semaphore(%run_scoped3A_43 : memref<!tpu.dma_semaphore, #tpu.memory_space<semaphore_mem>>)
      %dma_wait3A_54 = arith.constant 0 : i32
      %dma_wait3A_55 = arith.constant 0 : i32
      %dma_wait3A_56 = tpu.memref_slice %arg9[%dma_wait3A_54, %dma_wait3A_55] : memref<96x128xf32, #tpu.memory_space<vmem>> -> memref<64x128xf32, #tpu.memory_space<vmem>>
      %dma_wait3A_57 = arith.constant 0 : i32
      %dma_wait3A_58 = tpu.memref_slice %arg11[%add3A_6, %dma_wait3A_57] : memref<10240x128xf32, #tpu.memory_space<vmem_shared>> -> memref<64x128xf32, #tpu.memory_space<vmem_shared>>
      %dma_wait3A_59 = arith.constant 0 : i32
      %dma_wait3A_60 = tpu.memref_slice %arg11[%add3A_6, %dma_wait3A_59] : memref<10240x128xf32, #tpu.memory_space<vmem_shared>> -> memref<64x128xf32, #tpu.memory_space<vmem_shared>>
      %dma_wait3A_61 = arith.constant 0 : i32
      %dma_wait3A_62 = arith.constant 0 : i32
      %dma_wait3A_63 = tpu.memref_slice %arg9[%dma_wait3A_61, %dma_wait3A_62] : memref<96x128xf32, #tpu.memory_space<vmem>> -> memref<64x128xf32, #tpu.memory_space<vmem>>
      tpu.wait_dma2 semaphore(%run_scoped3A_43 : memref<!tpu.dma_semaphore, #tpu.memory_space<semaphore_mem>>) src(%dma_wait3A_63 : memref<64x128xf32, #tpu.memory_space<vmem>>) dst(%dma_wait3A_60 : memref<64x128xf32, #tpu.memory_space<vmem_shared>>)
      tpu.yield
    }) : () -> ()
    %add3A_7 = arith.constant 128 : i32
    %add3A_8 = arith.addi %mul3A_2, %add3A_7 : i32
    "tpu.region"() ({
      %run_scoped3A_43 = tpu.sem_alloc : memref<!tpu.dma_semaphore, #tpu.memory_space<semaphore_mem>>
      %dma_start3A_44 = arith.constant 0 : i32
      %dma_start3A_45 = arith.constant 0 : i32
      %dma_start3A_46 = tpu.memref_slice %arg9[%dma_start3A_44, %dma_start3A_45] : memref<96x128xf32, #tpu.memory_space<vmem>> -> memref<64x128xf32, #tpu.memory_space<vmem>>
      %dma_start3A_47 = arith.constant 0 : i32
      %dma_start3A_48 = tpu.memref_slice %arg11[%add3A_8, %dma_start3A_47] : memref<10240x128xf32, #tpu.memory_space<vmem_shared>> -> memref<64x128xf32, #tpu.memory_space<vmem_shared>>
      %dma_start3A_49 = arith.constant 0 : i32
      %dma_start3A_50 = tpu.memref_slice %arg11[%add3A_8, %dma_start3A_49] : memref<10240x128xf32, #tpu.memory_space<vmem_shared>> -> memref<64x128xf32, #tpu.memory_space<vmem_shared>>
      %dma_start3A_51 = arith.constant 0 : i32
      %dma_start3A_52 = arith.constant 0 : i32
      %dma_start3A_53 = tpu.memref_slice %arg9[%dma_start3A_51, %dma_start3A_52] : memref<96x128xf32, #tpu.memory_space<vmem>> -> memref<64x128xf32, #tpu.memory_space<vmem>>
      tpu.enqueue_dma source(%dma_start3A_53 : memref<64x128xf32, #tpu.memory_space<vmem>>) target(%dma_start3A_50 : memref<64x128xf32, #tpu.memory_space<vmem_shared>>) target_semaphore(%run_scoped3A_43 : memref<!tpu.dma_semaphore, #tpu.memory_space<semaphore_mem>>)
      %dma_wait3A_54 = arith.constant 0 : i32
      %dma_wait3A_55 = arith.constant 0 : i32
      %dma_wait3A_56 = tpu.memref_slice %arg9[%dma_wait3A_54, %dma_wait3A_55] : memref<96x128xf32, #tpu.memory_space<vmem>> -> memref<64x128xf32, #tpu.memory_space<vmem>>
      %dma_wait3A_57 = arith.constant 0 : i32
      %dma_wait3A_58 = tpu.memref_slice %arg11[%add3A_8, %dma_wait3A_57] : memref<10240x128xf32, #tpu.memory_space<vmem_shared>> -> memref<64x128xf32, #tpu.memory_space<vmem_shared>>
      %dma_wait3A_59 = arith.constant 0 : i32
      %dma_wait3A_60 = tpu.memref_slice %arg11[%add3A_8, %dma_wait3A_59] : memref<10240x128xf32, #tpu.memory_space<vmem_shared>> -> memref<64x128xf32, #tpu.memory_space<vmem_shared>>
      %dma_wait3A_61 = arith.constant 0 : i32
      %dma_wait3A_62 = arith.constant 0 : i32
      %dma_wait3A_63 = tpu.memref_slice %arg9[%dma_wait3A_61, %dma_wait3A_62] : memref<96x128xf32, #tpu.memory_space<vmem>> -> memref<64x128xf32, #tpu.memory_space<vmem>>
      tpu.wait_dma2 semaphore(%run_scoped3A_43 : memref<!tpu.dma_semaphore, #tpu.memory_space<semaphore_mem>>) src(%dma_wait3A_63 : memref<64x128xf32, #tpu.memory_space<vmem>>) dst(%dma_wait3A_60 : memref<64x128xf32, #tpu.memory_space<vmem_shared>>)
      tpu.yield
    }) : () -> ()
    %add3A_9 = arith.constant 192 : i32
    %add3A_10 = arith.addi %mul3A_2, %add3A_9 : i32
    "tpu.region"() ({
      %run_scoped3A_43 = tpu.sem_alloc : memref<!tpu.dma_semaphore, #tpu.memory_space<semaphore_mem>>
      %dma_start3A_44 = arith.constant 0 : i32
      %dma_start3A_45 = arith.constant 0 : i32
      %dma_start3A_46 = tpu.memref_slice %arg9[%dma_start3A_44, %dma_start3A_45] : memref<96x128xf32, #tpu.memory_space<vmem>> -> memref<64x128xf32, #tpu.memory_space<vmem>>
      %dma_start3A_47 = arith.constant 0 : i32
      %dma_start3A_48 = tpu.memref_slice %arg11[%add3A_10, %dma_start3A_47] : memref<10240x128xf32, #tpu.memory_space<vmem_shared>> -> memref<64x128xf32, #tpu.memory_space<vmem_shared>>
      %dma_start3A_49 = arith.constant 0 : i32
      %dma_start3A_50 = tpu.memref_slice %arg11[%add3A_10, %dma_start3A_49] : memref<10240x128xf32, #tpu.memory_space<vmem_shared>> -> memref<64x128xf32, #tpu.memory_space<vmem_shared>>
      %dma_start3A_51 = arith.constant 0 : i32
      %dma_start3A_52 = arith.constant 0 : i32
      %dma_start3A_53 = tpu.memref_slice %arg9[%dma_start3A_51, %dma_start3A_52] : memref<96x128xf32, #tpu.memory_space<vmem>> -> memref<64x128xf32, #tpu.memory_space<vmem>>
      tpu.enqueue_dma source(%dma_start3A_53 : memref<64x128xf32, #tpu.memory_space<vmem>>) target(%dma_start3A_50 : memref<64x128xf32, #tpu.memory_space<vmem_shared>>) target_semaphore(%run_scoped3A_43 : memref<!tpu.dma_semaphore, #tpu.memory_space<semaphore_mem>>)
      %dma_wait3A_54 = arith.constant 0 : i32
      %dma_wait3A_55 = arith.constant 0 : i32
      %dma_wait3A_56 = tpu.memref_slice %arg9[%dma_wait3A_54, %dma_wait3A_55] : memref<96x128xf32, #tpu.memory_space<vmem>> -> memref<64x128xf32, #tpu.memory_space<vmem>>
      %dma_wait3A_57 = arith.constant 0 : i32
      %dma_wait3A_58 = tpu.memref_slice %arg11[%add3A_10, %dma_wait3A_57] : memref<10240x128xf32, #tpu.memory_space<vmem_shared>> -> memref<64x128xf32, #tpu.memory_space<vmem_shared>>
      %dma_wait3A_59 = arith.constant 0 : i32
      %dma_wait3A_60 = tpu.memref_slice %arg11[%add3A_10, %dma_wait3A_59] : memref<10240x128xf32, #tpu.memory_space<vmem_shared>> -> memref<64x128xf32, #tpu.memory_space<vmem_shared>>
      %dma_wait3A_61 = arith.constant 0 : i32
      %dma_wait3A_62 = arith.constant 0 : i32
      %dma_wait3A_63 = tpu.memref_slice %arg9[%dma_wait3A_61, %dma_wait3A_62] : memref<96x128xf32, #tpu.memory_space<vmem>> -> memref<64x128xf32, #tpu.memory_space<vmem>>
      tpu.wait_dma2 semaphore(%run_scoped3A_43 : memref<!tpu.dma_semaphore, #tpu.memory_space<semaphore_mem>>) src(%dma_wait3A_63 : memref<64x128xf32, #tpu.memory_space<vmem>>) dst(%dma_wait3A_60 : memref<64x128xf32, #tpu.memory_space<vmem_shared>>)
      tpu.yield
    }) : () -> ()
    %add3A_11 = arith.constant 256 : i32
    %add3A_12 = arith.addi %mul3A_2, %add3A_11 : i32
    "tpu.region"() ({
      %run_scoped3A_43 = tpu.sem_alloc : memref<!tpu.dma_semaphore, #tpu.memory_space<semaphore_mem>>
      %dma_start3A_44 = arith.constant 0 : i32
      %dma_start3A_45 = arith.constant 0 : i32
      %dma_start3A_46 = tpu.memref_slice %arg9[%dma_start3A_44, %dma_start3A_45] : memref<96x128xf32, #tpu.memory_space<vmem>> -> memref<64x128xf32, #tpu.memory_space<vmem>>
      %dma_start3A_47 = arith.constant 0 : i32
      %dma_start3A_48 = tpu.memref_slice %arg11[%add3A_12, %dma_start3A_47] : memref<10240x128xf32, #tpu.memory_space<vmem_shared>> -> memref<64x128xf32, #tpu.memory_space<vmem_shared>>
      %dma_start3A_49 = arith.constant 0 : i32
      %dma_start3A_50 = tpu.memref_slice %arg11[%add3A_12, %dma_start3A_49] : memref<10240x128xf32, #tpu.memory_space<vmem_shared>> -> memref<64x128xf32, #tpu.memory_space<vmem_shared>>
      %dma_start3A_51 = arith.constant 0 : i32
      %dma_start3A_52 = arith.constant 0 : i32
      %dma_start3A_53 = tpu.memref_slice %arg9[%dma_start3A_51, %dma_start3A_52] : memref<96x128xf32, #tpu.memory_space<vmem>> -> memref<64x128xf32, #tpu.memory_space<vmem>>
      tpu.enqueue_dma source(%dma_start3A_53 : memref<64x128xf32, #tpu.memory_space<vmem>>) target(%dma_start3A_50 : memref<64x128xf32, #tpu.memory_space<vmem_shared>>) target_semaphore(%run_scoped3A_43 : memref<!tpu.dma_semaphore, #tpu.memory_space<semaphore_mem>>)
      %dma_wait3A_54 = arith.constant 0 : i32
      %dma_wait3A_55 = arith.constant 0 : i32
      %dma_wait3A_56 = tpu.memref_slice %arg9[%dma_wait3A_54, %dma_wait3A_55] : memref<96x128xf32, #tpu.memory_space<vmem>> -> memref<64x128xf32, #tpu.memory_space<vmem>>
      %dma_wait3A_57 = arith.constant 0 : i32
      %dma_wait3A_58 = tpu.memref_slice %arg11[%add3A_12, %dma_wait3A_57] : memref<10240x128xf32, #tpu.memory_space<vmem_shared>> -> memref<64x128xf32, #tpu.memory_space<vmem_shared>>
      %dma_wait3A_59 = arith.constant 0 : i32
      %dma_wait3A_60 = tpu.memref_slice %arg11[%add3A_12, %dma_wait3A_59] : memref<10240x128xf32, #tpu.memory_space<vmem_shared>> -> memref<64x128xf32, #tpu.memory_space<vmem_shared>>
      %dma_wait3A_61 = arith.constant 0 : i32
      %dma_wait3A_62 = arith.constant 0 : i32
      %dma_wait3A_63 = tpu.memref_slice %arg9[%dma_wait3A_61, %dma_wait3A_62] : memref<96x128xf32, #tpu.memory_space<vmem>> -> memref<64x128xf32, #tpu.memory_space<vmem>>
      tpu.wait_dma2 semaphore(%run_scoped3A_43 : memref<!tpu.dma_semaphore, #tpu.memory_space<semaphore_mem>>) src(%dma_wait3A_63 : memref<64x128xf32, #tpu.memory_space<vmem>>) dst(%dma_wait3A_60 : memref<64x128xf32, #tpu.memory_space<vmem_shared>>)
      tpu.yield
    }) : () -> ()
    %add3A_13 = arith.constant 320 : i32
    %add3A_14 = arith.addi %mul3A_2, %add3A_13 : i32
    "tpu.region"() ({
      %run_scoped3A_43 = tpu.sem_alloc : memref<!tpu.dma_semaphore, #tpu.memory_space<semaphore_mem>>
      %dma_start3A_44 = arith.constant 0 : i32
      %dma_start3A_45 = arith.constant 0 : i32
      %dma_start3A_46 = tpu.memref_slice %arg9[%dma_start3A_44, %dma_start3A_45] : memref<96x128xf32, #tpu.memory_space<vmem>> -> memref<64x128xf32, #tpu.memory_space<vmem>>
      %dma_start3A_47 = arith.constant 0 : i32
      %dma_start3A_48 = tpu.memref_slice %arg11[%add3A_14, %dma_start3A_47] : memref<10240x128xf32, #tpu.memory_space<vmem_shared>> -> memref<64x128xf32, #tpu.memory_space<vmem_shared>>
      %dma_start3A_49 = arith.constant 0 : i32
      %dma_start3A_50 = tpu.memref_slice %arg11[%add3A_14, %dma_start3A_49] : memref<10240x128xf32, #tpu.memory_space<vmem_shared>> -> memref<64x128xf32, #tpu.memory_space<vmem_shared>>
      %dma_start3A_51 = arith.constant 0 : i32
      %dma_start3A_52 = arith.constant 0 : i32
      %dma_start3A_53 = tpu.memref_slice %arg9[%dma_start3A_51, %dma_start3A_52] : memref<96x128xf32, #tpu.memory_space<vmem>> -> memref<64x128xf32, #tpu.memory_space<vmem>>
      tpu.enqueue_dma source(%dma_start3A_53 : memref<64x128xf32, #tpu.memory_space<vmem>>) target(%dma_start3A_50 : memref<64x128xf32, #tpu.memory_space<vmem_shared>>) target_semaphore(%run_scoped3A_43 : memref<!tpu.dma_semaphore, #tpu.memory_space<semaphore_mem>>)
      %dma_wait3A_54 = arith.constant 0 : i32
      %dma_wait3A_55 = arith.constant 0 : i32
      %dma_wait3A_56 = tpu.memref_slice %arg9[%dma_wait3A_54, %dma_wait3A_55] : memref<96x128xf32, #tpu.memory_space<vmem>> -> memref<64x128xf32, #tpu.memory_space<vmem>>
      %dma_wait3A_57 = arith.constant 0 : i32
      %dma_wait3A_58 = tpu.memref_slice %arg11[%add3A_14, %dma_wait3A_57] : memref<10240x128xf32, #tpu.memory_space<vmem_shared>> -> memref<64x128xf32, #tpu.memory_space<vmem_shared>>
      %dma_wait3A_59 = arith.constant 0 : i32
      %dma_wait3A_60 = tpu.memref_slice %arg11[%add3A_14, %dma_wait3A_59] : memref<10240x128xf32, #tpu.memory_space<vmem_shared>> -> memref<64x128xf32, #tpu.memory_space<vmem_shared>>
      %dma_wait3A_61 = arith.constant 0 : i32
      %dma_wait3A_62 = arith.constant 0 : i32
      %dma_wait3A_63 = tpu.memref_slice %arg9[%dma_wait3A_61, %dma_wait3A_62] : memref<96x128xf32, #tpu.memory_space<vmem>> -> memref<64x128xf32, #tpu.memory_space<vmem>>
      tpu.wait_dma2 semaphore(%run_scoped3A_43 : memref<!tpu.dma_semaphore, #tpu.memory_space<semaphore_mem>>) src(%dma_wait3A_63 : memref<64x128xf32, #tpu.memory_space<vmem>>) dst(%dma_wait3A_60 : memref<64x128xf32, #tpu.memory_space<vmem_shared>>)
      tpu.yield
    }) : () -> ()
    %add3A_15 = arith.constant 384 : i32
    %add3A_16 = arith.addi %mul3A_2, %add3A_15 : i32
    "tpu.region"() ({
      %run_scoped3A_43 = tpu.sem_alloc : memref<!tpu.dma_semaphore, #tpu.memory_space<semaphore_mem>>
      %dma_start3A_44 = arith.constant 0 : i32
      %dma_start3A_45 = arith.constant 0 : i32
      %dma_start3A_46 = tpu.memref_slice %arg9[%dma_start3A_44, %dma_start3A_45] : memref<96x128xf32, #tpu.memory_space<vmem>> -> memref<64x128xf32, #tpu.memory_space<vmem>>
      %dma_start3A_47 = arith.constant 0 : i32
      %dma_start3A_48 = tpu.memref_slice %arg11[%add3A_16, %dma_start3A_47] : memref<10240x128xf32, #tpu.memory_space<vmem_shared>> -> memref<64x128xf32, #tpu.memory_space<vmem_shared>>
      %dma_start3A_49 = arith.constant 0 : i32
      %dma_start3A_50 = tpu.memref_slice %arg11[%add3A_16, %dma_start3A_49] : memref<10240x128xf32, #tpu.memory_space<vmem_shared>> -> memref<64x128xf32, #tpu.memory_space<vmem_shared>>
      %dma_start3A_51 = arith.constant 0 : i32
      %dma_start3A_52 = arith.constant 0 : i32
      %dma_start3A_53 = tpu.memref_slice %arg9[%dma_start3A_51, %dma_start3A_52] : memref<96x128xf32, #tpu.memory_space<vmem>> -> memref<64x128xf32, #tpu.memory_space<vmem>>
      tpu.enqueue_dma source(%dma_start3A_53 : memref<64x128xf32, #tpu.memory_space<vmem>>) target(%dma_start3A_50 : memref<64x128xf32, #tpu.memory_space<vmem_shared>>) target_semaphore(%run_scoped3A_43 : memref<!tpu.dma_semaphore, #tpu.memory_space<semaphore_mem>>)
      %dma_wait3A_54 = arith.constant 0 : i32
      %dma_wait3A_55 = arith.constant 0 : i32
      %dma_wait3A_56 = tpu.memref_slice %arg9[%dma_wait3A_54, %dma_wait3A_55] : memref<96x128xf32, #tpu.memory_space<vmem>> -> memref<64x128xf32, #tpu.memory_space<vmem>>
      %dma_wait3A_57 = arith.constant 0 : i32
      %dma_wait3A_58 = tpu.memref_slice %arg11[%add3A_16, %dma_wait3A_57] : memref<10240x128xf32, #tpu.memory_space<vmem_shared>> -> memref<64x128xf32, #tpu.memory_space<vmem_shared>>
      %dma_wait3A_59 = arith.constant 0 : i32
      %dma_wait3A_60 = tpu.memref_slice %arg11[%add3A_16, %dma_wait3A_59] : memref<10240x128xf32, #tpu.memory_space<vmem_shared>> -> memref<64x128xf32, #tpu.memory_space<vmem_shared>>
      %dma_wait3A_61 = arith.constant 0 : i32
      %dma_wait3A_62 = arith.constant 0 : i32
      %dma_wait3A_63 = tpu.memref_slice %arg9[%dma_wait3A_61, %dma_wait3A_62] : memref<96x128xf32, #tpu.memory_space<vmem>> -> memref<64x128xf32, #tpu.memory_space<vmem>>
      tpu.wait_dma2 semaphore(%run_scoped3A_43 : memref<!tpu.dma_semaphore, #tpu.memory_space<semaphore_mem>>) src(%dma_wait3A_63 : memref<64x128xf32, #tpu.memory_space<vmem>>) dst(%dma_wait3A_60 : memref<64x128xf32, #tpu.memory_space<vmem_shared>>)
      tpu.yield
    }) : () -> ()
    %add3A_17 = arith.constant 448 : i32
    %add3A_18 = arith.addi %mul3A_2, %add3A_17 : i32
    "tpu.region"() ({
      %run_scoped3A_43 = tpu.sem_alloc : memref<!tpu.dma_semaphore, #tpu.memory_space<semaphore_mem>>
      %dma_start3A_44 = arith.constant 0 : i32
      %dma_start3A_45 = arith.constant 0 : i32
      %dma_start3A_46 = tpu.memref_slice %arg9[%dma_start3A_44, %dma_start3A_45] : memref<96x128xf32, #tpu.memory_space<vmem>> -> memref<64x128xf32, #tpu.memory_space<vmem>>
      %dma_start3A_47 = arith.constant 0 : i32
      %dma_start3A_48 = tpu.memref_slice %arg11[%add3A_18, %dma_start3A_47] : memref<10240x128xf32, #tpu.memory_space<vmem_shared>> -> memref<64x128xf32, #tpu.memory_space<vmem_shared>>
      %dma_start3A_49 = arith.constant 0 : i32
      %dma_start3A_50 = tpu.memref_slice %arg11[%add3A_18, %dma_start3A_49] : memref<10240x128xf32, #tpu.memory_space<vmem_shared>> -> memref<64x128xf32, #tpu.memory_space<vmem_shared>>
      %dma_start3A_51 = arith.constant 0 : i32
      %dma_start3A_52 = arith.constant 0 : i32
      %dma_start3A_53 = tpu.memref_slice %arg9[%dma_start3A_51, %dma_start3A_52] : memref<96x128xf32, #tpu.memory_space<vmem>> -> memref<64x128xf32, #tpu.memory_space<vmem>>
      tpu.enqueue_dma source(%dma_start3A_53 : memref<64x128xf32, #tpu.memory_space<vmem>>) target(%dma_start3A_50 : memref<64x128xf32, #tpu.memory_space<vmem_shared>>) target_semaphore(%run_scoped3A_43 : memref<!tpu.dma_semaphore, #tpu.memory_space<semaphore_mem>>)
      %dma_wait3A_54 = arith.constant 0 : i32
      %dma_wait3A_55 = arith.constant 0 : i32
      %dma_wait3A_56 = tpu.memref_slice %arg9[%dma_wait3A_54, %dma_wait3A_55] : memref<96x128xf32, #tpu.memory_space<vmem>> -> memref<64x128xf32, #tpu.memory_space<vmem>>
      %dma_wait3A_57 = arith.constant 0 : i32
      %dma_wait3A_58 = tpu.memref_slice %arg11[%add3A_18, %dma_wait3A_57] : memref<10240x128xf32, #tpu.memory_space<vmem_shared>> -> memref<64x128xf32, #tpu.memory_space<vmem_shared>>
      %dma_wait3A_59 = arith.constant 0 : i32
      %dma_wait3A_60 = tpu.memref_slice %arg11[%add3A_18, %dma_wait3A_59] : memref<10240x128xf32, #tpu.memory_space<vmem_shared>> -> memref<64x128xf32, #tpu.memory_space<vmem_shared>>
      %dma_wait3A_61 = arith.constant 0 : i32
      %dma_wait3A_62 = arith.constant 0 : i32
      %dma_wait3A_63 = tpu.memref_slice %arg9[%dma_wait3A_61, %dma_wait3A_62] : memref<96x128xf32, #tpu.memory_space<vmem>> -> memref<64x128xf32, #tpu.memory_space<vmem>>
      tpu.wait_dma2 semaphore(%run_scoped3A_43 : memref<!tpu.dma_semaphore, #tpu.memory_space<semaphore_mem>>) src(%dma_wait3A_63 : memref<64x128xf32, #tpu.memory_space<vmem>>) dst(%dma_wait3A_60 : memref<64x128xf32, #tpu.memory_space<vmem_shared>>)
      tpu.yield
    }) : () -> ()
    %add3A_19 = arith.constant 512 : i32
    %add3A_20 = arith.addi %mul3A_2, %add3A_19 : i32
    "tpu.region"() ({
      %run_scoped3A_43 = tpu.sem_alloc : memref<!tpu.dma_semaphore, #tpu.memory_space<semaphore_mem>>
      %dma_start3A_44 = arith.constant 0 : i32
      %dma_start3A_45 = arith.constant 0 : i32
      %dma_start3A_46 = tpu.memref_slice %arg9[%dma_start3A_44, %dma_start3A_45] : memref<96x128xf32, #tpu.memory_space<vmem>> -> memref<64x128xf32, #tpu.memory_space<vmem>>
      %dma_start3A_47 = arith.constant 0 : i32
      %dma_start3A_48 = tpu.memref_slice %arg11[%add3A_20, %dma_start3A_47] : memref<10240x128xf32, #tpu.memory_space<vmem_shared>> -> memref<64x128xf32, #tpu.memory_space<vmem_shared>>
      %dma_start3A_49 = arith.constant 0 : i32
      %dma_start3A_50 = tpu.memref_slice %arg11[%add3A_20, %dma_start3A_49] : memref<10240x128xf32, #tpu.memory_space<vmem_shared>> -> memref<64x128xf32, #tpu.memory_space<vmem_shared>>
      %dma_start3A_51 = arith.constant 0 : i32
      %dma_start3A_52 = arith.constant 0 : i32
      %dma_start3A_53 = tpu.memref_slice %arg9[%dma_start3A_51, %dma_start3A_52] : memref<96x128xf32, #tpu.memory_space<vmem>> -> memref<64x128xf32, #tpu.memory_space<vmem>>
      tpu.enqueue_dma source(%dma_start3A_53 : memref<64x128xf32, #tpu.memory_space<vmem>>) target(%dma_start3A_50 : memref<64x128xf32, #tpu.memory_space<vmem_shared>>) target_semaphore(%run_scoped3A_43 : memref<!tpu.dma_semaphore, #tpu.memory_space<semaphore_mem>>)
      %dma_wait3A_54 = arith.constant 0 : i32
      %dma_wait3A_55 = arith.constant 0 : i32
      %dma_wait3A_56 = tpu.memref_slice %arg9[%dma_wait3A_54, %dma_wait3A_55] : memref<96x128xf32, #tpu.memory_space<vmem>> -> memref<64x128xf32, #tpu.memory_space<vmem>>
      %dma_wait3A_57 = arith.constant 0 : i32
      %dma_wait3A_58 = tpu.memref_slice %arg11[%add3A_20, %dma_wait3A_57] : memref<10240x128xf32, #tpu.memory_space<vmem_shared>> -> memref<64x128xf32, #tpu.memory_space<vmem_shared>>
      %dma_wait3A_59 = arith.constant 0 : i32
      %dma_wait3A_60 = tpu.memref_slice %arg11[%add3A_20, %dma_wait3A_59] : memref<10240x128xf32, #tpu.memory_space<vmem_shared>> -> memref<64x128xf32, #tpu.memory_space<vmem_shared>>
      %dma_wait3A_61 = arith.constant 0 : i32
      %dma_wait3A_62 = arith.constant 0 : i32
      %dma_wait3A_63 = tpu.memref_slice %arg9[%dma_wait3A_61, %dma_wait3A_62] : memref<96x128xf32, #tpu.memory_space<vmem>> -> memref<64x128xf32, #tpu.memory_space<vmem>>
      tpu.wait_dma2 semaphore(%run_scoped3A_43 : memref<!tpu.dma_semaphore, #tpu.memory_space<semaphore_mem>>) src(%dma_wait3A_63 : memref<64x128xf32, #tpu.memory_space<vmem>>) dst(%dma_wait3A_60 : memref<64x128xf32, #tpu.memory_space<vmem_shared>>)
      tpu.yield
    }) : () -> ()
    %add3A_21 = arith.constant 576 : i32
    %add3A_22 = arith.addi %mul3A_2, %add3A_21 : i32
    "tpu.region"() ({
      %run_scoped3A_43 = tpu.sem_alloc : memref<!tpu.dma_semaphore, #tpu.memory_space<semaphore_mem>>
      %dma_start3A_44 = arith.constant 0 : i32
      %dma_start3A_45 = arith.constant 0 : i32
      %dma_start3A_46 = tpu.memref_slice %arg9[%dma_start3A_44, %dma_start3A_45] : memref<96x128xf32, #tpu.memory_space<vmem>> -> memref<64x128xf32, #tpu.memory_space<vmem>>
      %dma_start3A_47 = arith.constant 0 : i32
      %dma_start3A_48 = tpu.memref_slice %arg11[%add3A_22, %dma_start3A_47] : memref<10240x128xf32, #tpu.memory_space<vmem_shared>> -> memref<64x128xf32, #tpu.memory_space<vmem_shared>>
      %dma_start3A_49 = arith.constant 0 : i32
      %dma_start3A_50 = tpu.memref_slice %arg11[%add3A_22, %dma_start3A_49] : memref<10240x128xf32, #tpu.memory_space<vmem_shared>> -> memref<64x128xf32, #tpu.memory_space<vmem_shared>>
      %dma_start3A_51 = arith.constant 0 : i32
      %dma_start3A_52 = arith.constant 0 : i32
      %dma_start3A_53 = tpu.memref_slice %arg9[%dma_start3A_51, %dma_start3A_52] : memref<96x128xf32, #tpu.memory_space<vmem>> -> memref<64x128xf32, #tpu.memory_space<vmem>>
      tpu.enqueue_dma source(%dma_start3A_53 : memref<64x128xf32, #tpu.memory_space<vmem>>) target(%dma_start3A_50 : memref<64x128xf32, #tpu.memory_space<vmem_shared>>) target_semaphore(%run_scoped3A_43 : memref<!tpu.dma_semaphore, #tpu.memory_space<semaphore_mem>>)
      %dma_wait3A_54 = arith.constant 0 : i32
      %dma_wait3A_55 = arith.constant 0 : i32
      %dma_wait3A_56 = tpu.memref_slice %arg9[%dma_wait3A_54, %dma_wait3A_55] : memref<96x128xf32, #tpu.memory_space<vmem>> -> memref<64x128xf32, #tpu.memory_space<vmem>>
      %dma_wait3A_57 = arith.constant 0 : i32
      %dma_wait3A_58 = tpu.memref_slice %arg11[%add3A_22, %dma_wait3A_57] : memref<10240x128xf32, #tpu.memory_space<vmem_shared>> -> memref<64x128xf32, #tpu.memory_space<vmem_shared>>
      %dma_wait3A_59 = arith.constant 0 : i32
      %dma_wait3A_60 = tpu.memref_slice %arg11[%add3A_22, %dma_wait3A_59] : memref<10240x128xf32, #tpu.memory_space<vmem_shared>> -> memref<64x128xf32, #tpu.memory_space<vmem_shared>>
      %dma_wait3A_61 = arith.constant 0 : i32
      %dma_wait3A_62 = arith.constant 0 : i32
      %dma_wait3A_63 = tpu.memref_slice %arg9[%dma_wait3A_61, %dma_wait3A_62] : memref<96x128xf32, #tpu.memory_space<vmem>> -> memref<64x128xf32, #tpu.memory_space<vmem>>
      tpu.wait_dma2 semaphore(%run_scoped3A_43 : memref<!tpu.dma_semaphore, #tpu.memory_space<semaphore_mem>>) src(%dma_wait3A_63 : memref<64x128xf32, #tpu.memory_space<vmem>>) dst(%dma_wait3A_60 : memref<64x128xf32, #tpu.memory_space<vmem_shared>>)
      tpu.yield
    }) : () -> ()
    "tpu.region"() ({
      %run_scoped3A_43 = tpu.sem_alloc : memref<!tpu.dma_semaphore, #tpu.memory_space<semaphore_mem>>
      %dma_start3A_44 = arith.constant 0 : i32
      %dma_start3A_45 = tpu.memref_slice %arg3[%add3A, %dma_start3A_44] : memref<32x10080xi32, #tpu.memory_space<hbm>> -> memref<1x10080xi32, #tpu.memory_space<hbm>>
      %dma_start3A_46 = tpu.memref_squeeze %dma_start3A_45 : memref<1x10080xi32, #tpu.memory_space<hbm>> -> memref<10080xi32, #tpu.memory_space<hbm>>
      %dma_start3A_47 = arith.constant 0 : i32
      %dma_start3A_48 = tpu.memref_slice %arg3[%add3A, %dma_start3A_47] : memref<32x10080xi32, #tpu.memory_space<hbm>> -> memref<1x10080xi32, #tpu.memory_space<hbm>>
      %dma_start3A_49 = tpu.memref_squeeze %dma_start3A_48 : memref<1x10080xi32, #tpu.memory_space<hbm>> -> memref<10080xi32, #tpu.memory_space<hbm>>
      tpu.enqueue_dma source(%dma_start3A_49 : memref<10080xi32, #tpu.memory_space<hbm>>) target(%arg7 : memref<10080xi32, #tpu.memory_space<vmem>>) target_semaphore(%run_scoped3A_43 : memref<!tpu.dma_semaphore, #tpu.memory_space<semaphore_mem>>)
      %dma_wait3A_50 = arith.constant 0 : i32
      %dma_wait3A_51 = tpu.memref_slice %arg3[%add3A, %dma_wait3A_50] : memref<32x10080xi32, #tpu.memory_space<hbm>> -> memref<1x10080xi32, #tpu.memory_space<hbm>>
      %dma_wait3A_52 = tpu.memref_squeeze %dma_wait3A_51 : memref<1x10080xi32, #tpu.memory_space<hbm>> -> memref<10080xi32, #tpu.memory_space<hbm>>
      %dma_wait3A_53 = arith.constant 0 : i32
      %dma_wait3A_54 = tpu.memref_slice %arg3[%add3A, %dma_wait3A_53] : memref<32x10080xi32, #tpu.memory_space<hbm>> -> memref<1x10080xi32, #tpu.memory_space<hbm>>
      %dma_wait3A_55 = tpu.memref_squeeze %dma_wait3A_54 : memref<1x10080xi32, #tpu.memory_space<hbm>> -> memref<10080xi32, #tpu.memory_space<hbm>>
      tpu.wait_dma2 semaphore(%run_scoped3A_43 : memref<!tpu.dma_semaphore, #tpu.memory_space<semaphore_mem>>) src(%dma_wait3A_55 : memref<10080xi32, #tpu.memory_space<hbm>>) dst(%arg7 : memref<10080xi32, #tpu.memory_space<vmem>>)
      tpu.yield
    }) : () -> ()
    "tpu.region"() ({
      %run_scoped3A_43 = tpu.sem_alloc : memref<!tpu.dma_semaphore, #tpu.memory_space<semaphore_mem>>
      %dma_start3A_44 = arith.constant 0 : i32
      %dma_start3A_45 = arith.constant 0 : i32
      %dma_start3A_46 = tpu.memref_slice %arg4[%add3A, %dma_start3A_44, %dma_start3A_45] : memref<32x105x96xi32, #tpu.memory_space<hbm>> -> memref<1x105x96xi32, #tpu.memory_space<hbm>>
      %dma_start3A_47 = tpu.memref_squeeze %dma_start3A_46 : memref<1x105x96xi32, #tpu.memory_space<hbm>> -> memref<105x96xi32, #tpu.memory_space<hbm>>
      %dma_start3A_48 = arith.constant 0 : i32
      %dma_start3A_49 = arith.constant 0 : i32
      %dma_start3A_50 = tpu.memref_slice %arg4[%add3A, %dma_start3A_48, %dma_start3A_49] : memref<32x105x96xi32, #tpu.memory_space<hbm>> -> memref<1x105x96xi32, #tpu.memory_space<hbm>>
      %dma_start3A_51 = tpu.memref_squeeze %dma_start3A_50 : memref<1x105x96xi32, #tpu.memory_space<hbm>> -> memref<105x96xi32, #tpu.memory_space<hbm>>
      tpu.enqueue_dma source(%dma_start3A_51 : memref<105x96xi32, #tpu.memory_space<hbm>>) target(%arg8 : memref<105x96xi32, #tpu.memory_space<vmem>>) target_semaphore(%run_scoped3A_43 : memref<!tpu.dma_semaphore, #tpu.memory_space<semaphore_mem>>)
      %dma_wait3A_52 = arith.constant 0 : i32
      %dma_wait3A_53 = arith.constant 0 : i32
      %dma_wait3A_54 = tpu.memref_slice %arg4[%add3A, %dma_wait3A_52, %dma_wait3A_53] : memref<32x105x96xi32, #tpu.memory_space<hbm>> -> memref<1x105x96xi32, #tpu.memory_space<hbm>>
      %dma_wait3A_55 = tpu.memref_squeeze %dma_wait3A_54 : memref<1x105x96xi32, #tpu.memory_space<hbm>> -> memref<105x96xi32, #tpu.memory_space<hbm>>
      %dma_wait3A_56 = arith.constant 0 : i32
      %dma_wait3A_57 = arith.constant 0 : i32
      %dma_wait3A_58 = tpu.memref_slice %arg4[%add3A, %dma_wait3A_56, %dma_wait3A_57] : memref<32x105x96xi32, #tpu.memory_space<hbm>> -> memref<1x105x96xi32, #tpu.memory_space<hbm>>
      %dma_wait3A_59 = tpu.memref_squeeze %dma_wait3A_58 : memref<1x105x96xi32, #tpu.memory_space<hbm>> -> memref<105x96xi32, #tpu.memory_space<hbm>>
      tpu.wait_dma2 semaphore(%run_scoped3A_43 : memref<!tpu.dma_semaphore, #tpu.memory_space<semaphore_mem>>) src(%dma_wait3A_59 : memref<105x96xi32, #tpu.memory_space<hbm>>) dst(%arg8 : memref<105x96xi32, #tpu.memory_space<vmem>>)
      tpu.yield
    }) : () -> ()
    %barrier3A = arith.constant 0 : index
    tpu.barrier barrier_id(%barrier3A)
    %dma_start3A = arith.constant 0 : i32
    %dma_start3A_23 = tpu.memref_slice %arg7[%dma_start3A] : memref<10080xi32, #tpu.memory_space<vmem>> -> memref<96xi32, #tpu.memory_space<vmem>>
    %dma_start3A_24 = arith.constant 0 : i32
    %dma_start3A_25 = arith.constant 0 : i32
    %dma_start3A_26 = tpu.memref_slice %arg2[%dma_start3A_24, %dma_start3A_25] : memref<10000x128xf32, #tpu.memory_space<hbm>> -> memref<10000x128xf32, #tpu.memory_space<hbm>>
    tpu.enqueue_indirect_dma source(%dma_start3A_26 : memref<10000x128xf32, #tpu.memory_space<hbm>>) target(%arg9 : memref<96x128xf32, #tpu.memory_space<vmem>>) offsets(%dma_start3A_23 : memref<96xi32, #tpu.memory_space<vmem>>) semaphore(%arg12 : memref<!tpu.dma_semaphore, #tpu.memory_space<semaphore_mem>>)
    %scan3A = arith.constant 0 : i32
    %scan3A_27 = arith.constant 52 : i32
    %scan3A_28 = arith.addi %scan3A, %scan3A_27 : i32
    %scan3A_29 = arith.constant 1 : i32
    scf.for %scan3A_43 = %scan3A to %scan3A_28 step %scan3A_29  : i32 {
      %mul3A_44 = arith.constant 2 : i32
      %mul3A_45 = arith.muli %scan3A_43, %mul3A_44 : i32
      %add3A_46 = arith.constant 0 : i32
      %add3A_47 = arith.addi %add3A_46, %mul3A_45 : i32
      %add3A_48 = arith.constant 0 : i32
      %add3A_49 = arith.addi %add3A_47, %add3A_48 : i32
      %add3A_50 = arith.constant 1 : i32
      %add3A_51 = arith.addi %add3A_49, %add3A_50 : i32
      %mul3A_52 = arith.constant 96 : i32
      %mul3A_53 = arith.muli %add3A_51, %mul3A_52 : i32
      %dma_start3A_54 = tpu.memref_slice %arg7[%mul3A_53] : memref<10080xi32, #tpu.memory_space<vmem>> -> memref<96xi32, #tpu.memory_space<vmem>>
      %dma_start3A_55 = arith.constant 0 : i32
      %dma_start3A_56 = arith.constant 0 : i32
      %dma_start3A_57 = tpu.memref_slice %arg2[%dma_start3A_55, %dma_start3A_56] : memref<10000x128xf32, #tpu.memory_space<hbm>> -> memref<10000x128xf32, #tpu.memory_space<hbm>>
      tpu.enqueue_indirect_dma source(%dma_start3A_57 : memref<10000x128xf32, #tpu.memory_space<hbm>>) target(%arg10 : memref<96x128xf32, #tpu.memory_space<vmem>>) offsets(%dma_start3A_54 : memref<96xi32, #tpu.memory_space<vmem>>) semaphore(%arg13 : memref<!tpu.dma_semaphore, #tpu.memory_space<semaphore_mem>>)
      %dma_wait3A_58 = arith.constant 0 : i32
      %dma_wait3A_59 = arith.constant 0 : i32
      %dma_wait3A_60 = tpu.memref_slice %arg2[%dma_wait3A_58, %dma_wait3A_59] : memref<10000x128xf32, #tpu.memory_space<hbm>> -> memref<96x128xf32, #tpu.memory_space<hbm>>
      %dma_wait3A_61 = arith.constant 0 : i32
      %dma_wait3A_62 = arith.constant 0 : i32
      %dma_wait3A_63 = tpu.memref_slice %arg2[%dma_wait3A_61, %dma_wait3A_62] : memref<10000x128xf32, #tpu.memory_space<hbm>> -> memref<96x128xf32, #tpu.memory_space<hbm>>
      tpu.wait_dma2 semaphore(%arg12 : memref<!tpu.dma_semaphore, #tpu.memory_space<semaphore_mem>>) src(%dma_wait3A_63 : memref<96x128xf32, #tpu.memory_space<hbm>>) dst(%arg9 : memref<96x128xf32, #tpu.memory_space<vmem>>)
      "tpu.region"() ({
        %run_scoped3A_80 = tpu.sem_alloc : memref<!tpu.dma_semaphore, #tpu.memory_space<semaphore_mem>>
        %dma_start3A_81 = arith.constant 0 : i32
        %dma_start3A_82 = tpu.memref_slice %arg8[%add3A_49, %dma_start3A_81] : memref<105x96xi32, #tpu.memory_space<vmem>> -> memref<1x96xi32, #tpu.memory_space<vmem>>
        %dma_start3A_83 = tpu.memref_squeeze %dma_start3A_82 : memref<1x96xi32, #tpu.memory_space<vmem>> -> memref<96xi32, #tpu.memory_space<vmem>>
        %dma_start3A_84 = arith.constant 0 : i32
        %dma_start3A_85 = arith.constant 0 : i32
        %dma_start3A_86 = tpu.memref_slice %arg11[%dma_start3A_84, %dma_start3A_85] : memref<10240x128xf32, #tpu.memory_space<vmem_shared>> -> memref<10240x128xf32, #tpu.memory_space<vmem_shared>>
        tpu.enqueue_indirect_dma source(%arg9 : memref<96x128xf32, #tpu.memory_space<vmem>>) target(%dma_start3A_86 : memref<10240x128xf32, #tpu.memory_space<vmem_shared>>) offsets(%dma_start3A_83 : memref<96xi32, #tpu.memory_space<vmem>>) semaphore(%run_scoped3A_80 : memref<!tpu.dma_semaphore, #tpu.memory_space<semaphore_mem>>) {add = true}
        %dma_wait3A_87 = arith.constant 0 : i32
        %dma_wait3A_88 = tpu.memref_slice %arg8[%add3A_49, %dma_wait3A_87] : memref<105x96xi32, #tpu.memory_space<vmem>> -> memref<1x96xi32, #tpu.memory_space<vmem>>
        %dma_wait3A_89 = tpu.memref_squeeze %dma_wait3A_88 : memref<1x96xi32, #tpu.memory_space<vmem>> -> memref<96xi32, #tpu.memory_space<vmem>>
        %dma_wait3A_90 = arith.constant 0 : i32
        %dma_wait3A_91 = arith.constant 0 : i32
        %dma_wait3A_92 = tpu.memref_slice %arg11[%dma_wait3A_90, %dma_wait3A_91] : memref<10240x128xf32, #tpu.memory_space<vmem_shared>> -> memref<10240x128xf32, #tpu.memory_space<vmem_shared>>
        tpu.wait_indirect_dma semaphore(%run_scoped3A_80 : memref<!tpu.dma_semaphore, #tpu.memory_space<semaphore_mem>>) src(%arg9 : memref<96x128xf32, #tpu.memory_space<vmem>>) dst(%dma_wait3A_92 : memref<10240x128xf32, #tpu.memory_space<vmem_shared>>)
        tpu.yield
      }) : () -> ()
      %add3A_64 = arith.constant 1 : i32
      %add3A_65 = arith.addi %add3A_47, %add3A_64 : i32
      %add3A_66 = arith.constant 1 : i32
      %add3A_67 = arith.addi %add3A_65, %add3A_66 : i32
      %mul3A_68 = arith.constant 96 : i32
      %mul3A_69 = arith.muli %add3A_67, %mul3A_68 : i32
      %dma_start3A_70 = tpu.memref_slice %arg7[%mul3A_69] : memref<10080xi32, #tpu.memory_space<vmem>> -> memref<96xi32, #tpu.memory_space<vmem>>
      %dma_start3A_71 = arith.constant 0 : i32
      %dma_start3A_72 = arith.constant 0 : i32
      %dma_start3A_73 = tpu.memref_slice %arg2[%dma_start3A_71, %dma_start3A_72] : memref<10000x128xf32, #tpu.memory_space<hbm>> -> memref<10000x128xf32, #tpu.memory_space<hbm>>
      tpu.enqueue_indirect_dma source(%dma_start3A_73 : memref<10000x128xf32, #tpu.memory_space<hbm>>) target(%arg9 : memref<96x128xf32, #tpu.memory_space<vmem>>) offsets(%dma_start3A_70 : memref<96xi32, #tpu.memory_space<vmem>>) semaphore(%arg12 : memref<!tpu.dma_semaphore, #tpu.memory_space<semaphore_mem>>)
      %dma_wait3A_74 = arith.constant 0 : i32
      %dma_wait3A_75 = arith.constant 0 : i32
      %dma_wait3A_76 = tpu.memref_slice %arg2[%dma_wait3A_74, %dma_wait3A_75] : memref<10000x128xf32, #tpu.memory_space<hbm>> -> memref<96x128xf32, #tpu.memory_space<hbm>>
      %dma_wait3A_77 = arith.constant 0 : i32
      %dma_wait3A_78 = arith.constant 0 : i32
      %dma_wait3A_79 = tpu.memref_slice %arg2[%dma_wait3A_77, %dma_wait3A_78] : memref<10000x128xf32, #tpu.memory_space<hbm>> -> memref<96x128xf32, #tpu.memory_space<hbm>>
      tpu.wait_dma2 semaphore(%arg13 : memref<!tpu.dma_semaphore, #tpu.memory_space<semaphore_mem>>) src(%dma_wait3A_79 : memref<96x128xf32, #tpu.memory_space<hbm>>) dst(%arg10 : memref<96x128xf32, #tpu.memory_space<vmem>>)
      "tpu.region"() ({
        %run_scoped3A_80 = tpu.sem_alloc : memref<!tpu.dma_semaphore, #tpu.memory_space<semaphore_mem>>
        %dma_start3A_81 = arith.constant 0 : i32
        %dma_start3A_82 = tpu.memref_slice %arg8[%add3A_65, %dma_start3A_81] : memref<105x96xi32, #tpu.memory_space<vmem>> -> memref<1x96xi32, #tpu.memory_space<vmem>>
        %dma_start3A_83 = tpu.memref_squeeze %dma_start3A_82 : memref<1x96xi32, #tpu.memory_space<vmem>> -> memref<96xi32, #tpu.memory_space<vmem>>
        %dma_start3A_84 = arith.constant 0 : i32
        %dma_start3A_85 = arith.constant 0 : i32
        %dma_start3A_86 = tpu.memref_slice %arg11[%dma_start3A_84, %dma_start3A_85] : memref<10240x128xf32, #tpu.memory_space<vmem_shared>> -> memref<10240x128xf32, #tpu.memory_space<vmem_shared>>
        tpu.enqueue_indirect_dma source(%arg10 : memref<96x128xf32, #tpu.memory_space<vmem>>) target(%dma_start3A_86 : memref<10240x128xf32, #tpu.memory_space<vmem_shared>>) offsets(%dma_start3A_83 : memref<96xi32, #tpu.memory_space<vmem>>) semaphore(%run_scoped3A_80 : memref<!tpu.dma_semaphore, #tpu.memory_space<semaphore_mem>>) {add = true}
        %dma_wait3A_87 = arith.constant 0 : i32
        %dma_wait3A_88 = tpu.memref_slice %arg8[%add3A_65, %dma_wait3A_87] : memref<105x96xi32, #tpu.memory_space<vmem>> -> memref<1x96xi32, #tpu.memory_space<vmem>>
        %dma_wait3A_89 = tpu.memref_squeeze %dma_wait3A_88 : memref<1x96xi32, #tpu.memory_space<vmem>> -> memref<96xi32, #tpu.memory_space<vmem>>
        %dma_wait3A_90 = arith.constant 0 : i32
        %dma_wait3A_91 = arith.constant 0 : i32
        %dma_wait3A_92 = tpu.memref_slice %arg11[%dma_wait3A_90, %dma_wait3A_91] : memref<10240x128xf32, #tpu.memory_space<vmem_shared>> -> memref<10240x128xf32, #tpu.memory_space<vmem_shared>>
        tpu.wait_indirect_dma semaphore(%run_scoped3A_80 : memref<!tpu.dma_semaphore, #tpu.memory_space<semaphore_mem>>) src(%arg10 : memref<96x128xf32, #tpu.memory_space<vmem>>) dst(%dma_wait3A_92 : memref<10240x128xf32, #tpu.memory_space<vmem_shared>>)
        tpu.yield
      }) : () -> ()
    }
    %scan3A_30 = arith.constant 52 : i32
    %dma_wait3A = arith.constant 0 : i32
    %dma_wait3A_31 = arith.constant 0 : i32
    %dma_wait3A_32 = tpu.memref_slice %arg2[%dma_wait3A, %dma_wait3A_31] : memref<10000x128xf32, #tpu.memory_space<hbm>> -> memref<96x128xf32, #tpu.memory_space<hbm>>
    %dma_wait3A_33 = arith.constant 0 : i32
    %dma_wait3A_34 = arith.constant 0 : i32
    %dma_wait3A_35 = tpu.memref_slice %arg2[%dma_wait3A_33, %dma_wait3A_34] : memref<10000x128xf32, #tpu.memory_space<hbm>> -> memref<96x128xf32, #tpu.memory_space<hbm>>
    tpu.wait_dma2 semaphore(%arg12 : memref<!tpu.dma_semaphore, #tpu.memory_space<semaphore_mem>>) src(%dma_wait3A_35 : memref<96x128xf32, #tpu.memory_space<hbm>>) dst(%arg9 : memref<96x128xf32, #tpu.memory_space<vmem>>)
    %run_scoped3A = arith.constant 104 : i32
    "tpu.region"() ({
      %run_scoped3A_43 = tpu.sem_alloc : memref<!tpu.dma_semaphore, #tpu.memory_space<semaphore_mem>>
      %dma_start3A_44 = arith.constant 0 : i32
      %dma_start3A_45 = tpu.memref_slice %arg8[%run_scoped3A, %dma_start3A_44] : memref<105x96xi32, #tpu.memory_space<vmem>> -> memref<1x96xi32, #tpu.memory_space<vmem>>
      %dma_start3A_46 = tpu.memref_squeeze %dma_start3A_45 : memref<1x96xi32, #tpu.memory_space<vmem>> -> memref<96xi32, #tpu.memory_space<vmem>>
      %dma_start3A_47 = arith.constant 0 : i32
      %dma_start3A_48 = arith.constant 0 : i32
      %dma_start3A_49 = tpu.memref_slice %arg11[%dma_start3A_47, %dma_start3A_48] : memref<10240x128xf32, #tpu.memory_space<vmem_shared>> -> memref<10240x128xf32, #tpu.memory_space<vmem_shared>>
      tpu.enqueue_indirect_dma source(%arg9 : memref<96x128xf32, #tpu.memory_space<vmem>>) target(%dma_start3A_49 : memref<10240x128xf32, #tpu.memory_space<vmem_shared>>) offsets(%dma_start3A_46 : memref<96xi32, #tpu.memory_space<vmem>>) semaphore(%run_scoped3A_43 : memref<!tpu.dma_semaphore, #tpu.memory_space<semaphore_mem>>) {add = true}
      %dma_wait3A_50 = arith.constant 0 : i32
      %dma_wait3A_51 = tpu.memref_slice %arg8[%run_scoped3A, %dma_wait3A_50] : memref<105x96xi32, #tpu.memory_space<vmem>> -> memref<1x96xi32, #tpu.memory_space<vmem>>
      %dma_wait3A_52 = tpu.memref_squeeze %dma_wait3A_51 : memref<1x96xi32, #tpu.memory_space<vmem>> -> memref<96xi32, #tpu.memory_space<vmem>>
      %dma_wait3A_53 = arith.constant 0 : i32
      %dma_wait3A_54 = arith.constant 0 : i32
      %dma_wait3A_55 = tpu.memref_slice %arg11[%dma_wait3A_53, %dma_wait3A_54] : memref<10240x128xf32, #tpu.memory_space<vmem_shared>> -> memref<10240x128xf32, #tpu.memory_space<vmem_shared>>
      tpu.wait_indirect_dma semaphore(%run_scoped3A_43 : memref<!tpu.dma_semaphore, #tpu.memory_space<semaphore_mem>>) src(%arg9 : memref<96x128xf32, #tpu.memory_space<vmem>>) dst(%dma_wait3A_55 : memref<10240x128xf32, #tpu.memory_space<vmem_shared>>)
      tpu.yield
    }) : () -> ()
    %barrier3A_36 = arith.constant 0 : index
    tpu.barrier barrier_id(%barrier3A_36)
    %lt3A = arith.constant 15 : i32
    %lt3A_37 = arith.cmpi slt, %arg1, %lt3A : i32
    %convert_element_type3A = arith.extui %lt3A_37 : i1 to i32
    %cond3A = arith.constant 0 : i32
    %cond3A_38 = arith.cmpi ne, %convert_element_type3A, %cond3A : i32
    scf.if %cond3A_38 {
      "tpu.region"() ({
        %run_scoped3A_43 = tpu.sem_alloc : memref<!tpu.dma_semaphore, #tpu.memory_space<semaphore_mem>>
        %dma_start3A_44 = arith.constant 0 : i32
        %dma_start3A_45 = tpu.memref_slice %arg6[%arg0, %mul3A_2, %dma_start3A_44] : memref<2x10000x128xf32, #tpu.memory_space<hbm>> -> memref<1x640x128xf32, #tpu.memory_space<hbm>>
        %dma_start3A_46 = tpu.memref_squeeze %dma_start3A_45 : memref<1x640x128xf32, #tpu.memory_space<hbm>> -> memref<640x128xf32, #tpu.memory_space<hbm>>
        %dma_start3A_47 = arith.constant 0 : i32
        %dma_start3A_48 = tpu.memref_slice %arg11[%mul3A_2, %dma_start3A_47] : memref<10240x128xf32, #tpu.memory_space<vmem_shared>> -> memref<640x128xf32, #tpu.memory_space<vmem_shared>>
        tpu.enqueue_dma source(%dma_start3A_48 : memref<640x128xf32, #tpu.memory_space<vmem_shared>>) target(%dma_start3A_46 : memref<640x128xf32, #tpu.memory_space<hbm>>) target_semaphore(%run_scoped3A_43 : memref<!tpu.dma_semaphore, #tpu.memory_space<semaphore_mem>>)
        %dma_wait3A_49 = arith.constant 0 : i32
        %dma_wait3A_50 = tpu.memref_slice %arg6[%arg0, %mul3A_2, %dma_wait3A_49] : memref<2x10000x128xf32, #tpu.memory_space<hbm>> -> memref<1x640x128xf32, #tpu.memory_space<hbm>>
        %dma_wait3A_51 = tpu.memref_squeeze %dma_wait3A_50 : memref<1x640x128xf32, #tpu.memory_space<hbm>> -> memref<640x128xf32, #tpu.memory_space<hbm>>
        %dma_wait3A_52 = arith.constant 0 : i32
        %dma_wait3A_53 = tpu.memref_slice %arg11[%mul3A_2, %dma_wait3A_52] : memref<10240x128xf32, #tpu.memory_space<vmem_shared>> -> memref<640x128xf32, #tpu.memory_space<vmem_shared>>
        tpu.wait_dma2 semaphore(%run_scoped3A_43 : memref<!tpu.dma_semaphore, #tpu.memory_space<semaphore_mem>>) src(%dma_wait3A_53 : memref<640x128xf32, #tpu.memory_space<vmem_shared>>) dst(%dma_wait3A_51 : memref<640x128xf32, #tpu.memory_space<hbm>>)
        tpu.yield
      }) : () -> ()
    } else {
    }
    %eq3A = arith.constant 15 : i32
    %eq3A_39 = arith.cmpi eq, %arg1, %eq3A : i32
    %convert_element_type3A_40 = arith.extui %eq3A_39 : i1 to i32
    %cond3A_41 = arith.constant 0 : i32
    %cond3A_42 = arith.cmpi ne, %convert_element_type3A_40, %cond3A_41 : i32
    scf.if %cond3A_42 {
      "tpu.region"() ({
        %run_scoped3A_43 = tpu.sem_alloc : memref<!tpu.dma_semaphore, #tpu.memory_space<semaphore_mem>>
        %dma_start3A_44 = arith.constant 0 : i32
        %dma_start3A_45 = tpu.memref_slice %arg6[%arg0, %mul3A_2, %dma_start3A_44] : memref<2x10000x128xf32, #tpu.memory_space<hbm>> -> memref<1x400x128xf32, #tpu.memory_space<hbm>>
        %dma_start3A_46 = tpu.memref_squeeze %dma_start3A_45 : memref<1x400x128xf32, #tpu.memory_space<hbm>> -> memref<400x128xf32, #tpu.memory_space<hbm>>
        %dma_start3A_47 = arith.constant 0 : i32
        %dma_start3A_48 = tpu.memref_slice %arg11[%mul3A_2, %dma_start3A_47] : memref<10240x128xf32, #tpu.memory_space<vmem_shared>> -> memref<400x128xf32, #tpu.memory_space<vmem_shared>>
        tpu.enqueue_dma source(%dma_start3A_48 : memref<400x128xf32, #tpu.memory_space<vmem_shared>>) target(%dma_start3A_46 : memref<400x128xf32, #tpu.memory_space<hbm>>) target_semaphore(%run_scoped3A_43 : memref<!tpu.dma_semaphore, #tpu.memory_space<semaphore_mem>>)
        %dma_wait3A_49 = arith.constant 0 : i32
        %dma_wait3A_50 = tpu.memref_slice %arg6[%arg0, %mul3A_2, %dma_wait3A_49] : memref<2x10000x128xf32, #tpu.memory_space<hbm>> -> memref<1x400x128xf32, #tpu.memory_space<hbm>>
        %dma_wait3A_51 = tpu.memref_squeeze %dma_wait3A_50 : memref<1x400x128xf32, #tpu.memory_space<hbm>> -> memref<400x128xf32, #tpu.memory_space<hbm>>
        %dma_wait3A_52 = arith.constant 0 : i32
        %dma_wait3A_53 = tpu.memref_slice %arg11[%mul3A_2, %dma_wait3A_52] : memref<10240x128xf32, #tpu.memory_space<vmem_shared>> -> memref<400x128xf32, #tpu.memory_space<vmem_shared>>
        tpu.wait_dma2 semaphore(%run_scoped3A_43 : memref<!tpu.dma_semaphore, #tpu.memory_space<semaphore_mem>>) src(%dma_wait3A_53 : memref<400x128xf32, #tpu.memory_space<vmem_shared>>) dst(%dma_wait3A_51 : memref<400x128xf32, #tpu.memory_space<hbm>>)
        tpu.yield
      }) : () -> ()
    } else {
    }
    return
  }
}

module attributes {stable_mosaic.version = 14 : i64} {
  func.func @body(%arg0: i32, %arg1: memref<2x1000x128xf32, #tpu.memory_space<vmem>>, %arg2: memref<1000x128xf32, #tpu.memory_space<vmem>>, %arg3: memref<1000x128xf32, #tpu.memory_space<vmem>>, %arg4: memref<1000x128xf32, #tpu.memory_space<vmem>>) attributes {dimension_semantics = [#tpu.dimension_semantics<arbitrary>], iteration_bounds = array<i64: 10>, scalar_prefetch = 0 : i64, scratch_operands = 0 : i64, tpu.core_type = #tpu.core_type<tc>, window_params = [{transform_indices = @transform_0, window_bounds = array<i64: 2, 1000, 128>}, {transform_indices = @transform_1, window_bounds = array<i64: 1000, 128>}, {transform_indices = @transform_2, window_bounds = array<i64: 1000, 128>}, {transform_indices = @transform_3, window_bounds = array<i64: 1000, 128>}]} {
    %get3A = arith.constant 0 : index
    %get3A_0 = arith.constant 0 : index
    %get3A_1 = arith.constant 0 : index
    %get3A_2 = vector.load %arg1[%get3A, %get3A_0, %get3A_1] : memref<2x1000x128xf32, #tpu.memory_space<vmem>>, vector<1x1000x1xf32>
    %get3A_3 = vector.shape_cast %get3A_2 : vector<1x1000x1xf32> to vector<1000x1xf32>
    %get3A_4 = arith.constant 1 : index
    %get3A_5 = arith.constant 0 : index
    %get3A_6 = arith.constant 0 : index
    %get3A_7 = vector.load %arg1[%get3A_4, %get3A_5, %get3A_6] : memref<2x1000x128xf32, #tpu.memory_space<vmem>>, vector<1x1000x1xf32>
    %get3A_8 = vector.shape_cast %get3A_7 : vector<1x1000x1xf32> to vector<1000x1xf32>
    %add3A = arith.addf %get3A_3, %get3A_8 : vector<1000x1xf32>
    %gt3A = arith.constant 0.000000e+00 : f32
    %gt3A_9 = vector.broadcast %gt3A : f32 to vector<1000x1xf32>
    %gt3A_10 = arith.cmpf ogt, %add3A, %gt3A_9 : vector<1000x1xf32>
    %max3A = arith.constant 1.000000e+00 : f32
    %max3A_11 = vector.broadcast %max3A : f32 to vector<1000x1xf32>
    %max3A_12 = arith.maximumf %add3A, %max3A_11 : vector<1000x1xf32>
    %rsqrt3A = math.rsqrt %max3A_12 : vector<1000x1xf32>
    %jit3A = arith.constant 0.000000e+00 : f32
    %broadcast_in_dim3A = vector.broadcast %jit3A : f32 to vector<1000x1xf32>
    %select_n3A = arith.select %gt3A_10, %rsqrt3A, %broadcast_in_dim3A : vector<1000x1xi1>, vector<1000x1xf32>
    %broadcast_in_dim3A_13 = vector.shape_cast %select_n3A : vector<1000x1xf32> to vector<1000x1xf32>
    %broadcast_in_dim3A_14 = vector.broadcast %broadcast_in_dim3A_13 : vector<1000x1xf32> to vector<1000x128xf32>
    %swap3A = arith.constant 0 : index
    %swap3A_15 = arith.constant 0 : index
    %swap3A_16 = vector.load %arg4[%swap3A, %swap3A_15] : memref<1000x128xf32, #tpu.memory_space<vmem>>, vector<1000x128xf32>
    tpu.vector_store %arg4[%swap3A, %swap3A_15], %broadcast_in_dim3A_14 {strides = array<i32>} : memref<1000x128xf32, #tpu.memory_space<vmem>>, vector<1000x128xf32>,
    %get3A_17 = arith.constant 0 : index
    %get3A_18 = arith.constant 0 : index
    %get3A_19 = vector.load %arg2[%get3A_17, %get3A_18] : memref<1000x128xf32, #tpu.memory_space<vmem>>, vector<1000x128xf32>
    %mul3A = arith.mulf %get3A_19, %broadcast_in_dim3A_14 : vector<1000x128xf32>
    %swap3A_20 = arith.constant 0 : index
    %swap3A_21 = arith.constant 0 : index
    %swap3A_22 = vector.load %arg3[%swap3A_20, %swap3A_21] : memref<1000x128xf32, #tpu.memory_space<vmem>>, vector<1000x128xf32>
    tpu.vector_store %arg3[%swap3A_20, %swap3A_21], %mul3A {strides = array<i32>} : memref<1000x128xf32, #tpu.memory_space<vmem>>, vector<1000x128xf32>,
    return
  }
  func.func @transform_0(%arg0: i32) -> (i32, i32, i32) {
    %c0_i32 = arith.constant 0 : i32
    %c0_i32_0 = arith.constant 0 : i32
    %c0_i32_1 = arith.constant 0 : i32
    return %c0_i32, %arg0, %c0_i32_0 : i32, i32, i32
  }
  func.func @transform_1(%arg0: i32) -> (i32, i32) {
    %c0_i32 = arith.constant 0 : i32
    %c0_i32_0 = arith.constant 0 : i32
    return %arg0, %c0_i32 : i32, i32
  }
  func.func @transform_2(%arg0: i32) -> (i32, i32) {
    %c0_i32 = arith.constant 0 : i32
    %c0_i32_0 = arith.constant 0 : i32
    return %arg0, %c0_i32 : i32, i32
  }
  func.func @transform_3(%arg0: i32) -> (i32, i32) {
    %c0_i32 = arith.constant 0 : i32
    %c0_i32_0 = arith.constant 0 : i32
    return %arg0, %c0_i32 : i32, i32
  }
}

module attributes {stable_mosaic.version = 14 : i64} {
  func.func @body(%arg0: i32, %arg1: memref<2x1000x128xf32, #tpu.memory_space<vmem>>, %arg2: memref<1000x128xf32, #tpu.memory_space<vmem>>, %arg3: memref<128x128xf32, #tpu.memory_space<vmem>>, %arg4: memref<1x128xf32, #tpu.memory_space<vmem>>, %arg5: memref<1000x128xf32, #tpu.memory_space<vmem>>) attributes {dimension_semantics = [#tpu.dimension_semantics<arbitrary>], iteration_bounds = array<i64: 10>, scalar_prefetch = 0 : i64, scratch_operands = 0 : i64, tpu.core_type = #tpu.core_type<tc>, window_params = [{transform_indices = @transform_0, window_bounds = array<i64: 2, 1000, 128>}, {transform_indices = @transform_1, window_bounds = array<i64: 1000, 128>}, {pipeline_mode = #tpu.pipeline_mode<synchronous>, transform_indices = @transform_2, window_bounds = array<i64: 128, 128>}, {pipeline_mode = #tpu.pipeline_mode<synchronous>, transform_indices = @transform_3, window_bounds = array<i64: 1, 128>}, {transform_indices = @transform_4, window_bounds = array<i64: 1000, 128>}]} {
    %get3A = arith.constant 0 : index
    %get3A_0 = arith.constant 0 : index
    %get3A_1 = vector.load %arg2[%get3A, %get3A_0] : memref<1000x128xf32, #tpu.memory_space<vmem>>, vector<1000x128xf32>
    %get3A_2 = arith.constant 0 : index
    %get3A_3 = arith.constant 0 : index
    %get3A_4 = arith.constant 0 : index
    %get3A_5 = vector.load %arg1[%get3A_2, %get3A_3, %get3A_4] : memref<2x1000x128xf32, #tpu.memory_space<vmem>>, vector<1x1000x128xf32>
    %get3A_6 = vector.shape_cast %get3A_5 : vector<1x1000x128xf32> to vector<1000x128xf32>
    %get3A_7 = arith.constant 1 : index
    %get3A_8 = arith.constant 0 : index
    %get3A_9 = arith.constant 0 : index
    %get3A_10 = vector.load %arg1[%get3A_7, %get3A_8, %get3A_9] : memref<2x1000x128xf32, #tpu.memory_space<vmem>>, vector<1x1000x128xf32>
    %get3A_11 = vector.shape_cast %get3A_10 : vector<1x1000x128xf32> to vector<1000x128xf32>
    %add3A = arith.addf %get3A_6, %get3A_11 : vector<1000x128xf32>
    %mul3A = arith.mulf %add3A, %get3A_1 : vector<1000x128xf32>
    %get3A_12 = arith.constant 0 : index
    %get3A_13 = arith.constant 0 : index
    %get3A_14 = vector.load %arg3[%get3A_12, %get3A_13] : memref<128x128xf32, #tpu.memory_space<vmem>>, vector<128x128xf32>
    %dot_general3A = arith.constant dense<0.000000e+00> : vector<1000x128xf32>
    %dot_general3A_15 = tpu.matmul %mul3A, %get3A_14, %dot_general3A {dimension_numbers = #tpu.dot_dimension_numbers<[1], [0], [0], [1], [0, 0, 1, 1], [], []>, transpose_lhs_hint = false} : vector<1000x128xf32>, vector<128x128xf32>, vector<1000x128xf32> -> vector<1000x128xf32>
    %get3A_16 = arith.constant 0 : index
    %get3A_17 = arith.constant 0 : index
    %get3A_18 = vector.load %arg4[%get3A_16, %get3A_17] : memref<1x128xf32, #tpu.memory_space<vmem>>, vector<1x128xf32>
    %add3A_19 = vector.broadcast %get3A_18 : vector<1x128xf32> to vector<1000x128xf32>
    %add3A_20 = arith.addf %dot_general3A_15, %add3A_19 : vector<1000x128xf32>
    %max3A = arith.constant 0.000000e+00 : f32
    %max3A_21 = vector.broadcast %max3A : f32 to vector<1000x128xf32>
    %max3A_22 = arith.maximumf %add3A_20, %max3A_21 : vector<1000x128xf32>
    %mul3A_23 = arith.mulf %max3A_22, %get3A_1 : vector<1000x128xf32>
    %swap3A = arith.constant 0 : index
    %swap3A_24 = arith.constant 0 : index
    %swap3A_25 = vector.load %arg5[%swap3A, %swap3A_24] : memref<1000x128xf32, #tpu.memory_space<vmem>>, vector<1000x128xf32>
    tpu.vector_store %arg5[%swap3A, %swap3A_24], %mul3A_23 {strides = array<i32>} : memref<1000x128xf32, #tpu.memory_space<vmem>>, vector<1000x128xf32>,
    return
  }
  func.func @transform_0(%arg0: i32) -> (i32, i32, i32) {
    %c0_i32 = arith.constant 0 : i32
    %c0_i32_0 = arith.constant 0 : i32
    %c0_i32_1 = arith.constant 0 : i32
    return %c0_i32, %arg0, %c0_i32_0 : i32, i32, i32
  }
  func.func @transform_1(%arg0: i32) -> (i32, i32) {
    %c0_i32 = arith.constant 0 : i32
    %c0_i32_0 = arith.constant 0 : i32
    return %arg0, %c0_i32 : i32, i32
  }
  func.func @transform_2(%arg0: i32) -> (i32, i32) {
    %c0_i32 = arith.constant 0 : i32
    %c0_i32_0 = arith.constant 0 : i32
    %c0_i32_1 = arith.constant 0 : i32
    return %c0_i32, %c0_i32_0 : i32, i32
  }
  func.func @transform_3(%arg0: i32) -> (i32, i32) {
    %c0_i32 = arith.constant 0 : i32
    %c0_i32_0 = arith.constant 0 : i32
    %c0_i32_1 = arith.constant 0 : i32
    return %c0_i32, %c0_i32_0 : i32, i32
  }
  func.func @transform_4(%arg0: i32) -> (i32, i32) {
    %c0_i32 = arith.constant 0 : i32
    %c0_i32_0 = arith.constant 0 : i32
    return %arg0, %c0_i32 : i32, i32
  }
}

module attributes {stable_mosaic.version = 14 : i64} {
  func.func @body(%arg0: i32, %arg1: memref<2x1000x128xf32, #tpu.memory_space<vmem>>, %arg2: memref<1000x128xf32, #tpu.memory_space<vmem>>, %arg3: memref<128x128xf32, #tpu.memory_space<vmem>>, %arg4: memref<1x128xf32, #tpu.memory_space<vmem>>, %arg5: memref<128x128xf32, #tpu.memory_space<vmem>>, %arg6: memref<1x128xf32, #tpu.memory_space<vmem>>, %arg7: memref<8x128xf32, #tpu.memory_space<vmem>>, %arg8: memref<8x128xf32, #tpu.memory_space<vmem>>) attributes {dimension_semantics = [#tpu.dimension_semantics<arbitrary>], iteration_bounds = array<i64: 10>, scalar_prefetch = 0 : i64, scratch_operands = 0 : i64, tpu.core_type = #tpu.core_type<tc>, window_params = [{transform_indices = @transform_0, window_bounds = array<i64: 2, 1000, 128>}, {transform_indices = @transform_1, window_bounds = array<i64: 1000, 128>}, {pipeline_mode = #tpu.pipeline_mode<synchronous>, transform_indices = @transform_2, window_bounds = array<i64: 128, 128>}, {pipeline_mode = #tpu.pipeline_mode<synchronous>, transform_indices = @transform_3, window_bounds = array<i64: 1, 128>}, {pipeline_mode = #tpu.pipeline_mode<synchronous>, transform_indices = @transform_4, window_bounds = array<i64: 128, 128>}, {pipeline_mode = #tpu.pipeline_mode<synchronous>, transform_indices = @transform_5, window_bounds = array<i64: 1, 128>}, {pipeline_mode = #tpu.pipeline_mode<synchronous>, transform_indices = @transform_6, window_bounds = array<i64: 8, 128>}, {pipeline_mode = #tpu.pipeline_mode<synchronous>, transform_indices = @transform_7, window_bounds = array<i64: 8, 128>}]} {
    %get3A = arith.constant 0 : index
    %get3A_0 = arith.constant 0 : index
    %get3A_1 = arith.constant 0 : index
    %get3A_2 = vector.load %arg1[%get3A, %get3A_0, %get3A_1] : memref<2x1000x128xf32, #tpu.memory_space<vmem>>, vector<1x1000x128xf32>
    %get3A_3 = vector.shape_cast %get3A_2 : vector<1x1000x128xf32> to vector<1000x128xf32>
    %get3A_4 = arith.constant 1 : index
    %get3A_5 = arith.constant 0 : index
    %get3A_6 = arith.constant 0 : index
    %get3A_7 = vector.load %arg1[%get3A_4, %get3A_5, %get3A_6] : memref<2x1000x128xf32, #tpu.memory_space<vmem>>, vector<1x1000x128xf32>
    %get3A_8 = vector.shape_cast %get3A_7 : vector<1x1000x128xf32> to vector<1000x128xf32>
    %add3A = arith.addf %get3A_3, %get3A_8 : vector<1000x128xf32>
    %get3A_9 = arith.constant 0 : index
    %get3A_10 = arith.constant 0 : index
    %get3A_11 = vector.load %arg2[%get3A_9, %get3A_10] : memref<1000x128xf32, #tpu.memory_space<vmem>>, vector<1000x128xf32>
    %mul3A = arith.mulf %add3A, %get3A_11 : vector<1000x128xf32>
    %get3A_12 = arith.constant 0 : index
    %get3A_13 = arith.constant 0 : index
    %get3A_14 = vector.load %arg3[%get3A_12, %get3A_13] : memref<128x128xf32, #tpu.memory_space<vmem>>, vector<128x128xf32>
    %dot_general3A = arith.constant dense<0.000000e+00> : vector<1000x128xf32>
    %dot_general3A_15 = tpu.matmul %mul3A, %get3A_14, %dot_general3A {dimension_numbers = #tpu.dot_dimension_numbers<[1], [0], [0], [1], [0, 0, 1, 1], [], []>, transpose_lhs_hint = false} : vector<1000x128xf32>, vector<128x128xf32>, vector<1000x128xf32> -> vector<1000x128xf32>
    %get3A_16 = arith.constant 0 : index
    %get3A_17 = arith.constant 0 : index
    %get3A_18 = vector.load %arg4[%get3A_16, %get3A_17] : memref<1x128xf32, #tpu.memory_space<vmem>>, vector<1x128xf32>
    %add3A_19 = vector.broadcast %get3A_18 : vector<1x128xf32> to vector<1000x128xf32>
    %add3A_20 = arith.addf %dot_general3A_15, %add3A_19 : vector<1000x128xf32>
    %max3A = arith.constant 0.000000e+00 : f32
    %max3A_21 = vector.broadcast %max3A : f32 to vector<1000x128xf32>
    %max3A_22 = arith.maximumf %add3A_20, %max3A_21 : vector<1000x128xf32>
    %reduce_max3A = arith.constant dense<0xFF800000> : vector<128xf32>
    %reduce_max3A_23 = vector.multi_reduction <maximumf>, %max3A_22, %reduce_max3A [0] : vector<1000x128xf32> to vector<128xf32>
    %broadcast_in_dim3A = vector.shape_cast %reduce_max3A_23 : vector<128xf32> to vector<1x128xf32>
    %broadcast_in_dim3A_24 = vector.shape_cast %broadcast_in_dim3A : vector<1x128xf32> to vector<1x128xf32>
    %broadcast_in_dim3A_25 = vector.broadcast %broadcast_in_dim3A_24 : vector<1x128xf32> to vector<8x128xf32>
    %eq3A = arith.constant 0 : i32
    %eq3A_26 = arith.cmpi eq, %arg0, %eq3A : i32
    %convert_element_type3A = arith.extui %eq3A_26 : i1 to i32
    %cond3A = arith.constant 0 : i32
    %cond3A_27 = arith.cmpi ne, %convert_element_type3A, %cond3A : i32
    scf.if %cond3A_27 {
      %swap3A = arith.constant 0 : index
      %swap3A_37 = arith.constant 0 : index
      %swap3A_38 = vector.load %arg7[%swap3A, %swap3A_37] : memref<8x128xf32, #tpu.memory_space<vmem>>, vector<8x128xf32>
      tpu.vector_store %arg7[%swap3A, %swap3A_37], %broadcast_in_dim3A_25 {strides = array<i32>} : memref<8x128xf32, #tpu.memory_space<vmem>>, vector<8x128xf32>,
    } else {
    }
    %gt3A = arith.constant 0 : i32
    %gt3A_28 = arith.cmpi sgt, %arg0, %gt3A : i32
    %convert_element_type3A_29 = arith.extui %gt3A_28 : i1 to i32
    %cond3A_30 = arith.constant 0 : i32
    %cond3A_31 = arith.cmpi ne, %convert_element_type3A_29, %cond3A_30 : i32
    scf.if %cond3A_31 {
      %get3A_37 = arith.constant 0 : index
      %get3A_38 = arith.constant 0 : index
      %get3A_39 = vector.load %arg7[%get3A_37, %get3A_38] : memref<8x128xf32, #tpu.memory_space<vmem>>, vector<8x128xf32>
      %max3A_40 = arith.maximumf %get3A_39, %broadcast_in_dim3A_25 : vector<8x128xf32>
      %swap3A = arith.constant 0 : index
      %swap3A_41 = arith.constant 0 : index
      %swap3A_42 = vector.load %arg7[%swap3A, %swap3A_41] : memref<8x128xf32, #tpu.memory_space<vmem>>, vector<8x128xf32>
      tpu.vector_store %arg7[%swap3A, %swap3A_41], %max3A_40 {strides = array<i32>} : memref<8x128xf32, #tpu.memory_space<vmem>>, vector<8x128xf32>,
    } else {
    }
    %eq3A_32 = arith.constant 9 : i32
    %eq3A_33 = arith.cmpi eq, %arg0, %eq3A_32 : i32
    %convert_element_type3A_34 = arith.extui %eq3A_33 : i1 to i32
    %cond3A_35 = arith.constant 0 : i32
    %cond3A_36 = arith.cmpi ne, %convert_element_type3A_34, %cond3A_35 : i32
    scf.if %cond3A_36 {
      %get3A_37 = arith.constant 0 : index
      %get3A_38 = arith.constant 0 : index
      %get3A_39 = vector.load %arg7[%get3A_37, %get3A_38] : memref<8x128xf32, #tpu.memory_space<vmem>>, vector<1x128xf32>
      %get3A_40 = arith.constant 0 : index
      %get3A_41 = arith.constant 0 : index
      %get3A_42 = vector.load %arg5[%get3A_40, %get3A_41] : memref<128x128xf32, #tpu.memory_space<vmem>>, vector<128x128xf32>
      %dot_general3A_43 = arith.constant dense<0.000000e+00> : vector<1x128xf32>
      %dot_general3A_44 = tpu.matmul %get3A_39, %get3A_42, %dot_general3A_43 {dimension_numbers = #tpu.dot_dimension_numbers<[1], [0], [0], [1], [0, 0, 1, 1], [], []>, transpose_lhs_hint = false} : vector<1x128xf32>, vector<128x128xf32>, vector<1x128xf32> -> vector<1x128xf32>
      %get3A_45 = arith.constant 0 : index
      %get3A_46 = arith.constant 0 : index
      %get3A_47 = vector.load %arg6[%get3A_45, %get3A_46] : memref<1x128xf32, #tpu.memory_space<vmem>>, vector<1x128xf32>
      %add3A_48 = arith.addf %dot_general3A_44, %get3A_47 : vector<1x128xf32>
      %broadcast_in_dim3A_49 = vector.shape_cast %add3A_48 : vector<1x128xf32> to vector<1x128xf32>
      %broadcast_in_dim3A_50 = vector.broadcast %broadcast_in_dim3A_49 : vector<1x128xf32> to vector<8x128xf32>
      %swap3A = arith.constant 0 : index
      %swap3A_51 = arith.constant 0 : index
      %swap3A_52 = vector.load %arg8[%swap3A, %swap3A_51] : memref<8x128xf32, #tpu.memory_space<vmem>>, vector<8x128xf32>
      tpu.vector_store %arg8[%swap3A, %swap3A_51], %broadcast_in_dim3A_50 {strides = array<i32>} : memref<8x128xf32, #tpu.memory_space<vmem>>, vector<8x128xf32>,
    } else {
    }
    return
  }
  func.func @transform_0(%arg0: i32) -> (i32, i32, i32) {
    %c0_i32 = arith.constant 0 : i32
    %c0_i32_0 = arith.constant 0 : i32
    %c0_i32_1 = arith.constant 0 : i32
    return %c0_i32, %arg0, %c0_i32_0 : i32, i32, i32
  }
  func.func @transform_1(%arg0: i32) -> (i32, i32) {
    %c0_i32 = arith.constant 0 : i32
    %c0_i32_0 = arith.constant 0 : i32
    return %arg0, %c0_i32 : i32, i32
  }
  func.func @transform_2(%arg0: i32) -> (i32, i32) {
    %c0_i32 = arith.constant 0 : i32
    %c0_i32_0 = arith.constant 0 : i32
    %c0_i32_1 = arith.constant 0 : i32
    return %c0_i32, %c0_i32_0 : i32, i32
  }
  func.func @transform_3(%arg0: i32) -> (i32, i32) {
    %c0_i32 = arith.constant 0 : i32
    %c0_i32_0 = arith.constant 0 : i32
    %c0_i32_1 = arith.constant 0 : i32
    return %c0_i32, %c0_i32_0 : i32, i32
  }
  func.func @transform_4(%arg0: i32) -> (i32, i32) {
    %c0_i32 = arith.constant 0 : i32
    %c0_i32_0 = arith.constant 0 : i32
    %c0_i32_1 = arith.constant 0 : i32
    return %c0_i32, %c0_i32_0 : i32, i32
  }
  func.func @transform_5(%arg0: i32) -> (i32, i32) {
    %c0_i32 = arith.constant 0 : i32
    %c0_i32_0 = arith.constant 0 : i32
    %c0_i32_1 = arith.constant 0 : i32
    return %c0_i32, %c0_i32_0 : i32, i32
  }
  func.func @transform_6(%arg0: i32) -> (i32, i32) {
    %c0_i32 = arith.constant 0 : i32
    %c0_i32_0 = arith.constant 0 : i32
    %c0_i32_1 = arith.constant 0 : i32
    return %c0_i32, %c0_i32_0 : i32, i32
  }
  func.func @transform_7(%arg0: i32) -> (i32, i32) {
    %c0_i32 = arith.constant 0 : i32
    %c0_i32_0 = arith.constant 0 : i32
    %c0_i32_1 = arith.constant 0 : i32
    return %c0_i32, %c0_i32_0 : i32, i32
  }
}

</mosaic_0001>

<sc_bundles>
// kernel: kernel.11.cloned.1.call-start
scs
__scs_entry_jumppad:
0x0: {  	(pc) =	sbr.rel $0x88, $3  }
0x1: {  	(tag) =	ssettag $0x0;
	lr =	simm.s32 $0x1  }
0x2: {  	[smem:$0x3F99] =	sst lr;
	_ =	strace $0xD0000000  }
0x3: {  	_ = 	snop  }
0x4: {  	_ = 	snop  }
0x5: {  	_ = 	snop  }
0x6: {  	_ = 	snop  }
0x7: {  	_ = 	snop  }
__scs_overlays_trampoline_lowered:
0x8: {  	[smem:$0x3FA8] =	sst s0  }
0x9: {  	[smem:$0x3FA9] =	sst s1  }
0xa: {  	[smem:$0x3FAA] =	sst s2  }
0xb: {  	[smem:$0x3FAB] =	sst s3  }
0xc: {  	[smem:$0x3FAC] =	sst s4  }
0xd: {  	[smem:$0x3FAD] =	sst s5  }
0xe: {  	[smem:$0x3FAE] =	sst s6  }
0xf: {  	[smem:$0x3FAF] =	sst s7  }
0x10: {  	[smem:$0x3FB0] =	sst s8  }
0x11: {  	[smem:$0x3FB1] =	sst s9;
	s0 =	simm.s32 @!p0 $0x0  }
0x12: {  	s1 =	sld [smem:$0x3F97];
	s0 =	simm.s32 @p0 $0x1  }
0x13: {  	[smem:$0x3FB2] =	sst s0;
	s0 =	simm.s32 @!p1 $0x0  }
0x14: {  	s2 =	sld [smem:$0x3F96];
	s0 =	simm.s32 @p1 $0x1  }
0x15: {  	[smem:$0x3FB3] =	sst s0;
	s0 =	simm.s32 @!p2 $0x0  }
0x16: {  	s3 =	sld [smem:$0x3FDB];
	s0 =	simm.s32 @p2 $0x1  }
0x17: {  	s4 =	simm.s32 $0x1BF5;
	[smem:$0x3FB5] =	sst s0  }
0x18: {  	s0 =	sld [smem:$0x3F98];
	_ =	swait.ge [sflag:s4], $0x0  }
0x19: {  	s7 =	sld [smem:$0x3F99]  }
0x1a: {  	s8 =	sadd.s32 $0xFFFFE003, lr  }
0x1b: {  	s9 =	sadd.s32 $0xFFFFFEF7, lr;
	s5 =	simm.s32 $0xFFFFFFFF;
	p2 =	slt.u32 s8, $0xFFFFF086  }
0x1c: {  	p1 =	slt.u32 s9, $0xF7A;
	s5 =	simm.s32 @!p2 $0x0  }
0x1d: {  	s5 =	simm.s32 @p1 $0x1;
	p0 =	seq.s32 s7, s2  }
0x1e: {  	s7 =	smul.u32 @!p0 $0xF7A, s2;
	p2 =	seq.s32 @!p0 s5, $0x0  }
0x1f: {  	s9 =	smul.u32 $0xF7A, s1;
	s8 =	simm.s32 @!p0 $0x1BF5;
	p2 =	por !p2, p0  }
0x20: {  	[sflag:s8] =	ssyncset.s32 @!p0 $0xFFFFF086;
	s6 =	sadd.s32 @!p0 s3, s7;
	s7 =	simm.s32 @!p0 $0x108  }
0x21: {  	s3 =	sadd.s32 s3, s9;
	s6 =	sadd.s32 @!p0 $0x88, s6;
	s7 =	simm.s32 @p2 $0x1082  }
0x22: {  	[simem:s7], [sflag:s8] =	dma.local @!p0 [hbm:s6], $0xF7A  }
0x23: {  	s9 =	sor.u32 $0xD0000000, s2;
	s6 =	simm.s32 $0x108;
	_ =	swait.ge @!p0 [sflag:s8], $0x0  }
0x24: {  	s3 =	sadd.s32 $0x88, s3;
	s6 =	simm.s32 @!p1 $0x1082;
	[sflag:s4] =	ssyncset.s32 $0xFFFFF086  }
0x25: {  	[simem:s6], [sflag:s4] =	dma.local [hbm:s3], $0xF7A  }
0x26: {  	[smem:$0x3F99] =	sst s1;
	(tag) =	ssettag s2;
	_ =	strace s9  }
0x27: {  	s1 =	sld [smem:$0x3FA9]  }
0x28: {  	s2 =	sld [smem:$0x3FAA]  }
0x29: {  	s4 =	sld [smem:$0x3FAC]  }
0x2a: {  	p0 =	seq.s32 s5, $0x0;
	s5 =	sld [smem:$0x3FAD]  }
0x2b: {  	s6 =	sld [smem:$0x3FAE]  }
0x2c: {  	s7 =	sld [smem:$0x3FAF]  }
0x2d: {  	s3 =	simm.s32 $0x108;
	s8 =	sld [smem:$0x3FB0]  }
0x2e: {  	s3 =	simm.s32 @!p0 $0x1082;
	s9 =	sld [smem:$0x3FB1]  }
0x2f: {  	lr =	sadd.s32 s0, s3;
	s0 =	sld [smem:$0x3FA8]  }
0x30: {  	s3 =	sld [smem:$0x3FAB]  }
0x31: {  	[smem:$0x3FB4] =	sst s10  }
0x32: {  	s10 =	sld [smem:$0x3FB2];
	_ =	sdelay $0x3  }
0x33: {  	p0 =	seq.s32 s10, $0x1;
	s10 =	sld [smem:$0x3FB4];
	_ =	sdelay $0x3  }
0x34: {  	[smem:$0x3FB4] =	sst s10  }
0x35: {  	s10 =	sld [smem:$0x3FB3];
	_ =	sdelay $0x3  }
0x36: {  	p1 =	seq.s32 s10, $0x1;
	s10 =	sld [smem:$0x3FB4];
	_ =	sdelay $0x3  }
0x37: {  	[smem:$0x3FB4] =	sst s10  }
0x38: {  	s10 =	sld [smem:$0x3FB5]  }
0x39: {  	_ = 	snop;
	(pc) =	sbr.ind lr, $3  }
0x3a: {  	_ = 	snop  }
0x3b: {  	_ = 	snop  }
0x3c: {  	p2 =	seq.s32 s10, $0x1;
	s10 =	sld [smem:$0x3FB4]  }
0x3d: {  	_ =	shalt  }
0x3e: {  	_ =	shalt  }
0x3f: {  	_ =	shalt  }
0x40: {  	_ =	shalt  }
0x41: {  	_ =	shalt  }
0x42: {  	_ =	shalt  }
0x43: {  	_ =	shalt  }
0x44: {  	_ =	shalt  }
0x45: {  	_ =	shalt  }
0x46: {  	_ =	shalt  }
0x47: {  	_ =	shalt  }
0x48: {  	_ =	shalt  }
0x49: {  	_ =	shalt  }
0x4a: {  	_ =	shalt  }
0x4b: {  	_ =	shalt  }
0x4c: {  	_ =	shalt  }
0x4d: {  	_ =	shalt  }
0x4e: {  	_ =	shalt  }
0x4f: {  	_ =	shalt  }
0x50: {  	_ =	shalt  }
0x51: {  	_ =	shalt  }
0x52: {  	_ =	shalt  }
0x53: {  	_ =	shalt  }
0x54: {  	_ =	shalt  }
0x55: {  	_ =	shalt  }
0x56: {  	_ =	shalt  }
0x57: {  	_ =	shalt  }
0x58: {  	_ =	shalt  }
0x59: {  	_ =	shalt  }
0x5a: {  	_ =	shalt  }
0x5b: {  	_ =	shalt  }
0x5c: {  	_ =	shalt  }
0x5d: {  	_ =	shalt  }
0x5e: {  	_ =	shalt  }
0x5f: {  	_ =	shalt  }
0x60: {  	_ =	shalt  }
0x61: {  	_ =	shalt  }
0x62: {  	_ =	shalt  }
0x63: {  	_ =	shalt  }
0x64: {  	_ =	shalt  }
0x65: {  	_ =	shalt  }
0x66: {  	_ =	shalt  }
0x67: {  	_ =	shalt  }
0x68: {  	_ =	shalt  }
0x69: {  	_ =	shalt  }
0x6a: {  	_ =	shalt  }
0x6b: {  	_ =	shalt  }
0x6c: {  	_ =	shalt  }
0x6d: {  	_ =	shalt  }
0x6e: {  	_ =	shalt  }
0x6f: {  	_ =	shalt  }
0x70: {  	_ =	shalt  }
0x71: {  	_ =	shalt  }
0x72: {  	_ =	shalt  }
0x73: {  	_ =	shalt  }
0x74: {  	_ =	shalt  }
0x75: {  	_ =	shalt  }
0x76: {  	_ =	shalt  }
0x77: {  	_ =	shalt  }
0x78: {  	_ =	shalt  }
0x79: {  	_ =	shalt  }
0x7a: {  	_ =	shalt  }
0x7b: {  	_ =	shalt  }
0x7c: {  	_ =	shalt  }
0x7d: {  	_ =	shalt  }
0x7e: {  	_ =	shalt  }
0x7f: {  	_ =	shalt  }
0x80: {  	_ =	shalt  }
0x81: {  	_ =	shalt  }
0x82: {  	_ =	shalt  }
0x83: {  	_ =	shalt  }
0x84: {  	_ =	shalt  }
0x85: {  	_ =	shalt  }
0x86: {  	_ =	shalt  }
0x87: {  	_ =	shalt  }
.Lfunc_end0:
.L_simem_size_0:
called_computation.1_lowered:
.L_overlay_start_0:
0x88: {  	s2 =	sld [smem:$0x3FD9]  }
0x89: {  	s3 =	sld [smem:$0x3FFE];
	_ =	sdelay $0x1  }
0x8a: {  	s1 =	srdreg.scid  }
0x8b: {  	s0 =	sand.u32 $0x1, s1  }
0x8c: {  	s16 =	sshll.u32 s0, $0xA;
	s2 =	sadd.s32 s3, s2  }
0x8d: {  	s2 =	sadd.s32 s2, s16  }
0x8e: {  	[smem:$0x3FC0] =	sst s2  }
0x8f: {  	_ = 	snop  }
0x90: {  	(tm) =	ssettm $0x1  }
0x91: {  	s17 =	sld [smem:$0x3FFB];
	_ =	sdelay $0x3  }
0x92: {  	_ =	strace s17  }
0x93: {  	s2 =	sld [smem:$0x3FFC];
	_ =	sdelay $0x3  }
0x94: {  	_ =	strace s2  }
0x95: {  	s2 =	sld [smem:$0x3FFD];
	_ =	sdelay $0x3  }
0x96: {  	_ =	strace s2  }
0x97: {  	_ =	strace $0x8FFFFFFF  }
0x98: {  	s18 =	sld [smem:$0x3FDB];
	_ =	sdelay $0x1  }
0x99: {  	s19 =	simm.s32 $_scs_section_size  }
0x9a: {  	s4 =	simm.s32 $_size__tile_overlayer_lowered;
	s5 =	simm.s32 $_tile_overlayer_lowered  }
0x9b: {  	s22 =	simm.s32 $0x1BFF;
	s21 =	sshll.u32 s5, $0x1;
	s2 =	sadd.s32 s19, s18  }
0x9c: {  	s6 =	simm.s32 $0x0;
	s20 =	sshll.u32 s4, $0x1;
	s4 =	sadd.s32 s21, s2  }
0x9d: {  	[timem:s6], [sflag:s22] =	dma.local [hbm:s4], s20  }
0x9e: {  	_ =	swait.ge [sflag:s22], s20  }
0x9f: {  	s3 =	ssub.s32 $0x0, s20;
	[sflag:s22] =	ssyncset.done $0x0  }
0xa0: {  	[sflag:s22] =	ssyncadd.s32 s3;
	_ =	sdelay $0x1  }
0xa1: {  	s23 =	simm.s32 $0x1B8B  }
0xa2: {  	_ =	swait.ge [sflag:s23], $0x1  }
0xa3: {  	[sflag:s23] =	ssyncset.done $0x0  }
0xa4: {  	s25 =	simm.s32 $0x1B8E;
	s24 =	sld [smem:$0x3FFE];
	[sflag:s23] =	ssyncadd.s32 $0xFFFFFFFF  }
0xa5: {  	s26 =	simm.s32 $execute0_lowered;
	[smem:$0x3FD2] =	sst s25  }
0xa6: {  	s4 =	sshll.u32 s26, $0x1;
	_ =	strace $0x80000049;
	[dreg:$0x1] =	wrdreg $0xFFFFFFFF  }
0xa7: {  	s28 =	simm.s32 $_size_execute0_lowered;
	s2 =	sadd.s32 s2, s4;
	[dreg:$0x0] =	wrdreg $0x0  }
0xa8: {  	s4 =	sshll.u32 s28, $0x1;
	[dreg:$0x2] =	wrdreg s2  }
0xa9: {  	[dreg:$0x3] =	wrdreg s4  }
0xaa: {  	[dreg:$0x4] =	wrdreg $0xC0  }
0xab: {  	_ =	task [dreg:s6], $0x5FFFF  }
0xac: {  	[dreg:$0x1] =	wrdreg $0xFFFFFFFF  }
0xad: {  	[dreg:$0x0] =	wrdreg $0x60  }
0xae: {  	[dreg:$0x2] =	wrdreg s24  }
0xaf: {  	[dreg:$0x3] =	wrdreg $0xBF800  }
0xb0: {  	[dreg:$0x4] =	wrdreg $0x9  }
0xb1: {  	_ =	task.clear_ibuf [dreg:s6], $0x5FFFF;
	_ =	strace $0x90000049  }
0xb2: {  	s29 =	simm.s32 $0x9;
	_ =	strace $0x8000004B  }
0xb3: {  	_ =	swait.ge [sflag:s29], $0x1  }
0xb4: {  	[sflag:s29] =	ssyncadd.s32 $0xFFFFFFFF  }
0xb5: {  	_ =	strace $0x9000004B  }
0xb6: {  	_ =	sfence  }
0xb7: {  	s30 =	sld [smem:$0x0];
	_ =	sdelay $0x2  }
0xb8: {  	s31 =	sshll.u32 s1, $0xD;
	s1 =	sshrl.u32 s1, $0x2  }
0xb9: {  	s3 =	sand.u32 $0x4000, s31;
	s1 =	sadd.s32 s1, s30  }
0xba: {  	s0 =	sor.u32 s3, s0;
	s1 =	sshll.u32 s1, $0x11  }
0xbb: {  	s0 =	sor.u32 s1, s0  }
0xbc: {  	s0 =	sadd.s32 $0x8F2B, s0  }
0xbd: {  	[sflag:s0] =	ssyncadd.remote.s32 $0x1  }
0xbe: {  	_ =	sfence.sel $0xFFFF  }
0xbf: {  	[dreg:$0x0] =	wrdreg $0xFFFFFFFF;
	(pc) =	sbr.abs _section_cstart, $3  }
0xc0: {  	[dreg:$0x1] =	wrdreg $0xFFFFFFFF  }
0xc1: {  	_ =	task.clear_ibuf [dreg:s6], $0x2FFFF;
	_ =	strace $0x9FFFFFFF  }
0xc2: {  	(tm) =	ssettm $0x7FFFFFFF  }
0xc3: {  	_ =	shalt  }
tec
execute0_lowered:
.L_overlay_start_1:
0x0: {  	(tag) =	ssettag $0x1  }
0x1: {  	s0 =	srdreg.scid;
	s6 =	rddreg [dreg:$0x0]  }
0x2: {  	s23 =	stileid.u32;
	s2 =	rddreg [dreg:$0x1];
	s21 =	simm.s32 $0x5F80  }
0x3: {  	s22 =	simm.s32 $0x3;
	s26 =	simm.s32 $0x60;
	s28 =	simm.s32 $0x8F80  }
0x4: {  	s29 =	simm.s32 $0x1;
	s30 =	simm.s32 $0x2;
	s0 =	sand.u32 $0x1, s0  }
0x5: {  	s1 =	sshll.u32 s23, $0x1;
	s3 =	sshrl.u32 s23, $0x2;
	s7 =	smul.u32 $0x50000, s23  }
0x6: {  	s18 =	sadd.s32 $0x72C00, s6;
	s17 =	smul.u32 $0x14000, s23;
	p0 =	seq.s32 s23, $0xF  }
0x7: {  	s1 =	sor.u32 s0, s1;
	s4 =	smul.u32 $0x13C00, s3;
	s3 =	simm.s32 $0x0  }
0x8: {  	s8 =	ssub.s32 $0x2, s0;
	s0 =	smul.u32 $0x138800, s0;
	s5 =	sshll.u32 s1, $0x7  }
0x9: {  	[smem:$0x7FF] =	sst s3;
	s1 =	smul.u32 $0x700, s1;
	s7 =	sshrl.u32 s7, $0x2  }
0xa: {  	s9 =	sshrl.u32 s8, $0x1;
	s5 =	sand.u32 $0x380, s5;
	_ =	strace $0x8000004A  }
0xb: {  	s20 =	ssub.s32 s8, s9;
	s19 =	sadd.s32 s17, s0;
	s0 =	sshrl.u32 s0, $0x3  }
0xc: {  	s4 =	sor.u32 s4, s5;
	s1 =	sadd.s32 s1, s6;
	s31 =	sshrl.u32 s19, $0x3  }
0xd: {  	s0 =	sadd.s32 s18, s0;
	s20 =	smax.u32 s20, $0x1;
	s5 =	sshrl.u32 s4, $0x3  }
0xe: {  	s4 =	sadd.s32 $0xC400, s6;
	s17 =	sadd.s32 $0x5AE00, s1;
	s18 =	sadd.s32 s18, s31  }
0xf: {  	s16 =	sadd.s32 s5, s6;
	s5 =	sadd.s32 $0xC000, s6;
	s6 =	sadd.s32 s7, s2  }
0x10: {  	s19 =	sadd.s32 $0x25800, s0;
	s1 =	simm.s32 $0x0;
	s7 =	sadd.s32 $0x2000, s6  }
0x11: {  	s8 =	sadd.s32 $0x4000, s6;
	s9 =	sadd.s32 $0x6000, s6;
	s10 =	sadd.s32 $0x8000, s6  }
0x12: {  	s11 =	sadd.s32 $0xA000, s6;
	s12 =	sadd.s32 $0xC000, s6;
	s13 =	sadd.s32 $0xE000, s6  }
0x13: {  	s14 =	sadd.s32 $0x10000, s6;
	s15 =	sadd.s32 $0x12000, s6;
	s16 =	sadd.s32 $0x68E00, s16  }
.LBB2_1:
0x14: {  	[tilespmem:s21], [sflag:$0x3] =	stream.linear.gather [hbm4b:s5+s3], $0x2000, $0x38;
	[tilespmem:$0x1FF80] =	vst v63  }
0x15: {  	_ =	swait.ge [sflag:s22], $0x2000  }
0x16: {  	[sflag:s22] =	ssyncset.done $0x0  }
0x17: {  	[sflag:s22] =	ssyncadd.s32 $0xFFFFE000  }
0x18: {  	[spmem:s6] =	stream.linear.scatter [tilespmem:s21], [sflag:$0x3], $0x2000, $0x38;
	[tilespmem:$0x1FF80] =	vst v63  }
0x19: {  	_ =	swait.ge [sflag:s22], $0x2000  }
0x1a: {  	[sflag:s22] =	ssyncset.done $0x0  }
0x1b: {  	[sflag:s22] =	ssyncadd.s32 $0xFFFFE000  }
0x1c: {  	[spmem:s7] =	stream.linear.scatter [tilespmem:s21], [sflag:$0x3], $0x2000, $0x38;
	[tilespmem:$0x1FF80] =	vst v63  }
0x1d: {  	_ =	swait.ge [sflag:s22], $0x2000  }
0x1e: {  	[sflag:s22] =	ssyncset.done $0x0  }
0x1f: {  	[sflag:s22] =	ssyncadd.s32 $0xFFFFE000  }
0x20: {  	[spmem:s8] =	stream.linear.scatter [tilespmem:s21], [sflag:$0x3], $0x2000, $0x38;
	[tilespmem:$0x1FF80] =	vst v63  }
0x21: {  	_ =	swait.ge [sflag:s22], $0x2000  }
0x22: {  	[sflag:s22] =	ssyncset.done $0x0  }
0x23: {  	[sflag:s22] =	ssyncadd.s32 $0xFFFFE000  }
0x24: {  	[spmem:s9] =	stream.linear.scatter [tilespmem:s21], [sflag:$0x3], $0x2000, $0x38;
	[tilespmem:$0x1FF80] =	vst v63  }
0x25: {  	_ =	swait.ge [sflag:s22], $0x2000  }
0x26: {  	[sflag:s22] =	ssyncset.done $0x0  }
0x27: {  	[sflag:s22] =	ssyncadd.s32 $0xFFFFE000  }
0x28: {  	[spmem:s10] =	stream.linear.scatter [tilespmem:s21], [sflag:$0x3], $0x2000, $0x38;
	[tilespmem:$0x1FF80] =	vst v63  }
0x29: {  	_ =	swait.ge [sflag:s22], $0x2000  }
0x2a: {  	[sflag:s22] =	ssyncset.done $0x0  }
0x2b: {  	[sflag:s22] =	ssyncadd.s32 $0xFFFFE000  }
0x2c: {  	[spmem:s11] =	stream.linear.scatter [tilespmem:s21], [sflag:$0x3], $0x2000, $0x38;
	[tilespmem:$0x1FF80] =	vst v63  }
0x2d: {  	_ =	swait.ge [sflag:s22], $0x2000  }
0x2e: {  	[sflag:s22] =	ssyncset.done $0x0  }
0x2f: {  	[sflag:s22] =	ssyncadd.s32 $0xFFFFE000  }
0x30: {  	[spmem:s12] =	stream.linear.scatter [tilespmem:s21], [sflag:$0x3], $0x2000, $0x38;
	[tilespmem:$0x1FF80] =	vst v63  }
0x31: {  	_ =	swait.ge [sflag:s22], $0x2000  }
0x32: {  	[sflag:s22] =	ssyncset.done $0x0  }
0x33: {  	[sflag:s22] =	ssyncadd.s32 $0xFFFFE000  }
0x34: {  	[spmem:s13] =	stream.linear.scatter [tilespmem:s21], [sflag:$0x3], $0x2000, $0x38;
	[tilespmem:$0x1FF80] =	vst v63  }
0x35: {  	_ =	swait.ge [sflag:s22], $0x2000  }
0x36: {  	[sflag:s22] =	ssyncset.done $0x0  }
0x37: {  	[sflag:s22] =	ssyncadd.s32 $0xFFFFE000  }
0x38: {  	[spmem:s14] =	stream.linear.scatter [tilespmem:s21], [sflag:$0x3], $0x2000, $0x38;
	[tilespmem:$0x1FF80] =	vst v63  }
0x39: {  	_ =	swait.ge [sflag:s22], $0x2000  }
0x3a: {  	[sflag:s22] =	ssyncset.done $0x0  }
0x3b: {  	[sflag:s22] =	ssyncadd.s32 $0xFFFFE000  }
0x3c: {  	[spmem:s15] =	stream.linear.scatter [tilespmem:s21], [sflag:$0x3], $0x2000, $0x38;
	[tilespmem:$0x1FF80] =	vst v63  }
0x3d: {  	_ =	swait.ge [sflag:s22], $0x2000  }
0x3e: {  	[sflag:s22] =	ssyncset.done $0x0  }
0x3f: {  	s0 =	simm.s32 $0x80;
	s23 =	simm.s32 $0x400;
	[sflag:s22] =	ssyncadd.s32 $0xFFFFE000  }
0x40: {  	[tilespmem:s3], [sflag:$0x3] =	stream.strided.gather [hbm4b:s16+s0], $0x2780, s23, s0, $0x38;
	[tilespmem:$0x1FF80] =	vst v63  }
0x41: {  	_ =	swait.ge [sflag:s22], $0x2780  }
0x42: {  	[sflag:s22] =	ssyncset.done $0x0  }
0x43: {  	s31 =	simm.s32 $0x2780;
	[sflag:s22] =	ssyncadd.s32 $0xFFFFD880  }
0x44: {  	[tilespmem:s31], [sflag:$0x3] =	stream.linear.gather [hbm4b:s17+s3], $0x3480, $0x38;
	[tilespmem:$0x1FF80] =	vst v63  }
0x45: {  	_ =	swait.ge [sflag:s22], $0x3480  }
0x46: {  	[sflag:s22] =	ssyncset.done $0x0  }
0x47: {  	[sflag:s22] =	ssyncadd.s32 $0xFFFFCB80  }
0x48: {  	[bflag:$0x0] =	sbarrier.arrive $0xFFFF  }
0x49: {  	[tilespmem:s21], [sflag:$0x1] =	stream.indirect.gather [hbm4b:s4+s26], $0x80, s3, s26, $0xb8;
	[tilespmem:$0x1FF80] =	vst v63  }
0x4a: {  	s23 =	simm.s32 $0x60  }
0x4b: {  	[tilespmem:s28], [sflag:$0x2] =	stream.indirect.gather [hbm4b:s4+s26], $0x80, s23, s26, $0xb8;
	[tilespmem:$0x1FF80] =	vst v63  }
0x4c: {  	_ =	swait.ge [sflag:s29], $0x3000  }
0x4d: {  	[sflag:s29] =	ssyncset.done $0x0  }
0x4e: {  	s24 =	simm.s32 $0x2780;
	[sflag:s29] =	ssyncadd.s32 $0xFFFFD000  }
0x4f: {  	[spmem:s2] =	stream.indirect.scatter.add.f32 [tilespmem:s21], [sflag:$0x3], $0x80, s24, s26, $0xb8;
	[tilespmem:$0x1FF80] =	vst v63  }
0x50: {  	_ =	swait.ge [sflag:s22], $0x3000  }
0x51: {  	[sflag:s22] =	ssyncset.done $0x0  }
0x52: {  	s25 =	simm.s32 $0xC0;
	[sflag:s22] =	ssyncadd.s32 $0xFFFFD000  }
0x53: {  	[tilespmem:s21], [sflag:$0x1] =	stream.indirect.gather [hbm4b:s4+s26], $0x80, s25, s26, $0xb8;
	[tilespmem:$0x1FF80] =	vst v63  }
0x54: {  	_ =	swait.ge [sflag:s30], $0x3000  }
0x55: {  	[sflag:s30] =	ssyncset.done $0x0  }
0x56: {  	s31 =	simm.s32 $0x2800;
	[sflag:s30] =	ssyncadd.s32 $0xFFFFD000  }
0x57: {  	[spmem:s2] =	stream.indirect.scatter.add.f32 [tilespmem:s28], [sflag:$0x3], $0x80, s31, s26, $0xb8;
	[tilespmem:$0x1FF80] =	vst v63  }
0x58: {  	s0 =	simm.s32 $0x180;
	_ =	swait.ge [sflag:s22], $0x3000  }
0x59: {  	s23 =	simm.s32 $0x400;
	s24 =	simm.s32 $0x800;
	[sflag:s22] =	ssyncset.done $0x0  }
.LBB2_2:
0x5a: {  	p1 =	sne.s32 s24, $0xCC00;
	s25 =	sadd.s32 $0xFFFFFFA0, s0;
	[sflag:s22] =	ssyncadd.s32 $0xFFFFD000  }
0x5b: {  	[tilespmem:s28], [sflag:$0x2] =	stream.indirect.gather [hbm4b:s4+s26], $0x80, s25, s26, $0xb8;
	[tilespmem:$0x1FF80] =	vst v63  }
0x5c: {  	s25 =	smov.u32 s24;
	s24 =	sadd.s32 $0x400, s24;
	_ =	swait.ge [sflag:s29], $0x3000  }
0x5d: {  	s31 =	sshra.s32 s23, $0x2;
	s23 =	smov.u32 s25;
	[sflag:s29] =	ssyncset.done $0x0  }
0x5e: {  	s25 =	sadd.s32 $0x2780, s31;
	[sflag:s29] =	ssyncadd.s32 $0xFFFFD000  }
0x5f: {  	[spmem:s2] =	stream.indirect.scatter.add.f32 [tilespmem:s21], [sflag:$0x3], $0x80, s25, s26, $0xb8;
	[tilespmem:$0x1FF80] =	vst v63  }
0x60: {  	_ =	swait.ge [sflag:s22], $0x3000  }
0x61: {  	[sflag:s22] =	ssyncset.done $0x0  }
0x62: {  	[sflag:s22] =	ssyncadd.s32 $0xFFFFD000  }
0x63: {  	[tilespmem:s21], [sflag:$0x1] =	stream.indirect.gather [hbm4b:s4+s26], $0x80, s0, s26, $0xb8;
	[tilespmem:$0x1FF80] =	vst v63  }
0x64: {  	_ =	swait.ge [sflag:s30], $0x3000  }
.Ltmp0:
0x65: {  	[sflag:s30] =	ssyncset.done $0x0;
	(pc) =	sbr.rel @p1 .LBB2_2-.Ltmp0, $4  }
0x66: {  	s25 =	sadd.s32 $0x2800, s31;
	[sflag:s30] =	ssyncadd.s32 $0xFFFFD000  }
0x67: {  	[spmem:s2] =	stream.indirect.scatter.add.f32 [tilespmem:s28], [sflag:$0x3], $0x80, s25, s26, $0xb8;
	[tilespmem:$0x1FF80] =	vst v63  }
0x68: {  	_ =	swait.ge [sflag:s22], $0x3000  }
0x69: {  	s0 =	sadd.s32 $0xC0, s0;
	[sflag:s22] =	ssyncset.done $0x0  }
0x6a: {  	s24 =	sadd.s32 $0xFFFFFFA0, s0;
	[sflag:s22] =	ssyncadd.s32 $0xFFFFD000  }
0x6b: {  	[tilespmem:s28], [sflag:$0x2] =	stream.indirect.gather [hbm4b:s4+s26], $0x80, s24, s26, $0xb8;
	[tilespmem:$0x1FF80] =	vst v63  }
0x6c: {  	_ =	swait.ge [sflag:s29], $0x3000  }
0x6d: {  	s23 =	sshra.s32 s23, $0x2;
	[sflag:s29] =	ssyncset.done $0x0  }
0x6e: {  	s31 =	sadd.s32 $0x2780, s23;
	[sflag:s29] =	ssyncadd.s32 $0xFFFFD000  }
0x6f: {  	[spmem:s2] =	stream.indirect.scatter.add.f32 [tilespmem:s21], [sflag:$0x3], $0x80, s31, s26, $0xb8;
	[tilespmem:$0x1FF80] =	vst v63  }
0x70: {  	_ =	swait.ge [sflag:s22], $0x3000  }
0x71: {  	[sflag:s22] =	ssyncset.done $0x0  }
0x72: {  	[sflag:s22] =	ssyncadd.s32 $0xFFFFD000  }
0x73: {  	[tilespmem:s21], [sflag:$0x1] =	stream.indirect.gather [hbm4b:s4+s26], $0x80, s0, s26, $0xb8;
	[tilespmem:$0x1FF80] =	vst v63  }
0x74: {  	_ =	swait.ge [sflag:s30], $0x3000  }
0x75: {  	[sflag:s30] =	ssyncset.done $0x0  }
0x76: {  	s25 =	sadd.s32 $0x2800, s23;
	[sflag:s30] =	ssyncadd.s32 $0xFFFFD000  }
0x77: {  	[spmem:s2] =	stream.indirect.scatter.add.f32 [tilespmem:s28], [sflag:$0x3], $0x80, s25, s26, $0xb8;
	[tilespmem:$0x1FF80] =	vst v63  }
0x78: {  	_ =	swait.ge [sflag:s22], $0x3000  }
0x79: {  	[sflag:s22] =	ssyncset.done $0x0  }
0x7a: {  	[sflag:s22] =	ssyncadd.s32 $0xFFFFD000  }
0x7b: {  	_ =	swait.ge [sflag:s29], $0x3000  }
0x7c: {  	[sflag:s29] =	ssyncset.done $0x0  }
0x7d: {  	s31 =	simm.s32 $0x5B80;
	[sflag:s29] =	ssyncadd.s32 $0xFFFFD000  }
0x7e: {  	[spmem:s2] =	stream.indirect.scatter.add.f32 [tilespmem:s21], [sflag:$0x3], $0x80, s31, s26, $0xb8;
	[tilespmem:$0x1FF80] =	vst v63  }
0x7f: {  	_ =	swait.ge [sflag:s22], $0x3000  }
0x80: {  	[sflag:s22] =	ssyncset.done $0x0  }
0x81: {  	[sflag:s22] =	ssyncadd.s32 $0xFFFFD000  }
0x82: {  	s23 =	simm.s32 @p0 $0x1FC3;
	s0 =	sshrl.u32 @p0 s6, $0x3;
	[bflag:$0x0] =	sbarrier.arrive $0xFFFF  }
0x83: {  	[hbm:s19], [sflag:s23] =	dma.local @p0 [spmem:s0], $0x1900  }
0x84: {  	s0 =	simm.s32 @p0 $0x3  }
0x85: {  	s1 =	sadd.s32 $0x1, s1;
	s23 =	stileid.u32;
	_ =	swait.ge @p0 [sflag:s0], $0x1900  }
0x86: {  	p1 =	sne.s32 s1, s20;
	s23 =	sshll.u32 @!p0 s23, $0x6;
	[sflag:s0] =	ssyncset.done @p0 $0x0  }
0x87: {  	[sflag:s0] =	ssyncadd.s32 @p0 $0xFFFFE700;
	s0 =	sor.u32 @!p0 $0x1C03, s23;
	s23 =	sshrl.u32 @!p0 s6, $0x3  }
0x88: {  	[hbm:s18], [sflag:s0] =	dma.local @!p0 [spmem:s23], $0x2800  }
.Ltmp1:
0x89: {  	_ = 	snop;
	(pc) =	sbr.rel @p1 .LBB2_1-.Ltmp1, $4  }
0x8a: {  	s0 =	simm.s32 @!p0 $0x3  }
0x8b: {  	_ =	swait.ge @!p0 [sflag:s0], $0x2800  }
0x8c: {  	[sflag:s0] =	ssyncset.done @!p0 $0x0  }
0x8d: {  	[sflag:s0] =	ssyncadd.s32 @!p0 $0xFFFFD800  }
0x8e: {  	_ =	sfence.sel $0x180000  }
0x8f: {  	[bflag:$0x0] =	sbarrier.arrive $0xFFFF  }
0x90: {  	_ =	strace $0x9000004A  }
0x91: {  	s0 =	stileid.u32;
	[bflag:$0x2] =	sbarrier.arrive $0xFFFF  }
0x92: {  	p0 =	sne.s32 s0, $0x0;
	s0 =	rddreg [dreg:$0x2]  }
0x93: {  	s0 =	sadd.s32 @!p0 $0x100000, s0  }
0x94: {  	[sflag:s0] =	ssyncadd.tile.s32 @!p0 $0x1;
	_ =	shalt  }
.Lfunc_end2:
_tile_overlayer_lowered:
.L_overlay_start_2:
0x95: {  	(tag) =	ssettag $0x2  }
0x96: {  	s0 =	rddreg [dreg:$0x0];
	s2 =	stileid.u32  }
0x97: {  	s1 =	rddreg [dreg:$0x1];
	p0 =	sne.s32 s2, $0x0  }
0x98: {  	s3 =	rddreg [dreg:$0x2];
	[bflag:$0x3] =	sbarrier.arrive $0xFFFF;
	s2 =	simm.s32 @!p0 $0x1C03  }
0x99: {  	[timem:s3], [sflag:s2] =	dma.local @!p0 [hbm:s0], s1  }
0x9a: {  	s0 =	simm.s32 @!p0 $0x3  }
0x9b: {  	_ =	swait.ge @!p0 [sflag:s0], s1  }
0x9c: {  	s1 =	ssub.s32 @!p0 $0x0, s1;
	[sflag:s0] =	ssyncset.done @!p0 $0x0  }
0x9d: {  	[sflag:s0] =	ssyncadd.s32 @!p0 s1  }
0x9e: {  	[bflag:$0x3] =	sbarrier.arrive $0xFFFF  }
0x9f: {  	_ =	shalt  }

// kernel: kernel.14.cloned.1.call-start
scs
__scs_entry_jumppad:
0x0: {  	(pc) =	sbr.rel $0x88, $3  }
0x1: {  	(tag) =	ssettag $0x0;
	lr =	simm.s32 $0x1  }
0x2: {  	[smem:$0x3F99] =	sst lr;
	_ =	strace $0xD0000000  }
0x3: {  	_ = 	snop  }
0x4: {  	_ = 	snop  }
0x5: {  	_ = 	snop  }
0x6: {  	_ = 	snop  }
0x7: {  	_ = 	snop  }
__scs_overlays_trampoline_lowered:
0x8: {  	[smem:$0x3FA8] =	sst s0  }
0x9: {  	[smem:$0x3FA9] =	sst s1  }
0xa: {  	[smem:$0x3FAA] =	sst s2  }
0xb: {  	[smem:$0x3FAB] =	sst s3  }
0xc: {  	[smem:$0x3FAC] =	sst s4  }
0xd: {  	[smem:$0x3FAD] =	sst s5  }
0xe: {  	[smem:$0x3FAE] =	sst s6  }
0xf: {  	[smem:$0x3FAF] =	sst s7  }
0x10: {  	[smem:$0x3FB0] =	sst s8  }
0x11: {  	[smem:$0x3FB1] =	sst s9;
	s0 =	simm.s32 @!p0 $0x0  }
0x12: {  	s1 =	sld [smem:$0x3F97];
	s0 =	simm.s32 @p0 $0x1  }
0x13: {  	[smem:$0x3FB2] =	sst s0;
	s0 =	simm.s32 @!p1 $0x0  }
0x14: {  	s2 =	sld [smem:$0x3F96];
	s0 =	simm.s32 @p1 $0x1  }
0x15: {  	[smem:$0x3FB3] =	sst s0;
	s0 =	simm.s32 @!p2 $0x0  }
0x16: {  	s3 =	sld [smem:$0x3FDB];
	s0 =	simm.s32 @p2 $0x1  }
0x17: {  	s4 =	simm.s32 $0x1BF5;
	[smem:$0x3FB5] =	sst s0  }
0x18: {  	s0 =	sld [smem:$0x3F98];
	_ =	swait.ge [sflag:s4], $0x0  }
0x19: {  	s7 =	sld [smem:$0x3F99]  }
0x1a: {  	s8 =	sadd.s32 $0xFFFFE003, lr  }
0x1b: {  	s9 =	sadd.s32 $0xFFFFFEF7, lr;
	s5 =	simm.s32 $0xFFFFFFFF;
	p2 =	slt.u32 s8, $0xFFFFF086  }
0x1c: {  	p1 =	slt.u32 s9, $0xF7A;
	s5 =	simm.s32 @!p2 $0x0  }
0x1d: {  	s5 =	simm.s32 @p1 $0x1;
	p0 =	seq.s32 s7, s2  }
0x1e: {  	s7 =	smul.u32 @!p0 $0xF7A, s2;
	p2 =	seq.s32 @!p0 s5, $0x0  }
0x1f: {  	s9 =	smul.u32 $0xF7A, s1;
	s8 =	simm.s32 @!p0 $0x1BF5;
	p2 =	por !p2, p0  }
0x20: {  	[sflag:s8] =	ssyncset.s32 @!p0 $0xFFFFF086;
	s6 =	sadd.s32 @!p0 s3, s7;
	s7 =	simm.s32 @!p0 $0x108  }
0x21: {  	s3 =	sadd.s32 s3, s9;
	s6 =	sadd.s32 @!p0 $0x88, s6;
	s7 =	simm.s32 @p2 $0x1082  }
0x22: {  	[simem:s7], [sflag:s8] =	dma.local @!p0 [hbm:s6], $0xF7A  }
0x23: {  	s9 =	sor.u32 $0xD0000000, s2;
	s6 =	simm.s32 $0x108;
	_ =	swait.ge @!p0 [sflag:s8], $0x0  }
0x24: {  	s3 =	sadd.s32 $0x88, s3;
	s6 =	simm.s32 @!p1 $0x1082;
	[sflag:s4] =	ssyncset.s32 $0xFFFFF086  }
0x25: {  	[simem:s6], [sflag:s4] =	dma.local [hbm:s3], $0xF7A  }
0x26: {  	[smem:$0x3F99] =	sst s1;
	(tag) =	ssettag s2;
	_ =	strace s9  }
0x27: {  	s1 =	sld [smem:$0x3FA9]  }
0x28: {  	s2 =	sld [smem:$0x3FAA]  }
0x29: {  	s4 =	sld [smem:$0x3FAC]  }
0x2a: {  	p0 =	seq.s32 s5, $0x0;
	s5 =	sld [smem:$0x3FAD]  }
0x2b: {  	s6 =	sld [smem:$0x3FAE]  }
0x2c: {  	s7 =	sld [smem:$0x3FAF]  }
0x2d: {  	s3 =	simm.s32 $0x108;
	s8 =	sld [smem:$0x3FB0]  }
0x2e: {  	s3 =	simm.s32 @!p0 $0x1082;
	s9 =	sld [smem:$0x3FB1]  }
0x2f: {  	lr =	sadd.s32 s0, s3;
	s0 =	sld [smem:$0x3FA8]  }
0x30: {  	s3 =	sld [smem:$0x3FAB]  }
0x31: {  	[smem:$0x3FB4] =	sst s10  }
0x32: {  	s10 =	sld [smem:$0x3FB2];
	_ =	sdelay $0x3  }
0x33: {  	p0 =	seq.s32 s10, $0x1;
	s10 =	sld [smem:$0x3FB4];
	_ =	sdelay $0x3  }
0x34: {  	[smem:$0x3FB4] =	sst s10  }
0x35: {  	s10 =	sld [smem:$0x3FB3];
	_ =	sdelay $0x3  }
0x36: {  	p1 =	seq.s32 s10, $0x1;
	s10 =	sld [smem:$0x3FB4];
	_ =	sdelay $0x3  }
0x37: {  	[smem:$0x3FB4] =	sst s10  }
0x38: {  	s10 =	sld [smem:$0x3FB5]  }
0x39: {  	_ = 	snop;
	(pc) =	sbr.ind lr, $3  }
0x3a: {  	_ = 	snop  }
0x3b: {  	_ = 	snop  }
0x3c: {  	p2 =	seq.s32 s10, $0x1;
	s10 =	sld [smem:$0x3FB4]  }
0x3d: {  	_ =	shalt  }
0x3e: {  	_ =	shalt  }
0x3f: {  	_ =	shalt  }
0x40: {  	_ =	shalt  }
0x41: {  	_ =	shalt  }
0x42: {  	_ =	shalt  }
0x43: {  	_ =	shalt  }
0x44: {  	_ =	shalt  }
0x45: {  	_ =	shalt  }
0x46: {  	_ =	shalt  }
0x47: {  	_ =	shalt  }
0x48: {  	_ =	shalt  }
0x49: {  	_ =	shalt  }
0x4a: {  	_ =	shalt  }
0x4b: {  	_ =	shalt  }
0x4c: {  	_ =	shalt  }
0x4d: {  	_ =	shalt  }
0x4e: {  	_ =	shalt  }
0x4f: {  	_ =	shalt  }
0x50: {  	_ =	shalt  }
0x51: {  	_ =	shalt  }
0x52: {  	_ =	shalt  }
0x53: {  	_ =	shalt  }
0x54: {  	_ =	shalt  }
0x55: {  	_ =	shalt  }
0x56: {  	_ =	shalt  }
0x57: {  	_ =	shalt  }
0x58: {  	_ =	shalt  }
0x59: {  	_ =	shalt  }
0x5a: {  	_ =	shalt  }
0x5b: {  	_ =	shalt  }
0x5c: {  	_ =	shalt  }
0x5d: {  	_ =	shalt  }
0x5e: {  	_ =	shalt  }
0x5f: {  	_ =	shalt  }
0x60: {  	_ =	shalt  }
0x61: {  	_ =	shalt  }
0x62: {  	_ =	shalt  }
0x63: {  	_ =	shalt  }
0x64: {  	_ =	shalt  }
0x65: {  	_ =	shalt  }
0x66: {  	_ =	shalt  }
0x67: {  	_ =	shalt  }
0x68: {  	_ =	shalt  }
0x69: {  	_ =	shalt  }
0x6a: {  	_ =	shalt  }
0x6b: {  	_ =	shalt  }
0x6c: {  	_ =	shalt  }
0x6d: {  	_ =	shalt  }
0x6e: {  	_ =	shalt  }
0x6f: {  	_ =	shalt  }
0x70: {  	_ =	shalt  }
0x71: {  	_ =	shalt  }
0x72: {  	_ =	shalt  }
0x73: {  	_ =	shalt  }
0x74: {  	_ =	shalt  }
0x75: {  	_ =	shalt  }
0x76: {  	_ =	shalt  }
0x77: {  	_ =	shalt  }
0x78: {  	_ =	shalt  }
0x79: {  	_ =	shalt  }
0x7a: {  	_ =	shalt  }
0x7b: {  	_ =	shalt  }
0x7c: {  	_ =	shalt  }
0x7d: {  	_ =	shalt  }
0x7e: {  	_ =	shalt  }
0x7f: {  	_ =	shalt  }
0x80: {  	_ =	shalt  }
0x81: {  	_ =	shalt  }
0x82: {  	_ =	shalt  }
0x83: {  	_ =	shalt  }
0x84: {  	_ =	shalt  }
0x85: {  	_ =	shalt  }
0x86: {  	_ =	shalt  }
0x87: {  	_ =	shalt  }
.Lfunc_end0:
.L_simem_size_0:
called_computation.2_lowered:
.L_overlay_start_0:
0x88: {  	s2 =	sld [smem:$0x3FD9]  }
0x89: {  	s3 =	sld [smem:$0x3FFE];
	_ =	sdelay $0x1  }
0x8a: {  	s1 =	srdreg.scid  }
0x8b: {  	s0 =	sand.u32 $0x1, s1  }
0x8c: {  	s16 =	sshll.u32 s0, $0xA;
	s2 =	sadd.s32 s3, s2  }
0x8d: {  	s2 =	sadd.s32 s2, s16  }
0x8e: {  	[smem:$0x3FC0] =	sst s2  }
0x8f: {  	_ = 	snop  }
0x90: {  	(tm) =	ssettm $0x1  }
0x91: {  	s17 =	sld [smem:$0x3FFB];
	_ =	sdelay $0x3  }
0x92: {  	_ =	strace s17  }
0x93: {  	s2 =	sld [smem:$0x3FFC];
	_ =	sdelay $0x3  }
0x94: {  	_ =	strace s2  }
0x95: {  	s2 =	sld [smem:$0x3FFD];
	_ =	sdelay $0x3  }
0x96: {  	_ =	strace s2  }
0x97: {  	_ =	strace $0x8FFFFFFF  }
0x98: {  	s18 =	sld [smem:$0x3FDB];
	_ =	sdelay $0x1  }
0x99: {  	s19 =	simm.s32 $_scs_section_size  }
0x9a: {  	s4 =	simm.s32 $_size__tile_overlayer_lowered;
	s5 =	simm.s32 $_tile_overlayer_lowered  }
0x9b: {  	s22 =	simm.s32 $0x1BFF;
	s21 =	sshll.u32 s5, $0x1;
	s2 =	sadd.s32 s19, s18  }
0x9c: {  	s6 =	simm.s32 $0x0;
	s20 =	sshll.u32 s4, $0x1;
	s4 =	sadd.s32 s21, s2  }
0x9d: {  	[timem:s6], [sflag:s22] =	dma.local [hbm:s4], s20  }
0x9e: {  	_ =	swait.ge [sflag:s22], s20  }
0x9f: {  	s3 =	ssub.s32 $0x0, s20;
	[sflag:s22] =	ssyncset.done $0x0  }
0xa0: {  	[sflag:s22] =	ssyncadd.s32 s3;
	_ =	sdelay $0x1  }
0xa1: {  	s23 =	simm.s32 $0x1B8B  }
0xa2: {  	_ =	swait.ge [sflag:s23], $0x1  }
0xa3: {  	[sflag:s23] =	ssyncset.done $0x0  }
0xa4: {  	s25 =	simm.s32 $0x1B8E;
	s24 =	sld [smem:$0x3FFE];
	[sflag:s23] =	ssyncadd.s32 $0xFFFFFFFF  }
0xa5: {  	s26 =	simm.s32 $execute0_lowered;
	[smem:$0x3FD2] =	sst s25  }
0xa6: {  	s4 =	sshll.u32 s26, $0x1;
	_ =	strace $0x8000004C;
	[dreg:$0x1] =	wrdreg $0xFFFFFFFF  }
0xa7: {  	s28 =	simm.s32 $_size_execute0_lowered;
	s2 =	sadd.s32 s2, s4;
	[dreg:$0x0] =	wrdreg $0x0  }
0xa8: {  	s4 =	sshll.u32 s28, $0x1;
	[dreg:$0x2] =	wrdreg s2  }
0xa9: {  	[dreg:$0x3] =	wrdreg s4  }
0xaa: {  	[dreg:$0x4] =	wrdreg $0xC0  }
0xab: {  	_ =	task [dreg:s6], $0x5FFFF  }
0xac: {  	[dreg:$0x1] =	wrdreg $0xFFFFFFFF  }
0xad: {  	[dreg:$0x0] =	wrdreg $0x60  }
0xae: {  	[dreg:$0x2] =	wrdreg s24  }
0xaf: {  	[dreg:$0x3] =	wrdreg $0xBF800  }
0xb0: {  	[dreg:$0x4] =	wrdreg $0x9  }
0xb1: {  	_ =	task.clear_ibuf [dreg:s6], $0x5FFFF;
	_ =	strace $0x9000004C  }
0xb2: {  	s29 =	simm.s32 $0x9;
	_ =	strace $0x8000004E  }
0xb3: {  	_ =	swait.ge [sflag:s29], $0x1  }
0xb4: {  	[sflag:s29] =	ssyncadd.s32 $0xFFFFFFFF  }
0xb5: {  	_ =	strace $0x9000004E  }
0xb6: {  	_ =	sfence  }
0xb7: {  	s30 =	sld [smem:$0x0];
	_ =	sdelay $0x2  }
0xb8: {  	s31 =	sshll.u32 s1, $0xD;
	s1 =	sshrl.u32 s1, $0x2  }
0xb9: {  	s3 =	sand.u32 $0x4000, s31;
	s1 =	sadd.s32 s1, s30  }
0xba: {  	s0 =	sor.u32 s3, s0;
	s1 =	sshll.u32 s1, $0x11  }
0xbb: {  	s0 =	sor.u32 s1, s0  }
0xbc: {  	s0 =	sadd.s32 $0x8F2B, s0  }
0xbd: {  	[sflag:s0] =	ssyncadd.remote.s32 $0x1  }
0xbe: {  	_ =	sfence.sel $0xFFFF  }
0xbf: {  	[dreg:$0x0] =	wrdreg $0xFFFFFFFF;
	(pc) =	sbr.abs _section_cstart, $3  }
0xc0: {  	[dreg:$0x1] =	wrdreg $0xFFFFFFFF  }
0xc1: {  	_ =	task.clear_ibuf [dreg:s6], $0x2FFFF;
	_ =	strace $0x9FFFFFFF  }
0xc2: {  	(tm) =	ssettm $0x7FFFFFFF  }
0xc3: {  	_ =	shalt  }
tec
execute0_lowered:
.L_overlay_start_1:
0x0: {  	(tag) =	ssettag $0x1  }
0x1: {  	s0 =	srdreg.scid;
	s6 =	rddreg [dreg:$0x0]  }
0x2: {  	s23 =	stileid.u32;
	s2 =	rddreg [dreg:$0x1];
	s21 =	simm.s32 $0x5F80  }
0x3: {  	s22 =	simm.s32 $0x3;
	s26 =	simm.s32 $0x60;
	s28 =	simm.s32 $0x8F80  }
0x4: {  	s29 =	simm.s32 $0x1;
	s30 =	simm.s32 $0x2;
	s0 =	sand.u32 $0x1, s0  }
0x5: {  	s1 =	sshll.u32 s23, $0x1;
	s3 =	sshrl.u32 s23, $0x2;
	s7 =	smul.u32 $0x50000, s23  }
0x6: {  	s18 =	sadd.s32 $0x72C00, s6;
	s17 =	smul.u32 $0x14000, s23;
	p0 =	seq.s32 s23, $0xF  }
0x7: {  	s1 =	sor.u32 s0, s1;
	s4 =	smul.u32 $0x13C00, s3;
	s3 =	simm.s32 $0x0  }
0x8: {  	s8 =	ssub.s32 $0x2, s0;
	s0 =	smul.u32 $0x138800, s0;
	s5 =	sshll.u32 s1, $0x7  }
0x9: {  	[smem:$0x7FF] =	sst s3;
	s1 =	smul.u32 $0x700, s1;
	s7 =	sshrl.u32 s7, $0x2  }
0xa: {  	s9 =	sshrl.u32 s8, $0x1;
	s5 =	sand.u32 $0x380, s5;
	_ =	strace $0x8000004D  }
0xb: {  	s20 =	ssub.s32 s8, s9;
	s19 =	sadd.s32 s17, s0;
	s0 =	sshrl.u32 s0, $0x3  }
0xc: {  	s4 =	sor.u32 s4, s5;
	s1 =	sadd.s32 s1, s6;
	s31 =	sshrl.u32 s19, $0x3  }
0xd: {  	s0 =	sadd.s32 s18, s0;
	s20 =	smax.u32 s20, $0x1;
	s5 =	sshrl.u32 s4, $0x3  }
0xe: {  	s4 =	sadd.s32 $0xC400, s6;
	s17 =	sadd.s32 $0x5AE00, s1;
	s18 =	sadd.s32 s18, s31  }
0xf: {  	s16 =	sadd.s32 s5, s6;
	s5 =	sadd.s32 $0xC000, s6;
	s6 =	sadd.s32 s7, s2  }
0x10: {  	s19 =	sadd.s32 $0x25800, s0;
	s1 =	simm.s32 $0x0;
	s7 =	sadd.s32 $0x2000, s6  }
0x11: {  	s8 =	sadd.s32 $0x4000, s6;
	s9 =	sadd.s32 $0x6000, s6;
	s10 =	sadd.s32 $0x8000, s6  }
0x12: {  	s11 =	sadd.s32 $0xA000, s6;
	s12 =	sadd.s32 $0xC000, s6;
	s13 =	sadd.s32 $0xE000, s6  }
0x13: {  	s14 =	sadd.s32 $0x10000, s6;
	s15 =	sadd.s32 $0x12000, s6;
	s16 =	sadd.s32 $0x68E00, s16  }
.LBB2_1:
0x14: {  	[tilespmem:s21], [sflag:$0x3] =	stream.linear.gather [hbm4b:s5+s3], $0x2000, $0x38;
	[tilespmem:$0x1FF80] =	vst v63  }
0x15: {  	_ =	swait.ge [sflag:s22], $0x2000  }
0x16: {  	[sflag:s22] =	ssyncset.done $0x0  }
0x17: {  	[sflag:s22] =	ssyncadd.s32 $0xFFFFE000  }
0x18: {  	[spmem:s6] =	stream.linear.scatter [tilespmem:s21], [sflag:$0x3], $0x2000, $0x38;
	[tilespmem:$0x1FF80] =	vst v63  }
0x19: {  	_ =	swait.ge [sflag:s22], $0x2000  }
0x1a: {  	[sflag:s22] =	ssyncset.done $0x0  }
0x1b: {  	[sflag:s22] =	ssyncadd.s32 $0xFFFFE000  }
0x1c: {  	[spmem:s7] =	stream.linear.scatter [tilespmem:s21], [sflag:$0x3], $0x2000, $0x38;
	[tilespmem:$0x1FF80] =	vst v63  }
0x1d: {  	_ =	swait.ge [sflag:s22], $0x2000  }
0x1e: {  	[sflag:s22] =	ssyncset.done $0x0  }
0x1f: {  	[sflag:s22] =	ssyncadd.s32 $0xFFFFE000  }
0x20: {  	[spmem:s8] =	stream.linear.scatter [tilespmem:s21], [sflag:$0x3], $0x2000, $0x38;
	[tilespmem:$0x1FF80] =	vst v63  }
0x21: {  	_ =	swait.ge [sflag:s22], $0x2000  }
0x22: {  	[sflag:s22] =	ssyncset.done $0x0  }
0x23: {  	[sflag:s22] =	ssyncadd.s32 $0xFFFFE000  }
0x24: {  	[spmem:s9] =	stream.linear.scatter [tilespmem:s21], [sflag:$0x3], $0x2000, $0x38;
	[tilespmem:$0x1FF80] =	vst v63  }
0x25: {  	_ =	swait.ge [sflag:s22], $0x2000  }
0x26: {  	[sflag:s22] =	ssyncset.done $0x0  }
0x27: {  	[sflag:s22] =	ssyncadd.s32 $0xFFFFE000  }
0x28: {  	[spmem:s10] =	stream.linear.scatter [tilespmem:s21], [sflag:$0x3], $0x2000, $0x38;
	[tilespmem:$0x1FF80] =	vst v63  }
0x29: {  	_ =	swait.ge [sflag:s22], $0x2000  }
0x2a: {  	[sflag:s22] =	ssyncset.done $0x0  }
0x2b: {  	[sflag:s22] =	ssyncadd.s32 $0xFFFFE000  }
0x2c: {  	[spmem:s11] =	stream.linear.scatter [tilespmem:s21], [sflag:$0x3], $0x2000, $0x38;
	[tilespmem:$0x1FF80] =	vst v63  }
0x2d: {  	_ =	swait.ge [sflag:s22], $0x2000  }
0x2e: {  	[sflag:s22] =	ssyncset.done $0x0  }
0x2f: {  	[sflag:s22] =	ssyncadd.s32 $0xFFFFE000  }
0x30: {  	[spmem:s12] =	stream.linear.scatter [tilespmem:s21], [sflag:$0x3], $0x2000, $0x38;
	[tilespmem:$0x1FF80] =	vst v63  }
0x31: {  	_ =	swait.ge [sflag:s22], $0x2000  }
0x32: {  	[sflag:s22] =	ssyncset.done $0x0  }
0x33: {  	[sflag:s22] =	ssyncadd.s32 $0xFFFFE000  }
0x34: {  	[spmem:s13] =	stream.linear.scatter [tilespmem:s21], [sflag:$0x3], $0x2000, $0x38;
	[tilespmem:$0x1FF80] =	vst v63  }
0x35: {  	_ =	swait.ge [sflag:s22], $0x2000  }
0x36: {  	[sflag:s22] =	ssyncset.done $0x0  }
0x37: {  	[sflag:s22] =	ssyncadd.s32 $0xFFFFE000  }
0x38: {  	[spmem:s14] =	stream.linear.scatter [tilespmem:s21], [sflag:$0x3], $0x2000, $0x38;
	[tilespmem:$0x1FF80] =	vst v63  }
0x39: {  	_ =	swait.ge [sflag:s22], $0x2000  }
0x3a: {  	[sflag:s22] =	ssyncset.done $0x0  }
0x3b: {  	[sflag:s22] =	ssyncadd.s32 $0xFFFFE000  }
0x3c: {  	[spmem:s15] =	stream.linear.scatter [tilespmem:s21], [sflag:$0x3], $0x2000, $0x38;
	[tilespmem:$0x1FF80] =	vst v63  }
0x3d: {  	_ =	swait.ge [sflag:s22], $0x2000  }
0x3e: {  	[sflag:s22] =	ssyncset.done $0x0  }
0x3f: {  	s0 =	simm.s32 $0x80;
	s23 =	simm.s32 $0x400;
	[sflag:s22] =	ssyncadd.s32 $0xFFFFE000  }
0x40: {  	[tilespmem:s3], [sflag:$0x3] =	stream.strided.gather [hbm4b:s16+s0], $0x2780, s23, s0, $0x38;
	[tilespmem:$0x1FF80] =	vst v63  }
0x41: {  	_ =	swait.ge [sflag:s22], $0x2780  }
0x42: {  	[sflag:s22] =	ssyncset.done $0x0  }
0x43: {  	s31 =	simm.s32 $0x2780;
	[sflag:s22] =	ssyncadd.s32 $0xFFFFD880  }
0x44: {  	[tilespmem:s31], [sflag:$0x3] =	stream.linear.gather [hbm4b:s17+s3], $0x3480, $0x38;
	[tilespmem:$0x1FF80] =	vst v63  }
0x45: {  	_ =	swait.ge [sflag:s22], $0x3480  }
0x46: {  	[sflag:s22] =	ssyncset.done $0x0  }
0x47: {  	[sflag:s22] =	ssyncadd.s32 $0xFFFFCB80  }
0x48: {  	[bflag:$0x0] =	sbarrier.arrive $0xFFFF  }
0x49: {  	[tilespmem:s21], [sflag:$0x1] =	stream.indirect.gather [hbm4b:s4+s26], $0x80, s3, s26, $0xb8;
	[tilespmem:$0x1FF80] =	vst v63  }
0x4a: {  	s23 =	simm.s32 $0x60  }
0x4b: {  	[tilespmem:s28], [sflag:$0x2] =	stream.indirect.gather [hbm4b:s4+s26], $0x80, s23, s26, $0xb8;
	[tilespmem:$0x1FF80] =	vst v63  }
0x4c: {  	_ =	swait.ge [sflag:s29], $0x3000  }
0x4d: {  	[sflag:s29] =	ssyncset.done $0x0  }
0x4e: {  	s24 =	simm.s32 $0x2780;
	[sflag:s29] =	ssyncadd.s32 $0xFFFFD000  }
0x4f: {  	[spmem:s2] =	stream.indirect.scatter.add.f32 [tilespmem:s21], [sflag:$0x3], $0x80, s24, s26, $0xb8;
	[tilespmem:$0x1FF80] =	vst v63  }
0x50: {  	_ =	swait.ge [sflag:s22], $0x3000  }
0x51: {  	[sflag:s22] =	ssyncset.done $0x0  }
0x52: {  	s25 =	simm.s32 $0xC0;
	[sflag:s22] =	ssyncadd.s32 $0xFFFFD000  }
0x53: {  	[tilespmem:s21], [sflag:$0x1] =	stream.indirect.gather [hbm4b:s4+s26], $0x80, s25, s26, $0xb8;
	[tilespmem:$0x1FF80] =	vst v63  }
0x54: {  	_ =	swait.ge [sflag:s30], $0x3000  }
0x55: {  	[sflag:s30] =	ssyncset.done $0x0  }
0x56: {  	s31 =	simm.s32 $0x2800;
	[sflag:s30] =	ssyncadd.s32 $0xFFFFD000  }
0x57: {  	[spmem:s2] =	stream.indirect.scatter.add.f32 [tilespmem:s28], [sflag:$0x3], $0x80, s31, s26, $0xb8;
	[tilespmem:$0x1FF80] =	vst v63  }
0x58: {  	s0 =	simm.s32 $0x180;
	_ =	swait.ge [sflag:s22], $0x3000  }
0x59: {  	s23 =	simm.s32 $0x400;
	s24 =	simm.s32 $0x800;
	[sflag:s22] =	ssyncset.done $0x0  }
.LBB2_2:
0x5a: {  	p1 =	sne.s32 s24, $0xCC00;
	s25 =	sadd.s32 $0xFFFFFFA0, s0;
	[sflag:s22] =	ssyncadd.s32 $0xFFFFD000  }
0x5b: {  	[tilespmem:s28], [sflag:$0x2] =	stream.indirect.gather [hbm4b:s4+s26], $0x80, s25, s26, $0xb8;
	[tilespmem:$0x1FF80] =	vst v63  }
0x5c: {  	s25 =	smov.u32 s24;
	s24 =	sadd.s32 $0x400, s24;
	_ =	swait.ge [sflag:s29], $0x3000  }
0x5d: {  	s31 =	sshra.s32 s23, $0x2;
	s23 =	smov.u32 s25;
	[sflag:s29] =	ssyncset.done $0x0  }
0x5e: {  	s25 =	sadd.s32 $0x2780, s31;
	[sflag:s29] =	ssyncadd.s32 $0xFFFFD000  }
0x5f: {  	[spmem:s2] =	stream.indirect.scatter.add.f32 [tilespmem:s21], [sflag:$0x3], $0x80, s25, s26, $0xb8;
	[tilespmem:$0x1FF80] =	vst v63  }
0x60: {  	_ =	swait.ge [sflag:s22], $0x3000  }
0x61: {  	[sflag:s22] =	ssyncset.done $0x0  }
0x62: {  	[sflag:s22] =	ssyncadd.s32 $0xFFFFD000  }
0x63: {  	[tilespmem:s21], [sflag:$0x1] =	stream.indirect.gather [hbm4b:s4+s26], $0x80, s0, s26, $0xb8;
	[tilespmem:$0x1FF80] =	vst v63  }
0x64: {  	_ =	swait.ge [sflag:s30], $0x3000  }
.Ltmp0:
0x65: {  	[sflag:s30] =	ssyncset.done $0x0;
	(pc) =	sbr.rel @p1 .LBB2_2-.Ltmp0, $4  }
0x66: {  	s25 =	sadd.s32 $0x2800, s31;
	[sflag:s30] =	ssyncadd.s32 $0xFFFFD000  }
0x67: {  	[spmem:s2] =	stream.indirect.scatter.add.f32 [tilespmem:s28], [sflag:$0x3], $0x80, s25, s26, $0xb8;
	[tilespmem:$0x1FF80] =	vst v63  }
0x68: {  	_ =	swait.ge [sflag:s22], $0x3000  }
0x69: {  	s0 =	sadd.s32 $0xC0, s0;
	[sflag:s22] =	ssyncset.done $0x0  }
0x6a: {  	s24 =	sadd.s32 $0xFFFFFFA0, s0;
	[sflag:s22] =	ssyncadd.s32 $0xFFFFD000  }
0x6b: {  	[tilespmem:s28], [sflag:$0x2] =	stream.indirect.gather [hbm4b:s4+s26], $0x80, s24, s26, $0xb8;
	[tilespmem:$0x1FF80] =	vst v63  }
0x6c: {  	_ =	swait.ge [sflag:s29], $0x3000  }
0x6d: {  	s23 =	sshra.s32 s23, $0x2;
	[sflag:s29] =	ssyncset.done $0x0  }
0x6e: {  	s31 =	sadd.s32 $0x2780, s23;
	[sflag:s29] =	ssyncadd.s32 $0xFFFFD000  }
0x6f: {  	[spmem:s2] =	stream.indirect.scatter.add.f32 [tilespmem:s21], [sflag:$0x3], $0x80, s31, s26, $0xb8;
	[tilespmem:$0x1FF80] =	vst v63  }
0x70: {  	_ =	swait.ge [sflag:s22], $0x3000  }
0x71: {  	[sflag:s22] =	ssyncset.done $0x0  }
0x72: {  	[sflag:s22] =	ssyncadd.s32 $0xFFFFD000  }
0x73: {  	[tilespmem:s21], [sflag:$0x1] =	stream.indirect.gather [hbm4b:s4+s26], $0x80, s0, s26, $0xb8;
	[tilespmem:$0x1FF80] =	vst v63  }
0x74: {  	_ =	swait.ge [sflag:s30], $0x3000  }
0x75: {  	[sflag:s30] =	ssyncset.done $0x0  }
0x76: {  	s25 =	sadd.s32 $0x2800, s23;
	[sflag:s30] =	ssyncadd.s32 $0xFFFFD000  }
0x77: {  	[spmem:s2] =	stream.indirect.scatter.add.f32 [tilespmem:s28], [sflag:$0x3], $0x80, s25, s26, $0xb8;
	[tilespmem:$0x1FF80] =	vst v63  }
0x78: {  	_ =	swait.ge [sflag:s22], $0x3000  }
0x79: {  	[sflag:s22] =	ssyncset.done $0x0  }
0x7a: {  	[sflag:s22] =	ssyncadd.s32 $0xFFFFD000  }
0x7b: {  	_ =	swait.ge [sflag:s29], $0x3000  }
0x7c: {  	[sflag:s29] =	ssyncset.done $0x0  }
0x7d: {  	s31 =	simm.s32 $0x5B80;
	[sflag:s29] =	ssyncadd.s32 $0xFFFFD000  }
0x7e: {  	[spmem:s2] =	stream.indirect.scatter.add.f32 [tilespmem:s21], [sflag:$0x3], $0x80, s31, s26, $0xb8;
	[tilespmem:$0x1FF80] =	vst v63  }
0x7f: {  	_ =	swait.ge [sflag:s22], $0x3000  }
0x80: {  	[sflag:s22] =	ssyncset.done $0x0  }
0x81: {  	[sflag:s22] =	ssyncadd.s32 $0xFFFFD000  }
0x82: {  	s23 =	simm.s32 @p0 $0x1FC3;
	s0 =	sshrl.u32 @p0 s6, $0x3;
	[bflag:$0x0] =	sbarrier.arrive $0xFFFF  }
0x83: {  	[hbm:s19], [sflag:s23] =	dma.local @p0 [spmem:s0], $0x1900  }
0x84: {  	s0 =	simm.s32 @p0 $0x3  }
0x85: {  	s1 =	sadd.s32 $0x1, s1;
	s23 =	stileid.u32;
	_ =	swait.ge @p0 [sflag:s0], $0x1900  }
0x86: {  	p1 =	sne.s32 s1, s20;
	s23 =	sshll.u32 @!p0 s23, $0x6;
	[sflag:s0] =	ssyncset.done @p0 $0x0  }
0x87: {  	[sflag:s0] =	ssyncadd.s32 @p0 $0xFFFFE700;
	s0 =	sor.u32 @!p0 $0x1C03, s23;
	s23 =	sshrl.u32 @!p0 s6, $0x3  }
0x88: {  	[hbm:s18], [sflag:s0] =	dma.local @!p0 [spmem:s23], $0x2800  }
.Ltmp1:
0x89: {  	_ = 	snop;
	(pc) =	sbr.rel @p1 .LBB2_1-.Ltmp1, $4  }
0x8a: {  	s0 =	simm.s32 @!p0 $0x3  }
0x8b: {  	_ =	swait.ge @!p0 [sflag:s0], $0x2800  }
0x8c: {  	[sflag:s0] =	ssyncset.done @!p0 $0x0  }
0x8d: {  	[sflag:s0] =	ssyncadd.s32 @!p0 $0xFFFFD800  }
0x8e: {  	_ =	sfence.sel $0x180000  }
0x8f: {  	[bflag:$0x0] =	sbarrier.arrive $0xFFFF  }
0x90: {  	_ =	strace $0x9000004D  }
0x91: {  	s0 =	stileid.u32;
	[bflag:$0x2] =	sbarrier.arrive $0xFFFF  }
0x92: {  	p0 =	sne.s32 s0, $0x0;
	s0 =	rddreg [dreg:$0x2]  }
0x93: {  	s0 =	sadd.s32 @!p0 $0x100000, s0  }
0x94: {  	[sflag:s0] =	ssyncadd.tile.s32 @!p0 $0x1;
	_ =	shalt  }
.Lfunc_end2:
_tile_overlayer_lowered:
.L_overlay_start_2:
0x95: {  	(tag) =	ssettag $0x2  }
0x96: {  	s0 =	rddreg [dreg:$0x0];
	s2 =	stileid.u32  }
0x97: {  	s1 =	rddreg [dreg:$0x1];
	p0 =	sne.s32 s2, $0x0  }
0x98: {  	s3 =	rddreg [dreg:$0x2];
	[bflag:$0x3] =	sbarrier.arrive $0xFFFF;
	s2 =	simm.s32 @!p0 $0x1C03  }
0x99: {  	[timem:s3], [sflag:s2] =	dma.local @!p0 [hbm:s0], s1  }
0x9a: {  	s0 =	simm.s32 @!p0 $0x3  }
0x9b: {  	_ =	swait.ge @!p0 [sflag:s0], s1  }
0x9c: {  	s1 =	ssub.s32 @!p0 $0x0, s1;
	[sflag:s0] =	ssyncset.done @!p0 $0x0  }
0x9d: {  	[sflag:s0] =	ssyncadd.s32 @!p0 s1  }
0x9e: {  	[bflag:$0x3] =	sbarrier.arrive $0xFFFF  }
0x9f: {  	_ =	shalt  }

// kernel: kernel.8.cloned.1.call-start
scs
__scs_entry_jumppad:
0x0: {  	(pc) =	sbr.rel $0x88, $3  }
0x1: {  	(tag) =	ssettag $0x0;
	lr =	simm.s32 $0x1  }
0x2: {  	[smem:$0x3F99] =	sst lr;
	_ =	strace $0xD0000000  }
0x3: {  	_ = 	snop  }
0x4: {  	_ = 	snop  }
0x5: {  	_ = 	snop  }
0x6: {  	_ = 	snop  }
0x7: {  	_ = 	snop  }
__scs_overlays_trampoline_lowered:
0x8: {  	[smem:$0x3FA8] =	sst s0  }
0x9: {  	[smem:$0x3FA9] =	sst s1  }
0xa: {  	[smem:$0x3FAA] =	sst s2  }
0xb: {  	[smem:$0x3FAB] =	sst s3  }
0xc: {  	[smem:$0x3FAC] =	sst s4  }
0xd: {  	[smem:$0x3FAD] =	sst s5  }
0xe: {  	[smem:$0x3FAE] =	sst s6  }
0xf: {  	[smem:$0x3FAF] =	sst s7  }
0x10: {  	[smem:$0x3FB0] =	sst s8  }
0x11: {  	[smem:$0x3FB1] =	sst s9;
	s0 =	simm.s32 @!p0 $0x0  }
0x12: {  	s1 =	sld [smem:$0x3F97];
	s0 =	simm.s32 @p0 $0x1  }
0x13: {  	[smem:$0x3FB2] =	sst s0;
	s0 =	simm.s32 @!p1 $0x0  }
0x14: {  	s2 =	sld [smem:$0x3F96];
	s0 =	simm.s32 @p1 $0x1  }
0x15: {  	[smem:$0x3FB3] =	sst s0;
	s0 =	simm.s32 @!p2 $0x0  }
0x16: {  	s3 =	sld [smem:$0x3FDB];
	s0 =	simm.s32 @p2 $0x1  }
0x17: {  	s4 =	simm.s32 $0x1BF5;
	[smem:$0x3FB5] =	sst s0  }
0x18: {  	s0 =	sld [smem:$0x3F98];
	_ =	swait.ge [sflag:s4], $0x0  }
0x19: {  	s7 =	sld [smem:$0x3F99]  }
0x1a: {  	s8 =	sadd.s32 $0xFFFFE003, lr  }
0x1b: {  	s9 =	sadd.s32 $0xFFFFFEF7, lr;
	s5 =	simm.s32 $0xFFFFFFFF;
	p2 =	slt.u32 s8, $0xFFFFF086  }
0x1c: {  	p1 =	slt.u32 s9, $0xF7A;
	s5 =	simm.s32 @!p2 $0x0  }
0x1d: {  	s5 =	simm.s32 @p1 $0x1;
	p0 =	seq.s32 s7, s2  }
0x1e: {  	s7 =	smul.u32 @!p0 $0xF7A, s2;
	p2 =	seq.s32 @!p0 s5, $0x0  }
0x1f: {  	s9 =	smul.u32 $0xF7A, s1;
	s8 =	simm.s32 @!p0 $0x1BF5;
	p2 =	por !p2, p0  }
0x20: {  	[sflag:s8] =	ssyncset.s32 @!p0 $0xFFFFF086;
	s6 =	sadd.s32 @!p0 s3, s7;
	s7 =	simm.s32 @!p0 $0x108  }
0x21: {  	s3 =	sadd.s32 s3, s9;
	s6 =	sadd.s32 @!p0 $0x88, s6;
	s7 =	simm.s32 @p2 $0x1082  }
0x22: {  	[simem:s7], [sflag:s8] =	dma.local @!p0 [hbm:s6], $0xF7A  }
0x23: {  	s9 =	sor.u32 $0xD0000000, s2;
	s6 =	simm.s32 $0x108;
	_ =	swait.ge @!p0 [sflag:s8], $0x0  }
0x24: {  	s3 =	sadd.s32 $0x88, s3;
	s6 =	simm.s32 @!p1 $0x1082;
	[sflag:s4] =	ssyncset.s32 $0xFFFFF086  }
0x25: {  	[simem:s6], [sflag:s4] =	dma.local [hbm:s3], $0xF7A  }
0x26: {  	[smem:$0x3F99] =	sst s1;
	(tag) =	ssettag s2;
	_ =	strace s9  }
0x27: {  	s1 =	sld [smem:$0x3FA9]  }
0x28: {  	s2 =	sld [smem:$0x3FAA]  }
0x29: {  	s4 =	sld [smem:$0x3FAC]  }
0x2a: {  	p0 =	seq.s32 s5, $0x0;
	s5 =	sld [smem:$0x3FAD]  }
0x2b: {  	s6 =	sld [smem:$0x3FAE]  }
0x2c: {  	s7 =	sld [smem:$0x3FAF]  }
0x2d: {  	s3 =	simm.s32 $0x108;
	s8 =	sld [smem:$0x3FB0]  }
0x2e: {  	s3 =	simm.s32 @!p0 $0x1082;
	s9 =	sld [smem:$0x3FB1]  }
0x2f: {  	lr =	sadd.s32 s0, s3;
	s0 =	sld [smem:$0x3FA8]  }
0x30: {  	s3 =	sld [smem:$0x3FAB]  }
0x31: {  	[smem:$0x3FB4] =	sst s10  }
0x32: {  	s10 =	sld [smem:$0x3FB2];
	_ =	sdelay $0x3  }
0x33: {  	p0 =	seq.s32 s10, $0x1;
	s10 =	sld [smem:$0x3FB4];
	_ =	sdelay $0x3  }
0x34: {  	[smem:$0x3FB4] =	sst s10  }
0x35: {  	s10 =	sld [smem:$0x3FB3];
	_ =	sdelay $0x3  }
0x36: {  	p1 =	seq.s32 s10, $0x1;
	s10 =	sld [smem:$0x3FB4];
	_ =	sdelay $0x3  }
0x37: {  	[smem:$0x3FB4] =	sst s10  }
0x38: {  	s10 =	sld [smem:$0x3FB5]  }
0x39: {  	_ = 	snop;
	(pc) =	sbr.ind lr, $3  }
0x3a: {  	_ = 	snop  }
0x3b: {  	_ = 	snop  }
0x3c: {  	p2 =	seq.s32 s10, $0x1;
	s10 =	sld [smem:$0x3FB4]  }
0x3d: {  	_ =	shalt  }
0x3e: {  	_ =	shalt  }
0x3f: {  	_ =	shalt  }
0x40: {  	_ =	shalt  }
0x41: {  	_ =	shalt  }
0x42: {  	_ =	shalt  }
0x43: {  	_ =	shalt  }
0x44: {  	_ =	shalt  }
0x45: {  	_ =	shalt  }
0x46: {  	_ =	shalt  }
0x47: {  	_ =	shalt  }
0x48: {  	_ =	shalt  }
0x49: {  	_ =	shalt  }
0x4a: {  	_ =	shalt  }
0x4b: {  	_ =	shalt  }
0x4c: {  	_ =	shalt  }
0x4d: {  	_ =	shalt  }
0x4e: {  	_ =	shalt  }
0x4f: {  	_ =	shalt  }
0x50: {  	_ =	shalt  }
0x51: {  	_ =	shalt  }
0x52: {  	_ =	shalt  }
0x53: {  	_ =	shalt  }
0x54: {  	_ =	shalt  }
0x55: {  	_ =	shalt  }
0x56: {  	_ =	shalt  }
0x57: {  	_ =	shalt  }
0x58: {  	_ =	shalt  }
0x59: {  	_ =	shalt  }
0x5a: {  	_ =	shalt  }
0x5b: {  	_ =	shalt  }
0x5c: {  	_ =	shalt  }
0x5d: {  	_ =	shalt  }
0x5e: {  	_ =	shalt  }
0x5f: {  	_ =	shalt  }
0x60: {  	_ =	shalt  }
0x61: {  	_ =	shalt  }
0x62: {  	_ =	shalt  }
0x63: {  	_ =	shalt  }
0x64: {  	_ =	shalt  }
0x65: {  	_ =	shalt  }
0x66: {  	_ =	shalt  }
0x67: {  	_ =	shalt  }
0x68: {  	_ =	shalt  }
0x69: {  	_ =	shalt  }
0x6a: {  	_ =	shalt  }
0x6b: {  	_ =	shalt  }
0x6c: {  	_ =	shalt  }
0x6d: {  	_ =	shalt  }
0x6e: {  	_ =	shalt  }
0x6f: {  	_ =	shalt  }
0x70: {  	_ =	shalt  }
0x71: {  	_ =	shalt  }
0x72: {  	_ =	shalt  }
0x73: {  	_ =	shalt  }
0x74: {  	_ =	shalt  }
0x75: {  	_ =	shalt  }
0x76: {  	_ =	shalt  }
0x77: {  	_ =	shalt  }
0x78: {  	_ =	shalt  }
0x79: {  	_ =	shalt  }
0x7a: {  	_ =	shalt  }
0x7b: {  	_ =	shalt  }
0x7c: {  	_ =	shalt  }
0x7d: {  	_ =	shalt  }
0x7e: {  	_ =	shalt  }
0x7f: {  	_ =	shalt  }
0x80: {  	_ =	shalt  }
0x81: {  	_ =	shalt  }
0x82: {  	_ =	shalt  }
0x83: {  	_ =	shalt  }
0x84: {  	_ =	shalt  }
0x85: {  	_ =	shalt  }
0x86: {  	_ =	shalt  }
0x87: {  	_ =	shalt  }
.Lfunc_end0:
.L_simem_size_0:
called_computation_lowered:
.L_overlay_start_0:
0x88: {  	s2 =	sld [smem:$0x3FD9]  }
0x89: {  	s3 =	sld [smem:$0x3FFE];
	_ =	sdelay $0x1  }
0x8a: {  	s1 =	srdreg.scid  }
0x8b: {  	s0 =	sand.u32 $0x1, s1  }
0x8c: {  	s16 =	sshll.u32 s0, $0xA;
	s2 =	sadd.s32 s3, s2  }
0x8d: {  	s2 =	sadd.s32 s2, s16  }
0x8e: {  	[smem:$0x3FC0] =	sst s2  }
0x8f: {  	_ = 	snop  }
0x90: {  	(tm) =	ssettm $0x1  }
0x91: {  	s17 =	sld [smem:$0x3FFB];
	_ =	sdelay $0x3  }
0x92: {  	_ =	strace s17  }
0x93: {  	s2 =	sld [smem:$0x3FFC];
	_ =	sdelay $0x3  }
0x94: {  	_ =	strace s2  }
0x95: {  	s2 =	sld [smem:$0x3FFD];
	_ =	sdelay $0x3  }
0x96: {  	_ =	strace s2  }
0x97: {  	_ =	strace $0x8FFFFFFF  }
0x98: {  	s18 =	sld [smem:$0x3FDB];
	_ =	sdelay $0x1  }
0x99: {  	s19 =	simm.s32 $_scs_section_size  }
0x9a: {  	s4 =	simm.s32 $_size__tile_overlayer_lowered;
	s5 =	simm.s32 $_tile_overlayer_lowered  }
0x9b: {  	s22 =	simm.s32 $0x1BFF;
	s21 =	sshll.u32 s5, $0x1;
	s2 =	sadd.s32 s19, s18  }
0x9c: {  	s6 =	simm.s32 $0x0;
	s20 =	sshll.u32 s4, $0x1;
	s4 =	sadd.s32 s21, s2  }
0x9d: {  	[timem:s6], [sflag:s22] =	dma.local [hbm:s4], s20  }
0x9e: {  	_ =	swait.ge [sflag:s22], s20  }
0x9f: {  	s3 =	ssub.s32 $0x0, s20;
	[sflag:s22] =	ssyncset.done $0x0  }
0xa0: {  	[sflag:s22] =	ssyncadd.s32 s3;
	_ =	sdelay $0x1  }
0xa1: {  	s23 =	simm.s32 $0x1B8B  }
0xa2: {  	_ =	swait.ge [sflag:s23], $0x1  }
0xa3: {  	[sflag:s23] =	ssyncset.done $0x0  }
0xa4: {  	s25 =	simm.s32 $0x1B8E;
	s24 =	sld [smem:$0x3FFE];
	[sflag:s23] =	ssyncadd.s32 $0xFFFFFFFF  }
0xa5: {  	s26 =	simm.s32 $execute0_lowered;
	[smem:$0x3FD2] =	sst s25  }
0xa6: {  	s4 =	sshll.u32 s26, $0x1;
	_ =	strace $0x80000046;
	[dreg:$0x1] =	wrdreg $0xFFFFFFFF  }
0xa7: {  	s28 =	simm.s32 $_size_execute0_lowered;
	s2 =	sadd.s32 s2, s4;
	[dreg:$0x0] =	wrdreg $0x0  }
0xa8: {  	s4 =	sshll.u32 s28, $0x1;
	[dreg:$0x2] =	wrdreg s2  }
0xa9: {  	[dreg:$0x3] =	wrdreg s4  }
0xaa: {  	[dreg:$0x4] =	wrdreg $0xC0  }
0xab: {  	_ =	task [dreg:s6], $0x5FFFF  }
0xac: {  	[dreg:$0x1] =	wrdreg $0xFFFFFFFF  }
0xad: {  	[dreg:$0x0] =	wrdreg $0x60  }
0xae: {  	[dreg:$0x2] =	wrdreg s24  }
0xaf: {  	[dreg:$0x3] =	wrdreg $0x68000  }
0xb0: {  	[dreg:$0x4] =	wrdreg $0x9  }
0xb1: {  	_ =	task.clear_ibuf [dreg:s6], $0x5FFFF;
	_ =	strace $0x90000046  }
0xb2: {  	s29 =	simm.s32 $0x9;
	_ =	strace $0x80000048  }
0xb3: {  	_ =	swait.ge [sflag:s29], $0x1  }
0xb4: {  	[sflag:s29] =	ssyncadd.s32 $0xFFFFFFFF  }
0xb5: {  	_ =	strace $0x90000048  }
0xb6: {  	_ =	sfence  }
0xb7: {  	s30 =	sld [smem:$0x0];
	_ =	sdelay $0x2  }
0xb8: {  	s31 =	sshll.u32 s1, $0xD;
	s1 =	sshrl.u32 s1, $0x2  }
0xb9: {  	s3 =	sand.u32 $0x4000, s31;
	s1 =	sadd.s32 s1, s30  }
0xba: {  	s0 =	sor.u32 s3, s0;
	s1 =	sshll.u32 s1, $0x11  }
0xbb: {  	s0 =	sor.u32 s1, s0  }
0xbc: {  	s0 =	sadd.s32 $0x8F2B, s0  }
0xbd: {  	[sflag:s0] =	ssyncadd.remote.s32 $0x1  }
0xbe: {  	_ =	sfence.sel $0xFFFF  }
0xbf: {  	[dreg:$0x0] =	wrdreg $0xFFFFFFFF;
	(pc) =	sbr.abs _section_cstart, $3  }
0xc0: {  	[dreg:$0x1] =	wrdreg $0xFFFFFFFF  }
0xc1: {  	_ =	task.clear_ibuf [dreg:s6], $0x2FFFF;
	_ =	strace $0x9FFFFFFF  }
0xc2: {  	(tm) =	ssettm $0x7FFFFFFF  }
0xc3: {  	_ =	shalt  }
tec
execute0_lowered:
.L_overlay_start_1:
0x0: {  	(tag) =	ssettag $0x1  }
0x1: {  	s1 =	srdreg.scid;
	s7 =	rddreg [dreg:$0x0]  }
0x2: {  	s0 =	stileid.u32;
	s2 =	rddreg [dreg:$0x1];
	s3 =	simm.s32 $0x0  }
0x3: {  	s21 =	simm.s32 $0x1;
	s22 =	simm.s32 $0x80;
	s26 =	simm.s32 $0x0  }
0x4: {  	s10 =	sand.u32 $0x1, s1;
	s31 =	sshll.u32 s0, $0x1;
	s1 =	rddreg [dreg:$0x2]  }
0x5: {  	[smem:$0x7FF] =	sst s3;
	s5 =	smul.u32 $0x50000, s0;
	s17 =	sadd.s32 $0xCC00, s7  }
0x6: {  	s20 =	smul.u32 $0x14000, s0;
	p0 =	seq.s32 s0, $0xF;
	s4 =	sor.u32 s10, s31  }
0x7: {  	_ =	strace $0x80000047;
	s8 =	ssub.s32 $0x2, s10;
	s18 =	smul.u32 $0x138800, s10  }
0x8: {  	s24 =	sshll.u32 @!p0 s0, $0x6;
	s4 =	smul.u32 $0x500, s4;
	s6 =	sshrl.u32 s5, $0x2  }
0x9: {  	s5 =	sadd.s32 $0xC000, s7;
	s9 =	sshrl.u32 s8, $0x1;
	s24 =	sor.u32 @!p0 $0x1C01, s24  }
0xa: {  	s6 =	sadd.s32 s6, s2;
	s19 =	ssub.s32 s8, s9;
	s20 =	sadd.s32 s20, s18  }
0xb: {  	s18 =	sshrl.u32 s18, $0x3;
	s16 =	sadd.s32 s4, s7;
	s4 =	sadd.s32 $0xC400, s7  }
0xc: {  	s7 =	sadd.s32 $0x2000, s6;
	s8 =	sadd.s32 $0x4000, s6;
	s9 =	sadd.s32 $0x6000, s6  }
0xd: {  	s10 =	sadd.s32 $0x8000, s6;
	s11 =	sadd.s32 $0xA000, s6;
	s12 =	sadd.s32 $0xC000, s6  }
0xe: {  	s13 =	sadd.s32 $0xE000, s6;
	s14 =	sadd.s32 $0x10000, s6;
	s15 =	sadd.s32 $0x12000, s6  }
0xf: {  	s20 =	sshrl.u32 s20, $0x3;
	s18 =	sadd.s32 s17, s18;
	s19 =	smax.u32 s19, $0x1  }
0x10: {  	s23 =	sshrl.u32 @p0 s6, $0x3;
	s25 =	sshrl.u32 @!p0 s6, $0x3;
	s16 =	sadd.s32 $0x2000, s16  }
0x11: {  	s17 =	sadd.s32 s17, s20;
	s18 =	sadd.s32 $0x25800, s18;
	s20 =	simm.s32 $0x2800  }
.LBB2_1:
0x12: {  	[tilespmem:s20], [sflag:$0x1] =	stream.linear.gather [hbm4b:s5+s3], $0x2000, $0x38;
	[tilespmem:$0x1A800] =	vst v63  }
0x13: {  	_ =	swait.ge [sflag:s21], $0x2000  }
0x14: {  	[sflag:s21] =	ssyncset.done $0x0  }
0x15: {  	[sflag:s21] =	ssyncadd.s32 $0xFFFFE000  }
0x16: {  	[spmem:s6] =	stream.linear.scatter [tilespmem:s20], [sflag:$0x1], $0x2000, $0x38;
	[tilespmem:$0x1A800] =	vst v63  }
0x17: {  	_ =	swait.ge [sflag:s21], $0x2000  }
0x18: {  	[sflag:s21] =	ssyncset.done $0x0  }
0x19: {  	[sflag:s21] =	ssyncadd.s32 $0xFFFFE000  }
0x1a: {  	[spmem:s7] =	stream.linear.scatter [tilespmem:s20], [sflag:$0x1], $0x2000, $0x38;
	[tilespmem:$0x1A800] =	vst v63  }
0x1b: {  	_ =	swait.ge [sflag:s21], $0x2000  }
0x1c: {  	[sflag:s21] =	ssyncset.done $0x0  }
0x1d: {  	[sflag:s21] =	ssyncadd.s32 $0xFFFFE000  }
0x1e: {  	[spmem:s8] =	stream.linear.scatter [tilespmem:s20], [sflag:$0x1], $0x2000, $0x38;
	[tilespmem:$0x1A800] =	vst v63  }
0x1f: {  	_ =	swait.ge [sflag:s21], $0x2000  }
0x20: {  	[sflag:s21] =	ssyncset.done $0x0  }
0x21: {  	[sflag:s21] =	ssyncadd.s32 $0xFFFFE000  }
0x22: {  	[spmem:s9] =	stream.linear.scatter [tilespmem:s20], [sflag:$0x1], $0x2000, $0x38;
	[tilespmem:$0x1A800] =	vst v63  }
0x23: {  	_ =	swait.ge [sflag:s21], $0x2000  }
0x24: {  	[sflag:s21] =	ssyncset.done $0x0  }
0x25: {  	[sflag:s21] =	ssyncadd.s32 $0xFFFFE000  }
0x26: {  	[spmem:s10] =	stream.linear.scatter [tilespmem:s20], [sflag:$0x1], $0x2000, $0x38;
	[tilespmem:$0x1A800] =	vst v63  }
0x27: {  	_ =	swait.ge [sflag:s21], $0x2000  }
0x28: {  	[sflag:s21] =	ssyncset.done $0x0  }
0x29: {  	[sflag:s21] =	ssyncadd.s32 $0xFFFFE000  }
0x2a: {  	[spmem:s11] =	stream.linear.scatter [tilespmem:s20], [sflag:$0x1], $0x2000, $0x38;
	[tilespmem:$0x1A800] =	vst v63  }
0x2b: {  	_ =	swait.ge [sflag:s21], $0x2000  }
0x2c: {  	[sflag:s21] =	ssyncset.done $0x0  }
0x2d: {  	[sflag:s21] =	ssyncadd.s32 $0xFFFFE000  }
0x2e: {  	[spmem:s12] =	stream.linear.scatter [tilespmem:s20], [sflag:$0x1], $0x2000, $0x38;
	[tilespmem:$0x1A800] =	vst v63  }
0x2f: {  	_ =	swait.ge [sflag:s21], $0x2000  }
0x30: {  	[sflag:s21] =	ssyncset.done $0x0  }
0x31: {  	[sflag:s21] =	ssyncadd.s32 $0xFFFFE000  }
0x32: {  	[spmem:s13] =	stream.linear.scatter [tilespmem:s20], [sflag:$0x1], $0x2000, $0x38;
	[tilespmem:$0x1A800] =	vst v63  }
0x33: {  	_ =	swait.ge [sflag:s21], $0x2000  }
0x34: {  	[sflag:s21] =	ssyncset.done $0x0  }
0x35: {  	[sflag:s21] =	ssyncadd.s32 $0xFFFFE000  }
0x36: {  	[spmem:s14] =	stream.linear.scatter [tilespmem:s20], [sflag:$0x1], $0x2000, $0x38;
	[tilespmem:$0x1A800] =	vst v63  }
0x37: {  	_ =	swait.ge [sflag:s21], $0x2000  }
0x38: {  	[sflag:s21] =	ssyncset.done $0x0  }
0x39: {  	[sflag:s21] =	ssyncadd.s32 $0xFFFFE000  }
0x3a: {  	[spmem:s15] =	stream.linear.scatter [tilespmem:s20], [sflag:$0x1], $0x2000, $0x38;
	[tilespmem:$0x1A800] =	vst v63  }
0x3b: {  	_ =	swait.ge [sflag:s21], $0x2000  }
0x3c: {  	[sflag:s21] =	ssyncset.done $0x0  }
0x3d: {  	[sflag:s21] =	ssyncadd.s32 $0xFFFFE000  }
0x3e: {  	[tilespmem:s20], [sflag:$0x1] =	stream.linear.gather [hbm4b:s4+s3], $0x4000, $0x38;
	[tilespmem:$0x1A800] =	vst v63  }
0x3f: {  	_ =	swait.ge [sflag:s21], $0x4000  }
0x40: {  	[sflag:s21] =	ssyncset.done $0x0  }
0x41: {  	[sflag:s21] =	ssyncadd.s32 $0xFFFFC000  }
0x42: {  	[tilespmem:s3], [sflag:$0x1] =	stream.linear.gather [hbm4b:s16+s3], $0x2780, $0x38;
	[tilespmem:$0x1A800] =	vst v63  }
0x43: {  	_ =	swait.ge [sflag:s21], $0x2780  }
0x44: {  	[sflag:s21] =	ssyncset.done $0x0  }
0x45: {  	[sflag:s21] =	ssyncadd.s32 $0xFFFFD880  }
0x46: {  	s28 =	simm.s32 $0x0;
	[bflag:$0x0] =	sbarrier.arrive $0xFFFF  }
0x47: {  	[spmem:s2] =	stream.indirect.scatter.add.f32 [tilespmem:s20], [sflag:$0x1], $0x80, s28, s22, $0xb8;
	[tilespmem:$0x1A800] =	vst v63  }
0x48: {  	_ =	swait.ge [sflag:s21], $0x4000  }
0x49: {  	s28 =	simm.s32 $0x200;
	[sflag:s21] =	ssyncset.done $0x0  }
.LBB2_2:
0x4a: {  	s29 =	sshra.s32 s28, $0x2;
	[sflag:s21] =	ssyncadd.s32 $0xFFFFC000;
	p1 =	sne.s32 s28, $0x9C00  }
0x4b: {  	[spmem:s2] =	stream.indirect.scatter.add.f32 [tilespmem:s20], [sflag:$0x1], $0x80, s29, s22, $0xb8;
	[tilespmem:$0x1A800] =	vst v63  }
.Ltmp0:
0x4c: {  	_ = 	snop;
	(pc) =	sbr.rel @p1 .LBB2_2-.Ltmp0, $4  }
0x4d: {  	_ = 	snop  }
0x4e: {  	s28 =	sadd.s32 $0x200, s28  }
0x4f: {  	_ =	swait.ge [sflag:s21], $0x4000  }
0x50: {  	[sflag:s21] =	ssyncset.done $0x0  }
0x51: {  	[sflag:s21] =	ssyncadd.s32 $0xFFFFC000  }
0x52: {  	s28 =	simm.s32 @p0 $0x1FC1;
	[bflag:$0x0] =	sbarrier.arrive $0xFFFF  }
0x53: {  	[hbm:s18], [sflag:s28] =	dma.local @p0 [spmem:s23], $0x1900  }
0x54: {  	s28 =	simm.s32 @p0 $0x1  }
0x55: {  	s26 =	sadd.s32 $0x1, s26;
	_ =	swait.ge @p0 [sflag:s28], $0x1900  }
0x56: {  	p1 =	sne.s32 s26, s19;
	[sflag:s28] =	ssyncset.done @p0 $0x0  }
.Ltmp1:
0x57: {  	[sflag:s28] =	ssyncadd.s32 @p0 $0xFFFFE700;
	s28 =	simm.s32 @!p0 $0x1;
	(pc) =	sbr.rel @p1 .LBB2_1-.Ltmp1, $4  }
0x58: {  	[hbm:s17], [sflag:s24] =	dma.local @!p0 [spmem:s25], $0x2800  }
0x59: {  	_ =	swait.ge @!p0 [sflag:s28], $0x2800  }
0x5a: {  	[sflag:s28] =	ssyncset.done @!p0 $0x0  }
0x5b: {  	[sflag:s28] =	ssyncadd.s32 @!p0 $0xFFFFD800  }
0x5c: {  	_ =	sfence.sel $0x180000  }
0x5d: {  	[bflag:$0x0] =	sbarrier.arrive $0xFFFF  }
0x5e: {  	p0 =	sne.s32 s0, $0x0;
	_ =	strace $0x90000047  }
0x5f: {  	s0 =	sadd.s32 @!p0 $0x100000, s1;
	[bflag:$0x2] =	sbarrier.arrive $0xFFFF  }
0x60: {  	[sflag:s0] =	ssyncadd.tile.s32 @!p0 $0x1;
	_ =	shalt  }
.Lfunc_end2:
_tile_overlayer_lowered:
.L_overlay_start_2:
0x61: {  	(tag) =	ssettag $0x2  }
0x62: {  	s0 =	rddreg [dreg:$0x0];
	s2 =	stileid.u32  }
0x63: {  	s1 =	rddreg [dreg:$0x1];
	p0 =	sne.s32 s2, $0x0  }
0x64: {  	s3 =	rddreg [dreg:$0x2];
	[bflag:$0x3] =	sbarrier.arrive $0xFFFF;
	s2 =	simm.s32 @!p0 $0x1C01  }
0x65: {  	[timem:s3], [sflag:s2] =	dma.local @!p0 [hbm:s0], s1  }
0x66: {  	s0 =	simm.s32 @!p0 $0x1  }
0x67: {  	_ =	swait.ge @!p0 [sflag:s0], s1  }
0x68: {  	s1 =	ssub.s32 @!p0 $0x0, s1;
	[sflag:s0] =	ssyncset.done @!p0 $0x0  }
0x69: {  	[sflag:s0] =	ssyncadd.s32 @!p0 s1  }
0x6a: {  	[bflag:$0x3] =	sbarrier.arrive $0xFFFF  }
0x6b: {  	_ =	shalt  }

</sc_bundles>
